<compile_context>
chip_gen: v7x
topology: tpu7x:2x2x1
jax: 0.10.2.dev20260603
libtpu: 0.0.44.dev20260713+nightly
codegen_flags: <defaults>
</compile_context>

<pallas_src>
import functools

import jax
import jax.numpy as jnp
from jax import lax
from jax.experimental import pallas as pl
from jax.experimental.pallas import tpu as pltpu
from jax.experimental.pallas import tpu_sc as plsc

_NUM_CORES = 2
_NUM_SUBCORES = 16
_NW = _NUM_CORES * _NUM_SUBCORES
_LANES = 16
_NSLOT = 8


def _make_sc_pool(B, L, EMB, group):
    assert B % (_NW * _NSLOT * group) == 0 and EMB % _LANES == 0
    assert group * L <= 128
    bpw = B // _NW
    gpw = bpw // group
    gl = group * L
    inv_l = 1.0 / float(L)
    nvec = EMB // _LANES
    mesh = plsc.VectorSubcoreMesh(core_axis_name="c", subcore_axis_name="s")

    @functools.partial(
        pl.kernel,
        out_type=jax.ShapeDtypeStruct((B, EMB), jnp.float32),
        mesh=mesh,
        scratch_types=[
            pltpu.VMEM((gpw, gl), jnp.int32),
            pltpu.VMEM((bpw, EMB), jnp.float32),
        ]
        + [pltpu.VMEM((gl, EMB), jnp.float32) for _ in range(_NSLOT)]
        + [pltpu.SemaphoreType.DMA for _ in range(_NSLOT)],
    )
    def sc_pool(text_hbm, table_hbm, out_hbm, idx_v, out_v, *bufsems):
        bufs = bufsems[:_NSLOT]
        sems = bufsems[_NSLOT:]
        wid = lax.axis_index("c") * _NUM_SUBCORES + lax.axis_index("s")
        pltpu.sync_copy(text_hbm.at[pl.ds(wid * gpw, gpw)], idx_v)

        def accumulate(buf, g):
            for e in range(group):
                init = tuple(
                    buf[e * L, pl.ds(cb * _LANES, _LANES)] for cb in range(nvec)
                )

                @plsc.parallel_loop(1, L, step=1, unroll=4, carry=init)
                def accs(r, acc):
                    return tuple(
                        acc[cb] + buf[e * L + r, pl.ds(cb * _LANES, _LANES)]
                        for cb in range(nvec)
                    )

                for cb in range(nvec):
                    out_v[g * group + e, pl.ds(cb * _LANES, _LANES)] = (
                        accs[cb] * inv_l
                    )

        for k in range(_NSLOT - 1):
            pltpu.async_copy(table_hbm.at[idx_v.at[k]], bufs[k], sems[k])

        @pl.loop(0, gpw, step=_NSLOT)
        def _(j):
            for k in range(_NSLOT):
                g = j + k
                pltpu.make_async_copy(
                    table_hbm.at[idx_v.at[g]], bufs[k], sems[k]
                ).wait()

                @pl.when(g + _NSLOT - 1 < gpw)
                def _():
                    kk = (k + _NSLOT - 1) % _NSLOT
                    pltpu.async_copy(
                        table_hbm.at[idx_v.at[g + _NSLOT - 1]], bufs[kk], sems[kk]
                    )

                accumulate(bufs[k], g)

        pltpu.sync_copy(out_v, out_hbm.at[pl.ds(wid * bpw, bpw)])

    return sc_pool


def _mm_body(p_ref, w_ref, b_ref, o_ref):
    o_ref[...] = (
        lax.dot_general(
            p_ref[...],
            w_ref[...],
            (((1,), (1,)), ((), ())),
            preferred_element_type=jnp.float32,
        )
        + b_ref[...]
    )


def _make_tc_matmul(B, EMB, OUT, bm, bn):
    grid = (B // bm, pl.cdiv(OUT, bn))
    return pl.pallas_call(
        _mm_body,
        grid=grid,
        in_specs=[
            pl.BlockSpec((bm, EMB), lambda i, j: (i, 0)),
            pl.BlockSpec((bn, EMB), lambda i, j: (j, 0)),
            pl.BlockSpec((1, bn), lambda i, j: (0, j)),
        ],
        out_specs=pl.BlockSpec((bm, bn), lambda i, j: (i, j)),
        out_shape=jax.ShapeDtypeStruct((B, OUT), jnp.float32),
        compiler_params=pltpu.CompilerParams(
            dimension_semantics=("parallel", "parallel"),
        ),
    )


def kernel(text_batch, table, W, b):
    B, L = text_batch.shape
    EMB = table.shape[1]
    OUT = W.shape[0]
    group = 1
    text2 = text_batch.astype(jnp.int32).reshape(B // group, group * L)
    pooled = _make_sc_pool(B, L, EMB, group)(text2, table)
    logits = _make_tc_matmul(B, EMB, OUT, 2048, 2048)(pooled, W, b.reshape(1, OUT))
    return logits

# --- scband reference (transcript-rebuilt; emitter-appended) ---
"""Pipeline reference for scband-simpler-nbo-wclassifier-62148176773452 (READ-ONLY COPY).

The authoritative reference and input builder live on the scoring server;
editing this copy changes nothing except your own understanding.
"""

import jax, jax.numpy as jnp
import numpy as np

VOCAB = 100000
EMB = 128
OUT = 10000
PAD = 0
B = 4096
L = 50

def setup_inputs(seed: int = 0) -> dict:
    key = jax.random.key(seed)
    k1, k2, k3 = jax.random.split(key, 3)
    text_batch = jax.random.randint(k1, (B, L), 0, VOCAB, dtype=jnp.int64 if jax.config.jax_enable_x64 else jnp.int32)
    table = jax.random.normal(k2, (VOCAB, EMB), dtype=jnp.float32)
    # nn.Embedding with padding_idx zero-initializes that row
    table = table.at[PAD].set(0.0)
    W = jax.random.normal(k3, (OUT, EMB), dtype=jnp.float32) * 0.02
    b = jnp.zeros((OUT,), dtype=jnp.float32)
    return {"text_batch": text_batch, "table": table, "W": W, "b": b}

def reference(text_batch, table, W, b):
    # embedding lookup
    embedded = jnp.take(table, text_batch, axis=0)          # [B, L, EMB]
    averaged_embeddings = jnp.mean(embedded, axis=1)        # [B, EMB]
    logits = averaged_embeddings @ W.T + b                  # [B, OUT]
    return logits

if __name__ == "__main__":
    import jax
    _d = setup_inputs()
    print(jax.jit(kernel)(*tuple(_d.values())))

</pallas_src>

<mosaic_0001>
#map = affine_map<(d0, d1) -> (0, 0)>
module attributes {stable_mosaic.version = 14 : i64} {
  func.func @sc_pool(%arg0: i32, %arg1: i32, %arg2: memref<4096x50xi32, #tpu.memory_space<hbm>>, %arg3: memref<100000x128xf32, #tpu.memory_space<hbm>>, %arg4: memref<4096x128xf32, #tpu.memory_space<hbm>>, %arg5: memref<128x50xi32, #tpu.memory_space<vmem>>, %arg6: memref<128x128xf32, #tpu.memory_space<vmem>>, %arg7: memref<50x128xf32, #tpu.memory_space<vmem>>, %arg8: memref<50x128xf32, #tpu.memory_space<vmem>>, %arg9: memref<50x128xf32, #tpu.memory_space<vmem>>, %arg10: memref<50x128xf32, #tpu.memory_space<vmem>>, %arg11: memref<50x128xf32, #tpu.memory_space<vmem>>, %arg12: memref<50x128xf32, #tpu.memory_space<vmem>>, %arg13: memref<50x128xf32, #tpu.memory_space<vmem>>, %arg14: memref<50x128xf32, #tpu.memory_space<vmem>>, %arg15: memref<!tpu.dma_semaphore, #tpu.memory_space<semaphore_mem>>, %arg16: memref<!tpu.dma_semaphore, #tpu.memory_space<semaphore_mem>>, %arg17: memref<!tpu.dma_semaphore, #tpu.memory_space<semaphore_mem>>, %arg18: memref<!tpu.dma_semaphore, #tpu.memory_space<semaphore_mem>>, %arg19: memref<!tpu.dma_semaphore, #tpu.memory_space<semaphore_mem>>, %arg20: memref<!tpu.dma_semaphore, #tpu.memory_space<semaphore_mem>>, %arg21: memref<!tpu.dma_semaphore, #tpu.memory_space<semaphore_mem>>, %arg22: memref<!tpu.dma_semaphore, #tpu.memory_space<semaphore_mem>>) attributes {dimension_semantics = [#tpu.dimension_semantics<core_parallel>, #tpu.dimension_semantics<subcore_parallel>], iteration_bounds = array<i64: 2, 16>, scalar_prefetch = 0 : i64, scratch_operands = 18 : i64, tpu.core_type = #tpu.core_type<sc_vector_subcore>, window_params = [{transform_indices = #map}, {transform_indices = #map}, {transform_indices = #map}]} {
    %mul3A = arith.constant 16 : i32
    %mul3A_0 = arith.muli %arg0, %mul3A : i32
    %add3A = arith.addi %mul3A_0, %arg1 : i32
    %mul3A_1 = arith.constant 128 : i32
    %mul3A_2 = arith.muli %add3A, %mul3A_1 : i32
    "tpu.region"() ({
      %run_scoped3A = tpu.sem_alloc : memref<!tpu.dma_semaphore, #tpu.memory_space<semaphore_mem>>
      %dma_start3A_57 = arith.constant 0 : i32
      %dma_start3A_58 = tpu.memref_slice %arg2[%mul3A_2, %dma_start3A_57] : memref<4096x50xi32, #tpu.memory_space<hbm>> -> memref<128x50xi32, #tpu.memory_space<hbm>>
      %dma_start3A_59 = arith.constant 0 : i32
      %dma_start3A_60 = tpu.memref_slice %arg2[%mul3A_2, %dma_start3A_59] : memref<4096x50xi32, #tpu.memory_space<hbm>> -> memref<128x50xi32, #tpu.memory_space<hbm>>
      tpu.enqueue_dma source(%dma_start3A_60 : memref<128x50xi32, #tpu.memory_space<hbm>>) target(%arg5 : memref<128x50xi32, #tpu.memory_space<vmem>>) target_semaphore(%run_scoped3A : memref<!tpu.dma_semaphore, #tpu.memory_space<semaphore_mem>>)
      %dma_wait3A = arith.constant 0 : i32
      %dma_wait3A_61 = tpu.memref_slice %arg2[%mul3A_2, %dma_wait3A] : memref<4096x50xi32, #tpu.memory_space<hbm>> -> memref<128x50xi32, #tpu.memory_space<hbm>>
      %dma_wait3A_62 = arith.constant 0 : i32
      %dma_wait3A_63 = tpu.memref_slice %arg2[%mul3A_2, %dma_wait3A_62] : memref<4096x50xi32, #tpu.memory_space<hbm>> -> memref<128x50xi32, #tpu.memory_space<hbm>>
      tpu.wait_dma2 semaphore(%run_scoped3A : memref<!tpu.dma_semaphore, #tpu.memory_space<semaphore_mem>>) src(%dma_wait3A_63 : memref<128x50xi32, #tpu.memory_space<hbm>>) dst(%arg5 : memref<128x50xi32, #tpu.memory_space<vmem>>)
      tpu.yield
    }) : () -> ()
    %dma_start3A = arith.constant 0 : i32
    %dma_start3A_3 = arith.constant 0 : i32
    %dma_start3A_4 = tpu.memref_slice %arg5[%dma_start3A, %dma_start3A_3] : memref<128x50xi32, #tpu.memory_space<vmem>> -> memref<1x50xi32, #tpu.memory_space<vmem>>
    %dma_start3A_5 = tpu.memref_squeeze %dma_start3A_4 : memref<1x50xi32, #tpu.memory_space<vmem>> -> memref<50xi32, #tpu.memory_space<vmem>>
    %dma_start3A_6 = arith.constant 0 : i32
    %dma_start3A_7 = arith.constant 0 : i32
    %dma_start3A_8 = tpu.memref_slice %arg3[%dma_start3A_6, %dma_start3A_7] : memref<100000x128xf32, #tpu.memory_space<hbm>> -> memref<100000x128xf32, #tpu.memory_space<hbm>>
    tpu.enqueue_indirect_dma source(%dma_start3A_8 : memref<100000x128xf32, #tpu.memory_space<hbm>>) target(%arg7 : memref<50x128xf32, #tpu.memory_space<vmem>>) offsets(%dma_start3A_5 : memref<50xi32, #tpu.memory_space<vmem>>) semaphore(%arg15 : memref<!tpu.dma_semaphore, #tpu.memory_space<semaphore_mem>>)
    %dma_start3A_9 = arith.constant 1 : i32
    %dma_start3A_10 = arith.constant 0 : i32
    %dma_start3A_11 = tpu.memref_slice %arg5[%dma_start3A_9, %dma_start3A_10] : memref<128x50xi32, #tpu.memory_space<vmem>> -> memref<1x50xi32, #tpu.memory_space<vmem>>
    %dma_start3A_12 = tpu.memref_squeeze %dma_start3A_11 : memref<1x50xi32, #tpu.memory_space<vmem>> -> memref<50xi32, #tpu.memory_space<vmem>>
    %dma_start3A_13 = arith.constant 0 : i32
    %dma_start3A_14 = arith.constant 0 : i32
    %dma_start3A_15 = tpu.memref_slice %arg3[%dma_start3A_13, %dma_start3A_14] : memref<100000x128xf32, #tpu.memory_space<hbm>> -> memref<100000x128xf32, #tpu.memory_space<hbm>>
    tpu.enqueue_indirect_dma source(%dma_start3A_15 : memref<100000x128xf32, #tpu.memory_space<hbm>>) target(%arg8 : memref<50x128xf32, #tpu.memory_space<vmem>>) offsets(%dma_start3A_12 : memref<50xi32, #tpu.memory_space<vmem>>) semaphore(%arg16 : memref<!tpu.dma_semaphore, #tpu.memory_space<semaphore_mem>>)
    %dma_start3A_16 = arith.constant 2 : i32
    %dma_start3A_17 = arith.constant 0 : i32
    %dma_start3A_18 = tpu.memref_slice %arg5[%dma_start3A_16, %dma_start3A_17] : memref<128x50xi32, #tpu.memory_space<vmem>> -> memref<1x50xi32, #tpu.memory_space<vmem>>
    %dma_start3A_19 = tpu.memref_squeeze %dma_start3A_18 : memref<1x50xi32, #tpu.memory_space<vmem>> -> memref<50xi32, #tpu.memory_space<vmem>>
    %dma_start3A_20 = arith.constant 0 : i32
    %dma_start3A_21 = arith.constant 0 : i32
    %dma_start3A_22 = tpu.memref_slice %arg3[%dma_start3A_20, %dma_start3A_21] : memref<100000x128xf32, #tpu.memory_space<hbm>> -> memref<100000x128xf32, #tpu.memory_space<hbm>>
    tpu.enqueue_indirect_dma source(%dma_start3A_22 : memref<100000x128xf32, #tpu.memory_space<hbm>>) target(%arg9 : memref<50x128xf32, #tpu.memory_space<vmem>>) offsets(%dma_start3A_19 : memref<50xi32, #tpu.memory_space<vmem>>) semaphore(%arg17 : memref<!tpu.dma_semaphore, #tpu.memory_space<semaphore_mem>>)
    %dma_start3A_23 = arith.constant 3 : i32
    %dma_start3A_24 = arith.constant 0 : i32
    %dma_start3A_25 = tpu.memref_slice %arg5[%dma_start3A_23, %dma_start3A_24] : memref<128x50xi32, #tpu.memory_space<vmem>> -> memref<1x50xi32, #tpu.memory_space<vmem>>
    %dma_start3A_26 = tpu.memref_squeeze %dma_start3A_25 : memref<1x50xi32, #tpu.memory_space<vmem>> -> memref<50xi32, #tpu.memory_space<vmem>>
    %dma_start3A_27 = arith.constant 0 : i32
    %dma_start3A_28 = arith.constant 0 : i32
    %dma_start3A_29 = tpu.memref_slice %arg3[%dma_start3A_27, %dma_start3A_28] : memref<100000x128xf32, #tpu.memory_space<hbm>> -> memref<100000x128xf32, #tpu.memory_space<hbm>>
    tpu.enqueue_indirect_dma source(%dma_start3A_29 : memref<100000x128xf32, #tpu.memory_space<hbm>>) target(%arg10 : memref<50x128xf32, #tpu.memory_space<vmem>>) offsets(%dma_start3A_26 : memref<50xi32, #tpu.memory_space<vmem>>) semaphore(%arg18 : memref<!tpu.dma_semaphore, #tpu.memory_space<semaphore_mem>>)
    %dma_start3A_30 = arith.constant 4 : i32
    %dma_start3A_31 = arith.constant 0 : i32
    %dma_start3A_32 = tpu.memref_slice %arg5[%dma_start3A_30, %dma_start3A_31] : memref<128x50xi32, #tpu.memory_space<vmem>> -> memref<1x50xi32, #tpu.memory_space<vmem>>
    %dma_start3A_33 = tpu.memref_squeeze %dma_start3A_32 : memref<1x50xi32, #tpu.memory_space<vmem>> -> memref<50xi32, #tpu.memory_space<vmem>>
    %dma_start3A_34 = arith.constant 0 : i32
    %dma_start3A_35 = arith.constant 0 : i32
    %dma_start3A_36 = tpu.memref_slice %arg3[%dma_start3A_34, %dma_start3A_35] : memref<100000x128xf32, #tpu.memory_space<hbm>> -> memref<100000x128xf32, #tpu.memory_space<hbm>>
    tpu.enqueue_indirect_dma source(%dma_start3A_36 : memref<100000x128xf32, #tpu.memory_space<hbm>>) target(%arg11 : memref<50x128xf32, #tpu.memory_space<vmem>>) offsets(%dma_start3A_33 : memref<50xi32, #tpu.memory_space<vmem>>) semaphore(%arg19 : memref<!tpu.dma_semaphore, #tpu.memory_space<semaphore_mem>>)
    %dma_start3A_37 = arith.constant 5 : i32
    %dma_start3A_38 = arith.constant 0 : i32
    %dma_start3A_39 = tpu.memref_slice %arg5[%dma_start3A_37, %dma_start3A_38] : memref<128x50xi32, #tpu.memory_space<vmem>> -> memref<1x50xi32, #tpu.memory_space<vmem>>
    %dma_start3A_40 = tpu.memref_squeeze %dma_start3A_39 : memref<1x50xi32, #tpu.memory_space<vmem>> -> memref<50xi32, #tpu.memory_space<vmem>>
    %dma_start3A_41 = arith.constant 0 : i32
    %dma_start3A_42 = arith.constant 0 : i32
    %dma_start3A_43 = tpu.memref_slice %arg3[%dma_start3A_41, %dma_start3A_42] : memref<100000x128xf32, #tpu.memory_space<hbm>> -> memref<100000x128xf32, #tpu.memory_space<hbm>>
    tpu.enqueue_indirect_dma source(%dma_start3A_43 : memref<100000x128xf32, #tpu.memory_space<hbm>>) target(%arg12 : memref<50x128xf32, #tpu.memory_space<vmem>>) offsets(%dma_start3A_40 : memref<50xi32, #tpu.memory_space<vmem>>) semaphore(%arg20 : memref<!tpu.dma_semaphore, #tpu.memory_space<semaphore_mem>>)
    %dma_start3A_44 = arith.constant 6 : i32
    %dma_start3A_45 = arith.constant 0 : i32
    %dma_start3A_46 = tpu.memref_slice %arg5[%dma_start3A_44, %dma_start3A_45] : memref<128x50xi32, #tpu.memory_space<vmem>> -> memref<1x50xi32, #tpu.memory_space<vmem>>
    %dma_start3A_47 = tpu.memref_squeeze %dma_start3A_46 : memref<1x50xi32, #tpu.memory_space<vmem>> -> memref<50xi32, #tpu.memory_space<vmem>>
    %dma_start3A_48 = arith.constant 0 : i32
    %dma_start3A_49 = arith.constant 0 : i32
    %dma_start3A_50 = tpu.memref_slice %arg3[%dma_start3A_48, %dma_start3A_49] : memref<100000x128xf32, #tpu.memory_space<hbm>> -> memref<100000x128xf32, #tpu.memory_space<hbm>>
    tpu.enqueue_indirect_dma source(%dma_start3A_50 : memref<100000x128xf32, #tpu.memory_space<hbm>>) target(%arg13 : memref<50x128xf32, #tpu.memory_space<vmem>>) offsets(%dma_start3A_47 : memref<50xi32, #tpu.memory_space<vmem>>) semaphore(%arg21 : memref<!tpu.dma_semaphore, #tpu.memory_space<semaphore_mem>>)
    %scan3A = arith.constant 0 : i32
    %scan3A_51 = arith.constant 16 : i32
    %scan3A_52 = arith.addi %scan3A, %scan3A_51 : i32
    %scan3A_53 = arith.constant 1 : i32
    scf.for %scan3A_57 = %scan3A to %scan3A_52 step %scan3A_53  : i32 {
      %mul3A_58 = arith.constant 8 : i32
      %mul3A_59 = arith.muli %scan3A_57, %mul3A_58 : i32
      %add3A_60 = arith.constant 0 : i32
      %add3A_61 = arith.addi %add3A_60, %mul3A_59 : i32
      %add3A_62 = arith.constant 0 : i32
      %add3A_63 = arith.addi %add3A_61, %add3A_62 : i32
      %dma_wait3A = arith.constant 0 : i32
      %dma_wait3A_64 = tpu.memref_slice %arg5[%add3A_63, %dma_wait3A] : memref<128x50xi32, #tpu.memory_space<vmem>> -> memref<1x50xi32, #tpu.memory_space<vmem>>
      %dma_wait3A_65 = tpu.memref_squeeze %dma_wait3A_64 : memref<1x50xi32, #tpu.memory_space<vmem>> -> memref<50xi32, #tpu.memory_space<vmem>>
      %dma_wait3A_66 = arith.constant 0 : i32
      %dma_wait3A_67 = arith.constant 0 : i32
      %dma_wait3A_68 = tpu.memref_slice %arg3[%dma_wait3A_66, %dma_wait3A_67] : memref<100000x128xf32, #tpu.memory_space<hbm>> -> memref<100000x128xf32, #tpu.memory_space<hbm>>
      tpu.wait_indirect_dma semaphore(%arg15 : memref<!tpu.dma_semaphore, #tpu.memory_space<semaphore_mem>>) src(%dma_wait3A_68 : memref<100000x128xf32, #tpu.memory_space<hbm>>) dst(%arg7 : memref<50x128xf32, #tpu.memory_space<vmem>>)
      %add3A_69 = arith.constant 8 : i32
      %add3A_70 = arith.addi %add3A_63, %add3A_69 : i32
      %sub3A = arith.constant 1 : i32
      %sub3A_71 = arith.subi %add3A_70, %sub3A : i32
      %lt3A = arith.constant 128 : i32
      %lt3A_72 = arith.cmpi slt, %sub3A_71, %lt3A : i32
      %convert_element_type3A = arith.extui %lt3A_72 : i1 to i32
      %cond3A = arith.constant 0 : i32
      %cond3A_73 = arith.cmpi ne, %convert_element_type3A, %cond3A : i32
      scf.if %cond3A_73 {
        %add3A_1310 = arith.constant 8 : i32
        %add3A_1311 = arith.addi %add3A_63, %add3A_1310 : i32
        %sub3A_1312 = arith.constant 1 : i32
        %sub3A_1313 = arith.subi %add3A_1311, %sub3A_1312 : i32
        %dma_start3A_1314 = arith.constant 0 : i32
        %dma_start3A_1315 = tpu.memref_slice %arg5[%sub3A_1313, %dma_start3A_1314] : memref<128x50xi32, #tpu.memory_space<vmem>> -> memref<1x50xi32, #tpu.memory_space<vmem>>
        %dma_start3A_1316 = tpu.memref_squeeze %dma_start3A_1315 : memref<1x50xi32, #tpu.memory_space<vmem>> -> memref<50xi32, #tpu.memory_space<vmem>>
        %dma_start3A_1317 = arith.constant 0 : i32
        %dma_start3A_1318 = arith.constant 0 : i32
        %dma_start3A_1319 = tpu.memref_slice %arg3[%dma_start3A_1317, %dma_start3A_1318] : memref<100000x128xf32, #tpu.memory_space<hbm>> -> memref<100000x128xf32, #tpu.memory_space<hbm>>
        tpu.enqueue_indirect_dma source(%dma_start3A_1319 : memref<100000x128xf32, #tpu.memory_space<hbm>>) target(%arg14 : memref<50x128xf32, #tpu.memory_space<vmem>>) offsets(%dma_start3A_1316 : memref<50xi32, #tpu.memory_space<vmem>>) semaphore(%arg22 : memref<!tpu.dma_semaphore, #tpu.memory_space<semaphore_mem>>)
      } else {
      }
      %get3A = arith.constant 0 : i32
      %get3A_74 = arith.index_cast %get3A : i32 to index
      %get3A_75 = arith.constant 0 : index
      %get3A_76 = tpu.vector_load %arg7[%get3A_74, %get3A_75] {strides = array<i32>} : memref<50x128xf32, #tpu.memory_space<vmem>>, vector<1x16xf32>,
      %get3A_77 = vector.shape_cast %get3A_76 : vector<1x16xf32> to vector<16xf32>
      %get3A_78 = arith.constant 0 : i32
      %get3A_79 = arith.index_cast %get3A_78 : i32 to index
      %get3A_80 = arith.constant 16 : index
      %get3A_81 = tpu.vector_load %arg7[%get3A_79, %get3A_80] {strides = array<i32>} : memref<50x128xf32, #tpu.memory_space<vmem>>, vector<1x16xf32>,
      %get3A_82 = vector.shape_cast %get3A_81 : vector<1x16xf32> to vector<16xf32>
      %get3A_83 = arith.constant 0 : i32
      %get3A_84 = arith.index_cast %get3A_83 : i32 to index
      %get3A_85 = arith.constant 32 : index
      %get3A_86 = tpu.vector_load %arg7[%get3A_84, %get3A_85] {strides = array<i32>} : memref<50x128xf32, #tpu.memory_space<vmem>>, vector<1x16xf32>,
      %get3A_87 = vector.shape_cast %get3A_86 : vector<1x16xf32> to vector<16xf32>
      %get3A_88 = arith.constant 0 : i32
      %get3A_89 = arith.index_cast %get3A_88 : i32 to index
      %get3A_90 = arith.constant 48 : index
      %get3A_91 = tpu.vector_load %arg7[%get3A_89, %get3A_90] {strides = array<i32>} : memref<50x128xf32, #tpu.memory_space<vmem>>, vector<1x16xf32>,
      %get3A_92 = vector.shape_cast %get3A_91 : vector<1x16xf32> to vector<16xf32>
      %get3A_93 = arith.constant 0 : i32
      %get3A_94 = arith.index_cast %get3A_93 : i32 to index
      %get3A_95 = arith.constant 64 : index
      %get3A_96 = tpu.vector_load %arg7[%get3A_94, %get3A_95] {strides = array<i32>} : memref<50x128xf32, #tpu.memory_space<vmem>>, vector<1x16xf32>,
      %get3A_97 = vector.shape_cast %get3A_96 : vector<1x16xf32> to vector<16xf32>
      %get3A_98 = arith.constant 0 : i32
      %get3A_99 = arith.index_cast %get3A_98 : i32 to index
      %get3A_100 = arith.constant 80 : index
      %get3A_101 = tpu.vector_load %arg7[%get3A_99, %get3A_100] {strides = array<i32>} : memref<50x128xf32, #tpu.memory_space<vmem>>, vector<1x16xf32>,
      %get3A_102 = vector.shape_cast %get3A_101 : vector<1x16xf32> to vector<16xf32>
      %get3A_103 = arith.constant 0 : i32
      %get3A_104 = arith.index_cast %get3A_103 : i32 to index
      %get3A_105 = arith.constant 96 : index
      %get3A_106 = tpu.vector_load %arg7[%get3A_104, %get3A_105] {strides = array<i32>} : memref<50x128xf32, #tpu.memory_space<vmem>>, vector<1x16xf32>,
      %get3A_107 = vector.shape_cast %get3A_106 : vector<1x16xf32> to vector<16xf32>
      %get3A_108 = arith.constant 0 : i32
      %get3A_109 = arith.index_cast %get3A_108 : i32 to index
      %get3A_110 = arith.constant 112 : index
      %get3A_111 = tpu.vector_load %arg7[%get3A_109, %get3A_110] {strides = array<i32>} : memref<50x128xf32, #tpu.memory_space<vmem>>, vector<1x16xf32>,
      %get3A_112 = vector.shape_cast %get3A_111 : vector<1x16xf32> to vector<16xf32>
      %parallel_loop3A = arith.constant 1 : i32
      %parallel_loop3A_113 = arith.constant 50 : i32
      %parallel_loop3A_114 = arith.constant 1 : i32
      %parallel_loop3A_115:8 = scf.for %parallel_loop3A_1310 = %parallel_loop3A to %parallel_loop3A_113 step %parallel_loop3A_114 iter_args(%parallel_loop3A_1311 = %get3A_77, %parallel_loop3A_1312 = %get3A_82, %parallel_loop3A_1313 = %get3A_87, %parallel_loop3A_1314 = %get3A_92, %parallel_loop3A_1315 = %get3A_97, %parallel_loop3A_1316 = %get3A_102, %parallel_loop3A_1317 = %get3A_107, %parallel_loop3A_1318 = %get3A_112) -> (vector<16xf32>, vector<16xf32>, vector<16xf32>, vector<16xf32>, vector<16xf32>, vector<16xf32>, vector<16xf32>, vector<16xf32>)  : i32 {
        %parallel_loop3A_1319 = arith.constant 0 : i32
        %parallel_loop3A_1320 = arith.addi %parallel_loop3A_1319, %parallel_loop3A_1310 : i32
        %parallel_loop3A_1321 = arith.index_cast %parallel_loop3A_1320 : i32 to index
        %parallel_loop3A_1322 = arith.constant 0 : index
        %parallel_loop3A_1323 = tpu.vector_load %arg7[%parallel_loop3A_1321, %parallel_loop3A_1322] {strides = array<i32>} : memref<50x128xf32, #tpu.memory_space<vmem>>, vector<1x16xf32>,
        %parallel_loop3A_1324 = vector.shape_cast %parallel_loop3A_1323 : vector<1x16xf32> to vector<16xf32>
        %parallel_loop3A_1325 = arith.addf %parallel_loop3A_1311, %parallel_loop3A_1324 : vector<16xf32>
        %parallel_loop3A_1326 = arith.constant 0 : i32
        %parallel_loop3A_1327 = arith.addi %parallel_loop3A_1326, %parallel_loop3A_1310 : i32
        %parallel_loop3A_1328 = arith.index_cast %parallel_loop3A_1327 : i32 to index
        %parallel_loop3A_1329 = arith.constant 16 : index
        %parallel_loop3A_1330 = tpu.vector_load %arg7[%parallel_loop3A_1328, %parallel_loop3A_1329] {strides = array<i32>} : memref<50x128xf32, #tpu.memory_space<vmem>>, vector<1x16xf32>,
        %parallel_loop3A_1331 = vector.shape_cast %parallel_loop3A_1330 : vector<1x16xf32> to vector<16xf32>
        %parallel_loop3A_1332 = arith.addf %parallel_loop3A_1312, %parallel_loop3A_1331 : vector<16xf32>
        %parallel_loop3A_1333 = arith.constant 0 : i32
        %parallel_loop3A_1334 = arith.addi %parallel_loop3A_1333, %parallel_loop3A_1310 : i32
        %parallel_loop3A_1335 = arith.index_cast %parallel_loop3A_1334 : i32 to index
        %parallel_loop3A_1336 = arith.constant 32 : index
        %parallel_loop3A_1337 = tpu.vector_load %arg7[%parallel_loop3A_1335, %parallel_loop3A_1336] {strides = array<i32>} : memref<50x128xf32, #tpu.memory_space<vmem>>, vector<1x16xf32>,
        %parallel_loop3A_1338 = vector.shape_cast %parallel_loop3A_1337 : vector<1x16xf32> to vector<16xf32>
        %parallel_loop3A_1339 = arith.addf %parallel_loop3A_1313, %parallel_loop3A_1338 : vector<16xf32>
        %parallel_loop3A_1340 = arith.constant 0 : i32
        %parallel_loop3A_1341 = arith.addi %parallel_loop3A_1340, %parallel_loop3A_1310 : i32
        %parallel_loop3A_1342 = arith.index_cast %parallel_loop3A_1341 : i32 to index
        %parallel_loop3A_1343 = arith.constant 48 : index
        %parallel_loop3A_1344 = tpu.vector_load %arg7[%parallel_loop3A_1342, %parallel_loop3A_1343] {strides = array<i32>} : memref<50x128xf32, #tpu.memory_space<vmem>>, vector<1x16xf32>,
        %parallel_loop3A_1345 = vector.shape_cast %parallel_loop3A_1344 : vector<1x16xf32> to vector<16xf32>
        %parallel_loop3A_1346 = arith.addf %parallel_loop3A_1314, %parallel_loop3A_1345 : vector<16xf32>
        %parallel_loop3A_1347 = arith.constant 0 : i32
        %parallel_loop3A_1348 = arith.addi %parallel_loop3A_1347, %parallel_loop3A_1310 : i32
        %parallel_loop3A_1349 = arith.index_cast %parallel_loop3A_1348 : i32 to index
        %parallel_loop3A_1350 = arith.constant 64 : index
        %parallel_loop3A_1351 = tpu.vector_load %arg7[%parallel_loop3A_1349, %parallel_loop3A_1350] {strides = array<i32>} : memref<50x128xf32, #tpu.memory_space<vmem>>, vector<1x16xf32>,
        %parallel_loop3A_1352 = vector.shape_cast %parallel_loop3A_1351 : vector<1x16xf32> to vector<16xf32>
        %parallel_loop3A_1353 = arith.addf %parallel_loop3A_1315, %parallel_loop3A_1352 : vector<16xf32>
        %parallel_loop3A_1354 = arith.constant 0 : i32
        %parallel_loop3A_1355 = arith.addi %parallel_loop3A_1354, %parallel_loop3A_1310 : i32
        %parallel_loop3A_1356 = arith.index_cast %parallel_loop3A_1355 : i32 to index
        %parallel_loop3A_1357 = arith.constant 80 : index
        %parallel_loop3A_1358 = tpu.vector_load %arg7[%parallel_loop3A_1356, %parallel_loop3A_1357] {strides = array<i32>} : memref<50x128xf32, #tpu.memory_space<vmem>>, vector<1x16xf32>,
        %parallel_loop3A_1359 = vector.shape_cast %parallel_loop3A_1358 : vector<1x16xf32> to vector<16xf32>
        %parallel_loop3A_1360 = arith.addf %parallel_loop3A_1316, %parallel_loop3A_1359 : vector<16xf32>
        %parallel_loop3A_1361 = arith.constant 0 : i32
        %parallel_loop3A_1362 = arith.addi %parallel_loop3A_1361, %parallel_loop3A_1310 : i32
        %parallel_loop3A_1363 = arith.index_cast %parallel_loop3A_1362 : i32 to index
        %parallel_loop3A_1364 = arith.constant 96 : index
        %parallel_loop3A_1365 = tpu.vector_load %arg7[%parallel_loop3A_1363, %parallel_loop3A_1364] {strides = array<i32>} : memref<50x128xf32, #tpu.memory_space<vmem>>, vector<1x16xf32>,
        %parallel_loop3A_1366 = vector.shape_cast %parallel_loop3A_1365 : vector<1x16xf32> to vector<16xf32>
        %parallel_loop3A_1367 = arith.addf %parallel_loop3A_1317, %parallel_loop3A_1366 : vector<16xf32>
        %parallel_loop3A_1368 = arith.constant 0 : i32
        %parallel_loop3A_1369 = arith.addi %parallel_loop3A_1368, %parallel_loop3A_1310 : i32
        %parallel_loop3A_1370 = arith.index_cast %parallel_loop3A_1369 : i32 to index
        %parallel_loop3A_1371 = arith.constant 112 : index
        %parallel_loop3A_1372 = tpu.vector_load %arg7[%parallel_loop3A_1370, %parallel_loop3A_1371] {strides = array<i32>} : memref<50x128xf32, #tpu.memory_space<vmem>>, vector<1x16xf32>,
        %parallel_loop3A_1373 = vector.shape_cast %parallel_loop3A_1372 : vector<1x16xf32> to vector<16xf32>
        %parallel_loop3A_1374 = arith.addf %parallel_loop3A_1318, %parallel_loop3A_1373 : vector<16xf32>
        scf.yield %parallel_loop3A_1325, %parallel_loop3A_1332, %parallel_loop3A_1339, %parallel_loop3A_1346, %parallel_loop3A_1353, %parallel_loop3A_1360, %parallel_loop3A_1367, %parallel_loop3A_1374 : vector<16xf32>, vector<16xf32>, vector<16xf32>, vector<16xf32>, vector<16xf32>, vector<16xf32>, vector<16xf32>, vector<16xf32>
      } {sc.loop_unroll_factor = 4 : i64, sc.parallel_access}
      %mul3A_116 = arith.constant 2.000000e-02 : f32
      %mul3A_117 = vector.broadcast %mul3A_116 : f32 to vector<16xf32>
      %mul3A_118 = arith.mulf %parallel_loop3A_115#0, %mul3A_117 : vector<16xf32>
      %mul3A_119 = arith.constant 1 : i32
      %mul3A_120 = arith.muli %add3A_63, %mul3A_119 : i32
      %add3A_121 = arith.constant 0 : i32
      %add3A_122 = arith.addi %mul3A_120, %add3A_121 : i32
      %swap3A = arith.index_cast %add3A_122 : i32 to index
      %swap3A_123 = arith.constant 0 : index
      %swap3A_124 = tpu.vector_load %arg6[%swap3A, %swap3A_123] {strides = array<i32>} : memref<128x128xf32, #tpu.memory_space<vmem>>, vector<1x16xf32>,
      %swap3A_125 = vector.shape_cast %swap3A_124 : vector<1x16xf32> to vector<16xf32>
      %swap3A_126 = vector.shape_cast %mul3A_118 : vector<16xf32> to vector<1x16xf32>
      tpu.vector_store %arg6[%swap3A, %swap3A_123], %swap3A_126 {strides = array<i32>} : memref<128x128xf32, #tpu.memory_space<vmem>>, vector<1x16xf32>,
      %mul3A_127 = arith.constant 2.000000e-02 : f32
      %mul3A_128 = vector.broadcast %mul3A_127 : f32 to vector<16xf32>
      %mul3A_129 = arith.mulf %parallel_loop3A_115#1, %mul3A_128 : vector<16xf32>
      %mul3A_130 = arith.constant 1 : i32
      %mul3A_131 = arith.muli %add3A_63, %mul3A_130 : i32
      %add3A_132 = arith.constant 0 : i32
      %add3A_133 = arith.addi %mul3A_131, %add3A_132 : i32
      %swap3A_134 = arith.index_cast %add3A_133 : i32 to index
      %swap3A_135 = arith.constant 16 : index
      %swap3A_136 = tpu.vector_load %arg6[%swap3A_134, %swap3A_135] {strides = array<i32>} : memref<128x128xf32, #tpu.memory_space<vmem>>, vector<1x16xf32>,
      %swap3A_137 = vector.shape_cast %swap3A_136 : vector<1x16xf32> to vector<16xf32>
      %swap3A_138 = vector.shape_cast %mul3A_129 : vector<16xf32> to vector<1x16xf32>
      tpu.vector_store %arg6[%swap3A_134, %swap3A_135], %swap3A_138 {strides = array<i32>} : memref<128x128xf32, #tpu.memory_space<vmem>>, vector<1x16xf32>,
      %mul3A_139 = arith.constant 2.000000e-02 : f32
      %mul3A_140 = vector.broadcast %mul3A_139 : f32 to vector<16xf32>
      %mul3A_141 = arith.mulf %parallel_loop3A_115#2, %mul3A_140 : vector<16xf32>
      %mul3A_142 = arith.constant 1 : i32
      %mul3A_143 = arith.muli %add3A_63, %mul3A_142 : i32
      %add3A_144 = arith.constant 0 : i32
      %add3A_145 = arith.addi %mul3A_143, %add3A_144 : i32
      %swap3A_146 = arith.index_cast %add3A_145 : i32 to index
      %swap3A_147 = arith.constant 32 : index
      %swap3A_148 = tpu.vector_load %arg6[%swap3A_146, %swap3A_147] {strides = array<i32>} : memref<128x128xf32, #tpu.memory_space<vmem>>, vector<1x16xf32>,
      %swap3A_149 = vector.shape_cast %swap3A_148 : vector<1x16xf32> to vector<16xf32>
      %swap3A_150 = vector.shape_cast %mul3A_141 : vector<16xf32> to vector<1x16xf32>
      tpu.vector_store %arg6[%swap3A_146, %swap3A_147], %swap3A_150 {strides = array<i32>} : memref<128x128xf32, #tpu.memory_space<vmem>>, vector<1x16xf32>,
      %mul3A_151 = arith.constant 2.000000e-02 : f32
      %mul3A_152 = vector.broadcast %mul3A_151 : f32 to vector<16xf32>
      %mul3A_153 = arith.mulf %parallel_loop3A_115#3, %mul3A_152 : vector<16xf32>
      %mul3A_154 = arith.constant 1 : i32
      %mul3A_155 = arith.muli %add3A_63, %mul3A_154 : i32
      %add3A_156 = arith.constant 0 : i32
      %add3A_157 = arith.addi %mul3A_155, %add3A_156 : i32
      %swap3A_158 = arith.index_cast %add3A_157 : i32 to index
      %swap3A_159 = arith.constant 48 : index
      %swap3A_160 = tpu.vector_load %arg6[%swap3A_158, %swap3A_159] {strides = array<i32>} : memref<128x128xf32, #tpu.memory_space<vmem>>, vector<1x16xf32>,
      %swap3A_161 = vector.shape_cast %swap3A_160 : vector<1x16xf32> to vector<16xf32>
      %swap3A_162 = vector.shape_cast %mul3A_153 : vector<16xf32> to vector<1x16xf32>
      tpu.vector_store %arg6[%swap3A_158, %swap3A_159], %swap3A_162 {strides = array<i32>} : memref<128x128xf32, #tpu.memory_space<vmem>>, vector<1x16xf32>,
      %mul3A_163 = arith.constant 2.000000e-02 : f32
      %mul3A_164 = vector.broadcast %mul3A_163 : f32 to vector<16xf32>
      %mul3A_165 = arith.mulf %parallel_loop3A_115#4, %mul3A_164 : vector<16xf32>
      %mul3A_166 = arith.constant 1 : i32
      %mul3A_167 = arith.muli %add3A_63, %mul3A_166 : i32
      %add3A_168 = arith.constant 0 : i32
      %add3A_169 = arith.addi %mul3A_167, %add3A_168 : i32
      %swap3A_170 = arith.index_cast %add3A_169 : i32 to index
      %swap3A_171 = arith.constant 64 : index
      %swap3A_172 = tpu.vector_load %arg6[%swap3A_170, %swap3A_171] {strides = array<i32>} : memref<128x128xf32, #tpu.memory_space<vmem>>, vector<1x16xf32>,
      %swap3A_173 = vector.shape_cast %swap3A_172 : vector<1x16xf32> to vector<16xf32>
      %swap3A_174 = vector.shape_cast %mul3A_165 : vector<16xf32> to vector<1x16xf32>
      tpu.vector_store %arg6[%swap3A_170, %swap3A_171], %swap3A_174 {strides = array<i32>} : memref<128x128xf32, #tpu.memory_space<vmem>>, vector<1x16xf32>,
      %mul3A_175 = arith.constant 2.000000e-02 : f32
      %mul3A_176 = vector.broadcast %mul3A_175 : f32 to vector<16xf32>
      %mul3A_177 = arith.mulf %parallel_loop3A_115#5, %mul3A_176 : vector<16xf32>
      %mul3A_178 = arith.constant 1 : i32
      %mul3A_179 = arith.muli %add3A_63, %mul3A_178 : i32
      %add3A_180 = arith.constant 0 : i32
      %add3A_181 = arith.addi %mul3A_179, %add3A_180 : i32
      %swap3A_182 = arith.index_cast %add3A_181 : i32 to index
      %swap3A_183 = arith.constant 80 : index
      %swap3A_184 = tpu.vector_load %arg6[%swap3A_182, %swap3A_183] {strides = array<i32>} : memref<128x128xf32, #tpu.memory_space<vmem>>, vector<1x16xf32>,
      %swap3A_185 = vector.shape_cast %swap3A_184 : vector<1x16xf32> to vector<16xf32>
      %swap3A_186 = vector.shape_cast %mul3A_177 : vector<16xf32> to vector<1x16xf32>
      tpu.vector_store %arg6[%swap3A_182, %swap3A_183], %swap3A_186 {strides = array<i32>} : memref<128x128xf32, #tpu.memory_space<vmem>>, vector<1x16xf32>,
      %mul3A_187 = arith.constant 2.000000e-02 : f32
      %mul3A_188 = vector.broadcast %mul3A_187 : f32 to vector<16xf32>
      %mul3A_189 = arith.mulf %parallel_loop3A_115#6, %mul3A_188 : vector<16xf32>
      %mul3A_190 = arith.constant 1 : i32
      %mul3A_191 = arith.muli %add3A_63, %mul3A_190 : i32
      %add3A_192 = arith.constant 0 : i32
      %add3A_193 = arith.addi %mul3A_191, %add3A_192 : i32
      %swap3A_194 = arith.index_cast %add3A_193 : i32 to index
      %swap3A_195 = arith.constant 96 : index
      %swap3A_196 = tpu.vector_load %arg6[%swap3A_194, %swap3A_195] {strides = array<i32>} : memref<128x128xf32, #tpu.memory_space<vmem>>, vector<1x16xf32>,
      %swap3A_197 = vector.shape_cast %swap3A_196 : vector<1x16xf32> to vector<16xf32>
      %swap3A_198 = vector.shape_cast %mul3A_189 : vector<16xf32> to vector<1x16xf32>
      tpu.vector_store %arg6[%swap3A_194, %swap3A_195], %swap3A_198 {strides = array<i32>} : memref<128x128xf32, #tpu.memory_space<vmem>>, vector<1x16xf32>,
      %mul3A_199 = arith.constant 2.000000e-02 : f32
      %mul3A_200 = vector.broadcast %mul3A_199 : f32 to vector<16xf32>
      %mul3A_201 = arith.mulf %parallel_loop3A_115#7, %mul3A_200 : vector<16xf32>
      %mul3A_202 = arith.constant 1 : i32
      %mul3A_203 = arith.muli %add3A_63, %mul3A_202 : i32
      %add3A_204 = arith.constant 0 : i32
      %add3A_205 = arith.addi %mul3A_203, %add3A_204 : i32
      %swap3A_206 = arith.index_cast %add3A_205 : i32 to index
      %swap3A_207 = arith.constant 112 : index
      %swap3A_208 = tpu.vector_load %arg6[%swap3A_206, %swap3A_207] {strides = array<i32>} : memref<128x128xf32, #tpu.memory_space<vmem>>, vector<1x16xf32>,
      %swap3A_209 = vector.shape_cast %swap3A_208 : vector<1x16xf32> to vector<16xf32>
      %swap3A_210 = vector.shape_cast %mul3A_201 : vector<16xf32> to vector<1x16xf32>
      tpu.vector_store %arg6[%swap3A_206, %swap3A_207], %swap3A_210 {strides = array<i32>} : memref<128x128xf32, #tpu.memory_space<vmem>>, vector<1x16xf32>,
      %add3A_211 = arith.constant 1 : i32
      %add3A_212 = arith.addi %add3A_61, %add3A_211 : i32
      %dma_wait3A_213 = arith.constant 0 : i32
      %dma_wait3A_214 = tpu.memref_slice %arg5[%add3A_212, %dma_wait3A_213] : memref<128x50xi32, #tpu.memory_space<vmem>> -> memref<1x50xi32, #tpu.memory_space<vmem>>
      %dma_wait3A_215 = tpu.memref_squeeze %dma_wait3A_214 : memref<1x50xi32, #tpu.memory_space<vmem>> -> memref<50xi32, #tpu.memory_space<vmem>>
      %dma_wait3A_216 = arith.constant 0 : i32
      %dma_wait3A_217 = arith.constant 0 : i32
      %dma_wait3A_218 = tpu.memref_slice %arg3[%dma_wait3A_216, %dma_wait3A_217] : memref<100000x128xf32, #tpu.memory_space<hbm>> -> memref<100000x128xf32, #tpu.memory_space<hbm>>
      tpu.wait_indirect_dma semaphore(%arg16 : memref<!tpu.dma_semaphore, #tpu.memory_space<semaphore_mem>>) src(%dma_wait3A_218 : memref<100000x128xf32, #tpu.memory_space<hbm>>) dst(%arg8 : memref<50x128xf32, #tpu.memory_space<vmem>>)
      %add3A_219 = arith.constant 8 : i32
      %add3A_220 = arith.addi %add3A_212, %add3A_219 : i32
      %sub3A_221 = arith.constant 1 : i32
      %sub3A_222 = arith.subi %add3A_220, %sub3A_221 : i32
      %lt3A_223 = arith.constant 128 : i32
      %lt3A_224 = arith.cmpi slt, %sub3A_222, %lt3A_223 : i32
      %convert_element_type3A_225 = arith.extui %lt3A_224 : i1 to i32
      %cond3A_226 = arith.constant 0 : i32
      %cond3A_227 = arith.cmpi ne, %convert_element_type3A_225, %cond3A_226 : i32
      scf.if %cond3A_227 {
        %add3A_1310 = arith.constant 8 : i32
        %add3A_1311 = arith.addi %add3A_212, %add3A_1310 : i32
        %sub3A_1312 = arith.constant 1 : i32
        %sub3A_1313 = arith.subi %add3A_1311, %sub3A_1312 : i32
        %dma_start3A_1314 = arith.constant 0 : i32
        %dma_start3A_1315 = tpu.memref_slice %arg5[%sub3A_1313, %dma_start3A_1314] : memref<128x50xi32, #tpu.memory_space<vmem>> -> memref<1x50xi32, #tpu.memory_space<vmem>>
        %dma_start3A_1316 = tpu.memref_squeeze %dma_start3A_1315 : memref<1x50xi32, #tpu.memory_space<vmem>> -> memref<50xi32, #tpu.memory_space<vmem>>
        %dma_start3A_1317 = arith.constant 0 : i32
        %dma_start3A_1318 = arith.constant 0 : i32
        %dma_start3A_1319 = tpu.memref_slice %arg3[%dma_start3A_1317, %dma_start3A_1318] : memref<100000x128xf32, #tpu.memory_space<hbm>> -> memref<100000x128xf32, #tpu.memory_space<hbm>>
        tpu.enqueue_indirect_dma source(%dma_start3A_1319 : memref<100000x128xf32, #tpu.memory_space<hbm>>) target(%arg7 : memref<50x128xf32, #tpu.memory_space<vmem>>) offsets(%dma_start3A_1316 : memref<50xi32, #tpu.memory_space<vmem>>) semaphore(%arg15 : memref<!tpu.dma_semaphore, #tpu.memory_space<semaphore_mem>>)
      } else {
      }
      %get3A_228 = arith.constant 0 : i32
      %get3A_229 = arith.index_cast %get3A_228 : i32 to index
      %get3A_230 = arith.constant 0 : index
      %get3A_231 = tpu.vector_load %arg8[%get3A_229, %get3A_230] {strides = array<i32>} : memref<50x128xf32, #tpu.memory_space<vmem>>, vector<1x16xf32>,
      %get3A_232 = vector.shape_cast %get3A_231 : vector<1x16xf32> to vector<16xf32>
      %get3A_233 = arith.constant 0 : i32
      %get3A_234 = arith.index_cast %get3A_233 : i32 to index
      %get3A_235 = arith.constant 16 : index
      %get3A_236 = tpu.vector_load %arg8[%get3A_234, %get3A_235] {strides = array<i32>} : memref<50x128xf32, #tpu.memory_space<vmem>>, vector<1x16xf32>,
      %get3A_237 = vector.shape_cast %get3A_236 : vector<1x16xf32> to vector<16xf32>
      %get3A_238 = arith.constant 0 : i32
      %get3A_239 = arith.index_cast %get3A_238 : i32 to index
      %get3A_240 = arith.constant 32 : index
      %get3A_241 = tpu.vector_load %arg8[%get3A_239, %get3A_240] {strides = array<i32>} : memref<50x128xf32, #tpu.memory_space<vmem>>, vector<1x16xf32>,
      %get3A_242 = vector.shape_cast %get3A_241 : vector<1x16xf32> to vector<16xf32>
      %get3A_243 = arith.constant 0 : i32
      %get3A_244 = arith.index_cast %get3A_243 : i32 to index
      %get3A_245 = arith.constant 48 : index
      %get3A_246 = tpu.vector_load %arg8[%get3A_244, %get3A_245] {strides = array<i32>} : memref<50x128xf32, #tpu.memory_space<vmem>>, vector<1x16xf32>,
      %get3A_247 = vector.shape_cast %get3A_246 : vector<1x16xf32> to vector<16xf32>
      %get3A_248 = arith.constant 0 : i32
      %get3A_249 = arith.index_cast %get3A_248 : i32 to index
      %get3A_250 = arith.constant 64 : index
      %get3A_251 = tpu.vector_load %arg8[%get3A_249, %get3A_250] {strides = array<i32>} : memref<50x128xf32, #tpu.memory_space<vmem>>, vector<1x16xf32>,
      %get3A_252 = vector.shape_cast %get3A_251 : vector<1x16xf32> to vector<16xf32>
      %get3A_253 = arith.constant 0 : i32
      %get3A_254 = arith.index_cast %get3A_253 : i32 to index
      %get3A_255 = arith.constant 80 : index
      %get3A_256 = tpu.vector_load %arg8[%get3A_254, %get3A_255] {strides = array<i32>} : memref<50x128xf32, #tpu.memory_space<vmem>>, vector<1x16xf32>,
      %get3A_257 = vector.shape_cast %get3A_256 : vector<1x16xf32> to vector<16xf32>
      %get3A_258 = arith.constant 0 : i32
      %get3A_259 = arith.index_cast %get3A_258 : i32 to index
      %get3A_260 = arith.constant 96 : index
      %get3A_261 = tpu.vector_load %arg8[%get3A_259, %get3A_260] {strides = array<i32>} : memref<50x128xf32, #tpu.memory_space<vmem>>, vector<1x16xf32>,
      %get3A_262 = vector.shape_cast %get3A_261 : vector<1x16xf32> to vector<16xf32>
      %get3A_263 = arith.constant 0 : i32
      %get3A_264 = arith.index_cast %get3A_263 : i32 to index
      %get3A_265 = arith.constant 112 : index
      %get3A_266 = tpu.vector_load %arg8[%get3A_264, %get3A_265] {strides = array<i32>} : memref<50x128xf32, #tpu.memory_space<vmem>>, vector<1x16xf32>,
      %get3A_267 = vector.shape_cast %get3A_266 : vector<1x16xf32> to vector<16xf32>
      %parallel_loop3A_268 = arith.constant 1 : i32
      %parallel_loop3A_269 = arith.constant 50 : i32
      %parallel_loop3A_270 = arith.constant 1 : i32
      %parallel_loop3A_271:8 = scf.for %parallel_loop3A_1310 = %parallel_loop3A_268 to %parallel_loop3A_269 step %parallel_loop3A_270 iter_args(%parallel_loop3A_1311 = %get3A_232, %parallel_loop3A_1312 = %get3A_237, %parallel_loop3A_1313 = %get3A_242, %parallel_loop3A_1314 = %get3A_247, %parallel_loop3A_1315 = %get3A_252, %parallel_loop3A_1316 = %get3A_257, %parallel_loop3A_1317 = %get3A_262, %parallel_loop3A_1318 = %get3A_267) -> (vector<16xf32>, vector<16xf32>, vector<16xf32>, vector<16xf32>, vector<16xf32>, vector<16xf32>, vector<16xf32>, vector<16xf32>)  : i32 {
        %parallel_loop3A_1319 = arith.constant 0 : i32
        %parallel_loop3A_1320 = arith.addi %parallel_loop3A_1319, %parallel_loop3A_1310 : i32
        %parallel_loop3A_1321 = arith.index_cast %parallel_loop3A_1320 : i32 to index
        %parallel_loop3A_1322 = arith.constant 0 : index
        %parallel_loop3A_1323 = tpu.vector_load %arg8[%parallel_loop3A_1321, %parallel_loop3A_1322] {strides = array<i32>} : memref<50x128xf32, #tpu.memory_space<vmem>>, vector<1x16xf32>,
        %parallel_loop3A_1324 = vector.shape_cast %parallel_loop3A_1323 : vector<1x16xf32> to vector<16xf32>
        %parallel_loop3A_1325 = arith.addf %parallel_loop3A_1311, %parallel_loop3A_1324 : vector<16xf32>
        %parallel_loop3A_1326 = arith.constant 0 : i32
        %parallel_loop3A_1327 = arith.addi %parallel_loop3A_1326, %parallel_loop3A_1310 : i32
        %parallel_loop3A_1328 = arith.index_cast %parallel_loop3A_1327 : i32 to index
        %parallel_loop3A_1329 = arith.constant 16 : index
        %parallel_loop3A_1330 = tpu.vector_load %arg8[%parallel_loop3A_1328, %parallel_loop3A_1329] {strides = array<i32>} : memref<50x128xf32, #tpu.memory_space<vmem>>, vector<1x16xf32>,
        %parallel_loop3A_1331 = vector.shape_cast %parallel_loop3A_1330 : vector<1x16xf32> to vector<16xf32>
        %parallel_loop3A_1332 = arith.addf %parallel_loop3A_1312, %parallel_loop3A_1331 : vector<16xf32>
        %parallel_loop3A_1333 = arith.constant 0 : i32
        %parallel_loop3A_1334 = arith.addi %parallel_loop3A_1333, %parallel_loop3A_1310 : i32
        %parallel_loop3A_1335 = arith.index_cast %parallel_loop3A_1334 : i32 to index
        %parallel_loop3A_1336 = arith.constant 32 : index
        %parallel_loop3A_1337 = tpu.vector_load %arg8[%parallel_loop3A_1335, %parallel_loop3A_1336] {strides = array<i32>} : memref<50x128xf32, #tpu.memory_space<vmem>>, vector<1x16xf32>,
        %parallel_loop3A_1338 = vector.shape_cast %parallel_loop3A_1337 : vector<1x16xf32> to vector<16xf32>
        %parallel_loop3A_1339 = arith.addf %parallel_loop3A_1313, %parallel_loop3A_1338 : vector<16xf32>
        %parallel_loop3A_1340 = arith.constant 0 : i32
        %parallel_loop3A_1341 = arith.addi %parallel_loop3A_1340, %parallel_loop3A_1310 : i32
        %parallel_loop3A_1342 = arith.index_cast %parallel_loop3A_1341 : i32 to index
        %parallel_loop3A_1343 = arith.constant 48 : index
        %parallel_loop3A_1344 = tpu.vector_load %arg8[%parallel_loop3A_1342, %parallel_loop3A_1343] {strides = array<i32>} : memref<50x128xf32, #tpu.memory_space<vmem>>, vector<1x16xf32>,
        %parallel_loop3A_1345 = vector.shape_cast %parallel_loop3A_1344 : vector<1x16xf32> to vector<16xf32>
        %parallel_loop3A_1346 = arith.addf %parallel_loop3A_1314, %parallel_loop3A_1345 : vector<16xf32>
        %parallel_loop3A_1347 = arith.constant 0 : i32
        %parallel_loop3A_1348 = arith.addi %parallel_loop3A_1347, %parallel_loop3A_1310 : i32
        %parallel_loop3A_1349 = arith.index_cast %parallel_loop3A_1348 : i32 to index
        %parallel_loop3A_1350 = arith.constant 64 : index
        %parallel_loop3A_1351 = tpu.vector_load %arg8[%parallel_loop3A_1349, %parallel_loop3A_1350] {strides = array<i32>} : memref<50x128xf32, #tpu.memory_space<vmem>>, vector<1x16xf32>,
        %parallel_loop3A_1352 = vector.shape_cast %parallel_loop3A_1351 : vector<1x16xf32> to vector<16xf32>
        %parallel_loop3A_1353 = arith.addf %parallel_loop3A_1315, %parallel_loop3A_1352 : vector<16xf32>
        %parallel_loop3A_1354 = arith.constant 0 : i32
        %parallel_loop3A_1355 = arith.addi %parallel_loop3A_1354, %parallel_loop3A_1310 : i32
        %parallel_loop3A_1356 = arith.index_cast %parallel_loop3A_1355 : i32 to index
        %parallel_loop3A_1357 = arith.constant 80 : index
        %parallel_loop3A_1358 = tpu.vector_load %arg8[%parallel_loop3A_1356, %parallel_loop3A_1357] {strides = array<i32>} : memref<50x128xf32, #tpu.memory_space<vmem>>, vector<1x16xf32>,
        %parallel_loop3A_1359 = vector.shape_cast %parallel_loop3A_1358 : vector<1x16xf32> to vector<16xf32>
        %parallel_loop3A_1360 = arith.addf %parallel_loop3A_1316, %parallel_loop3A_1359 : vector<16xf32>
        %parallel_loop3A_1361 = arith.constant 0 : i32
        %parallel_loop3A_1362 = arith.addi %parallel_loop3A_1361, %parallel_loop3A_1310 : i32
        %parallel_loop3A_1363 = arith.index_cast %parallel_loop3A_1362 : i32 to index
        %parallel_loop3A_1364 = arith.constant 96 : index
        %parallel_loop3A_1365 = tpu.vector_load %arg8[%parallel_loop3A_1363, %parallel_loop3A_1364] {strides = array<i32>} : memref<50x128xf32, #tpu.memory_space<vmem>>, vector<1x16xf32>,
        %parallel_loop3A_1366 = vector.shape_cast %parallel_loop3A_1365 : vector<1x16xf32> to vector<16xf32>
        %parallel_loop3A_1367 = arith.addf %parallel_loop3A_1317, %parallel_loop3A_1366 : vector<16xf32>
        %parallel_loop3A_1368 = arith.constant 0 : i32
        %parallel_loop3A_1369 = arith.addi %parallel_loop3A_1368, %parallel_loop3A_1310 : i32
        %parallel_loop3A_1370 = arith.index_cast %parallel_loop3A_1369 : i32 to index
        %parallel_loop3A_1371 = arith.constant 112 : index
        %parallel_loop3A_1372 = tpu.vector_load %arg8[%parallel_loop3A_1370, %parallel_loop3A_1371] {strides = array<i32>} : memref<50x128xf32, #tpu.memory_space<vmem>>, vector<1x16xf32>,
        %parallel_loop3A_1373 = vector.shape_cast %parallel_loop3A_1372 : vector<1x16xf32> to vector<16xf32>
        %parallel_loop3A_1374 = arith.addf %parallel_loop3A_1318, %parallel_loop3A_1373 : vector<16xf32>
        scf.yield %parallel_loop3A_1325, %parallel_loop3A_1332, %parallel_loop3A_1339, %parallel_loop3A_1346, %parallel_loop3A_1353, %parallel_loop3A_1360, %parallel_loop3A_1367, %parallel_loop3A_1374 : vector<16xf32>, vector<16xf32>, vector<16xf32>, vector<16xf32>, vector<16xf32>, vector<16xf32>, vector<16xf32>, vector<16xf32>
      } {sc.loop_unroll_factor = 4 : i64, sc.parallel_access}
      %mul3A_272 = arith.constant 2.000000e-02 : f32
      %mul3A_273 = vector.broadcast %mul3A_272 : f32 to vector<16xf32>
      %mul3A_274 = arith.mulf %parallel_loop3A_271#0, %mul3A_273 : vector<16xf32>
      %mul3A_275 = arith.constant 1 : i32
      %mul3A_276 = arith.muli %add3A_212, %mul3A_275 : i32
      %add3A_277 = arith.constant 0 : i32
      %add3A_278 = arith.addi %mul3A_276, %add3A_277 : i32
      %swap3A_279 = arith.index_cast %add3A_278 : i32 to index
      %swap3A_280 = arith.constant 0 : index
      %swap3A_281 = tpu.vector_load %arg6[%swap3A_279, %swap3A_280] {strides = array<i32>} : memref<128x128xf32, #tpu.memory_space<vmem>>, vector<1x16xf32>,
      %swap3A_282 = vector.shape_cast %swap3A_281 : vector<1x16xf32> to vector<16xf32>
      %swap3A_283 = vector.shape_cast %mul3A_274 : vector<16xf32> to vector<1x16xf32>
      tpu.vector_store %arg6[%swap3A_279, %swap3A_280], %swap3A_283 {strides = array<i32>} : memref<128x128xf32, #tpu.memory_space<vmem>>, vector<1x16xf32>,
      %mul3A_284 = arith.constant 2.000000e-02 : f32
      %mul3A_285 = vector.broadcast %mul3A_284 : f32 to vector<16xf32>
      %mul3A_286 = arith.mulf %parallel_loop3A_271#1, %mul3A_285 : vector<16xf32>
      %mul3A_287 = arith.constant 1 : i32
      %mul3A_288 = arith.muli %add3A_212, %mul3A_287 : i32
      %add3A_289 = arith.constant 0 : i32
      %add3A_290 = arith.addi %mul3A_288, %add3A_289 : i32
      %swap3A_291 = arith.index_cast %add3A_290 : i32 to index
      %swap3A_292 = arith.constant 16 : index
      %swap3A_293 = tpu.vector_load %arg6[%swap3A_291, %swap3A_292] {strides = array<i32>} : memref<128x128xf32, #tpu.memory_space<vmem>>, vector<1x16xf32>,
      %swap3A_294 = vector.shape_cast %swap3A_293 : vector<1x16xf32> to vector<16xf32>
      %swap3A_295 = vector.shape_cast %mul3A_286 : vector<16xf32> to vector<1x16xf32>
      tpu.vector_store %arg6[%swap3A_291, %swap3A_292], %swap3A_295 {strides = array<i32>} : memref<128x128xf32, #tpu.memory_space<vmem>>, vector<1x16xf32>,
      %mul3A_296 = arith.constant 2.000000e-02 : f32
      %mul3A_297 = vector.broadcast %mul3A_296 : f32 to vector<16xf32>
      %mul3A_298 = arith.mulf %parallel_loop3A_271#2, %mul3A_297 : vector<16xf32>
      %mul3A_299 = arith.constant 1 : i32
      %mul3A_300 = arith.muli %add3A_212, %mul3A_299 : i32
      %add3A_301 = arith.constant 0 : i32
      %add3A_302 = arith.addi %mul3A_300, %add3A_301 : i32
      %swap3A_303 = arith.index_cast %add3A_302 : i32 to index
      %swap3A_304 = arith.constant 32 : index
      %swap3A_305 = tpu.vector_load %arg6[%swap3A_303, %swap3A_304] {strides = array<i32>} : memref<128x128xf32, #tpu.memory_space<vmem>>, vector<1x16xf32>,
      %swap3A_306 = vector.shape_cast %swap3A_305 : vector<1x16xf32> to vector<16xf32>
      %swap3A_307 = vector.shape_cast %mul3A_298 : vector<16xf32> to vector<1x16xf32>
      tpu.vector_store %arg6[%swap3A_303, %swap3A_304], %swap3A_307 {strides = array<i32>} : memref<128x128xf32, #tpu.memory_space<vmem>>, vector<1x16xf32>,
      %mul3A_308 = arith.constant 2.000000e-02 : f32
      %mul3A_309 = vector.broadcast %mul3A_308 : f32 to vector<16xf32>
      %mul3A_310 = arith.mulf %parallel_loop3A_271#3, %mul3A_309 : vector<16xf32>
      %mul3A_311 = arith.constant 1 : i32
      %mul3A_312 = arith.muli %add3A_212, %mul3A_311 : i32
      %add3A_313 = arith.constant 0 : i32
      %add3A_314 = arith.addi %mul3A_312, %add3A_313 : i32
      %swap3A_315 = arith.index_cast %add3A_314 : i32 to index
      %swap3A_316 = arith.constant 48 : index
      %swap3A_317 = tpu.vector_load %arg6[%swap3A_315, %swap3A_316] {strides = array<i32>} : memref<128x128xf32, #tpu.memory_space<vmem>>, vector<1x16xf32>,
      %swap3A_318 = vector.shape_cast %swap3A_317 : vector<1x16xf32> to vector<16xf32>
      %swap3A_319 = vector.shape_cast %mul3A_310 : vector<16xf32> to vector<1x16xf32>
      tpu.vector_store %arg6[%swap3A_315, %swap3A_316], %swap3A_319 {strides = array<i32>} : memref<128x128xf32, #tpu.memory_space<vmem>>, vector<1x16xf32>,
      %mul3A_320 = arith.constant 2.000000e-02 : f32
      %mul3A_321 = vector.broadcast %mul3A_320 : f32 to vector<16xf32>
      %mul3A_322 = arith.mulf %parallel_loop3A_271#4, %mul3A_321 : vector<16xf32>
      %mul3A_323 = arith.constant 1 : i32
      %mul3A_324 = arith.muli %add3A_212, %mul3A_323 : i32
      %add3A_325 = arith.constant 0 : i32
      %add3A_326 = arith.addi %mul3A_324, %add3A_325 : i32
      %swap3A_327 = arith.index_cast %add3A_326 : i32 to index
      %swap3A_328 = arith.constant 64 : index
      %swap3A_329 = tpu.vector_load %arg6[%swap3A_327, %swap3A_328] {strides = array<i32>} : memref<128x128xf32, #tpu.memory_space<vmem>>, vector<1x16xf32>,
      %swap3A_330 = vector.shape_cast %swap3A_329 : vector<1x16xf32> to vector<16xf32>
      %swap3A_331 = vector.shape_cast %mul3A_322 : vector<16xf32> to vector<1x16xf32>
      tpu.vector_store %arg6[%swap3A_327, %swap3A_328], %swap3A_331 {strides = array<i32>} : memref<128x128xf32, #tpu.memory_space<vmem>>, vector<1x16xf32>,
      %mul3A_332 = arith.constant 2.000000e-02 : f32
      %mul3A_333 = vector.broadcast %mul3A_332 : f32 to vector<16xf32>
      %mul3A_334 = arith.mulf %parallel_loop3A_271#5, %mul3A_333 : vector<16xf32>
      %mul3A_335 = arith.constant 1 : i32
      %mul3A_336 = arith.muli %add3A_212, %mul3A_335 : i32
      %add3A_337 = arith.constant 0 : i32
      %add3A_338 = arith.addi %mul3A_336, %add3A_337 : i32
      %swap3A_339 = arith.index_cast %add3A_338 : i32 to index
      %swap3A_340 = arith.constant 80 : index
      %swap3A_341 = tpu.vector_load %arg6[%swap3A_339, %swap3A_340] {strides = array<i32>} : memref<128x128xf32, #tpu.memory_space<vmem>>, vector<1x16xf32>,
      %swap3A_342 = vector.shape_cast %swap3A_341 : vector<1x16xf32> to vector<16xf32>
      %swap3A_343 = vector.shape_cast %mul3A_334 : vector<16xf32> to vector<1x16xf32>
      tpu.vector_store %arg6[%swap3A_339, %swap3A_340], %swap3A_343 {strides = array<i32>} : memref<128x128xf32, #tpu.memory_space<vmem>>, vector<1x16xf32>,
      %mul3A_344 = arith.constant 2.000000e-02 : f32
      %mul3A_345 = vector.broadcast %mul3A_344 : f32 to vector<16xf32>
      %mul3A_346 = arith.mulf %parallel_loop3A_271#6, %mul3A_345 : vector<16xf32>
      %mul3A_347 = arith.constant 1 : i32
      %mul3A_348 = arith.muli %add3A_212, %mul3A_347 : i32
      %add3A_349 = arith.constant 0 : i32
      %add3A_350 = arith.addi %mul3A_348, %add3A_349 : i32
      %swap3A_351 = arith.index_cast %add3A_350 : i32 to index
      %swap3A_352 = arith.constant 96 : index
      %swap3A_353 = tpu.vector_load %arg6[%swap3A_351, %swap3A_352] {strides = array<i32>} : memref<128x128xf32, #tpu.memory_space<vmem>>, vector<1x16xf32>,
      %swap3A_354 = vector.shape_cast %swap3A_353 : vector<1x16xf32> to vector<16xf32>
      %swap3A_355 = vector.shape_cast %mul3A_346 : vector<16xf32> to vector<1x16xf32>
      tpu.vector_store %arg6[%swap3A_351, %swap3A_352], %swap3A_355 {strides = array<i32>} : memref<128x128xf32, #tpu.memory_space<vmem>>, vector<1x16xf32>,
      %mul3A_356 = arith.constant 2.000000e-02 : f32
      %mul3A_357 = vector.broadcast %mul3A_356 : f32 to vector<16xf32>
      %mul3A_358 = arith.mulf %parallel_loop3A_271#7, %mul3A_357 : vector<16xf32>
      %mul3A_359 = arith.constant 1 : i32
      %mul3A_360 = arith.muli %add3A_212, %mul3A_359 : i32
      %add3A_361 = arith.constant 0 : i32
      %add3A_362 = arith.addi %mul3A_360, %add3A_361 : i32
      %swap3A_363 = arith.index_cast %add3A_362 : i32 to index
      %swap3A_364 = arith.constant 112 : index
      %swap3A_365 = tpu.vector_load %arg6[%swap3A_363, %swap3A_364] {strides = array<i32>} : memref<128x128xf32, #tpu.memory_space<vmem>>, vector<1x16xf32>,
      %swap3A_366 = vector.shape_cast %swap3A_365 : vector<1x16xf32> to vector<16xf32>
      %swap3A_367 = vector.shape_cast %mul3A_358 : vector<16xf32> to vector<1x16xf32>
      tpu.vector_store %arg6[%swap3A_363, %swap3A_364], %swap3A_367 {strides = array<i32>} : memref<128x128xf32, #tpu.memory_space<vmem>>, vector<1x16xf32>,
      %add3A_368 = arith.constant 2 : i32
      %add3A_369 = arith.addi %add3A_61, %add3A_368 : i32
      %dma_wait3A_370 = arith.constant 0 : i32
      %dma_wait3A_371 = tpu.memref_slice %arg5[%add3A_369, %dma_wait3A_370] : memref<128x50xi32, #tpu.memory_space<vmem>> -> memref<1x50xi32, #tpu.memory_space<vmem>>
      %dma_wait3A_372 = tpu.memref_squeeze %dma_wait3A_371 : memref<1x50xi32, #tpu.memory_space<vmem>> -> memref<50xi32, #tpu.memory_space<vmem>>
      %dma_wait3A_373 = arith.constant 0 : i32
      %dma_wait3A_374 = arith.constant 0 : i32
      %dma_wait3A_375 = tpu.memref_slice %arg3[%dma_wait3A_373, %dma_wait3A_374] : memref<100000x128xf32, #tpu.memory_space<hbm>> -> memref<100000x128xf32, #tpu.memory_space<hbm>>
      tpu.wait_indirect_dma semaphore(%arg17 : memref<!tpu.dma_semaphore, #tpu.memory_space<semaphore_mem>>) src(%dma_wait3A_375 : memref<100000x128xf32, #tpu.memory_space<hbm>>) dst(%arg9 : memref<50x128xf32, #tpu.memory_space<vmem>>)
      %add3A_376 = arith.constant 8 : i32
      %add3A_377 = arith.addi %add3A_369, %add3A_376 : i32
      %sub3A_378 = arith.constant 1 : i32
      %sub3A_379 = arith.subi %add3A_377, %sub3A_378 : i32
      %lt3A_380 = arith.constant 128 : i32
      %lt3A_381 = arith.cmpi slt, %sub3A_379, %lt3A_380 : i32
      %convert_element_type3A_382 = arith.extui %lt3A_381 : i1 to i32
      %cond3A_383 = arith.constant 0 : i32
      %cond3A_384 = arith.cmpi ne, %convert_element_type3A_382, %cond3A_383 : i32
      scf.if %cond3A_384 {
        %add3A_1310 = arith.constant 8 : i32
        %add3A_1311 = arith.addi %add3A_369, %add3A_1310 : i32
        %sub3A_1312 = arith.constant 1 : i32
        %sub3A_1313 = arith.subi %add3A_1311, %sub3A_1312 : i32
        %dma_start3A_1314 = arith.constant 0 : i32
        %dma_start3A_1315 = tpu.memref_slice %arg5[%sub3A_1313, %dma_start3A_1314] : memref<128x50xi32, #tpu.memory_space<vmem>> -> memref<1x50xi32, #tpu.memory_space<vmem>>
        %dma_start3A_1316 = tpu.memref_squeeze %dma_start3A_1315 : memref<1x50xi32, #tpu.memory_space<vmem>> -> memref<50xi32, #tpu.memory_space<vmem>>
        %dma_start3A_1317 = arith.constant 0 : i32
        %dma_start3A_1318 = arith.constant 0 : i32
        %dma_start3A_1319 = tpu.memref_slice %arg3[%dma_start3A_1317, %dma_start3A_1318] : memref<100000x128xf32, #tpu.memory_space<hbm>> -> memref<100000x128xf32, #tpu.memory_space<hbm>>
        tpu.enqueue_indirect_dma source(%dma_start3A_1319 : memref<100000x128xf32, #tpu.memory_space<hbm>>) target(%arg8 : memref<50x128xf32, #tpu.memory_space<vmem>>) offsets(%dma_start3A_1316 : memref<50xi32, #tpu.memory_space<vmem>>) semaphore(%arg16 : memref<!tpu.dma_semaphore, #tpu.memory_space<semaphore_mem>>)
      } else {
      }
      %get3A_385 = arith.constant 0 : i32
      %get3A_386 = arith.index_cast %get3A_385 : i32 to index
      %get3A_387 = arith.constant 0 : index
      %get3A_388 = tpu.vector_load %arg9[%get3A_386, %get3A_387] {strides = array<i32>} : memref<50x128xf32, #tpu.memory_space<vmem>>, vector<1x16xf32>,
      %get3A_389 = vector.shape_cast %get3A_388 : vector<1x16xf32> to vector<16xf32>
      %get3A_390 = arith.constant 0 : i32
      %get3A_391 = arith.index_cast %get3A_390 : i32 to index
      %get3A_392 = arith.constant 16 : index
      %get3A_393 = tpu.vector_load %arg9[%get3A_391, %get3A_392] {strides = array<i32>} : memref<50x128xf32, #tpu.memory_space<vmem>>, vector<1x16xf32>,
      %get3A_394 = vector.shape_cast %get3A_393 : vector<1x16xf32> to vector<16xf32>
      %get3A_395 = arith.constant 0 : i32
      %get3A_396 = arith.index_cast %get3A_395 : i32 to index
      %get3A_397 = arith.constant 32 : index
      %get3A_398 = tpu.vector_load %arg9[%get3A_396, %get3A_397] {strides = array<i32>} : memref<50x128xf32, #tpu.memory_space<vmem>>, vector<1x16xf32>,
      %get3A_399 = vector.shape_cast %get3A_398 : vector<1x16xf32> to vector<16xf32>
      %get3A_400 = arith.constant 0 : i32
      %get3A_401 = arith.index_cast %get3A_400 : i32 to index
      %get3A_402 = arith.constant 48 : index
      %get3A_403 = tpu.vector_load %arg9[%get3A_401, %get3A_402] {strides = array<i32>} : memref<50x128xf32, #tpu.memory_space<vmem>>, vector<1x16xf32>,
      %get3A_404 = vector.shape_cast %get3A_403 : vector<1x16xf32> to vector<16xf32>
      %get3A_405 = arith.constant 0 : i32
      %get3A_406 = arith.index_cast %get3A_405 : i32 to index
      %get3A_407 = arith.constant 64 : index
      %get3A_408 = tpu.vector_load %arg9[%get3A_406, %get3A_407] {strides = array<i32>} : memref<50x128xf32, #tpu.memory_space<vmem>>, vector<1x16xf32>,
      %get3A_409 = vector.shape_cast %get3A_408 : vector<1x16xf32> to vector<16xf32>
      %get3A_410 = arith.constant 0 : i32
      %get3A_411 = arith.index_cast %get3A_410 : i32 to index
      %get3A_412 = arith.constant 80 : index
      %get3A_413 = tpu.vector_load %arg9[%get3A_411, %get3A_412] {strides = array<i32>} : memref<50x128xf32, #tpu.memory_space<vmem>>, vector<1x16xf32>,
      %get3A_414 = vector.shape_cast %get3A_413 : vector<1x16xf32> to vector<16xf32>
      %get3A_415 = arith.constant 0 : i32
      %get3A_416 = arith.index_cast %get3A_415 : i32 to index
      %get3A_417 = arith.constant 96 : index
      %get3A_418 = tpu.vector_load %arg9[%get3A_416, %get3A_417] {strides = array<i32>} : memref<50x128xf32, #tpu.memory_space<vmem>>, vector<1x16xf32>,
      %get3A_419 = vector.shape_cast %get3A_418 : vector<1x16xf32> to vector<16xf32>
      %get3A_420 = arith.constant 0 : i32
      %get3A_421 = arith.index_cast %get3A_420 : i32 to index
      %get3A_422 = arith.constant 112 : index
      %get3A_423 = tpu.vector_load %arg9[%get3A_421, %get3A_422] {strides = array<i32>} : memref<50x128xf32, #tpu.memory_space<vmem>>, vector<1x16xf32>,
      %get3A_424 = vector.shape_cast %get3A_423 : vector<1x16xf32> to vector<16xf32>
      %parallel_loop3A_425 = arith.constant 1 : i32
      %parallel_loop3A_426 = arith.constant 50 : i32
      %parallel_loop3A_427 = arith.constant 1 : i32
      %parallel_loop3A_428:8 = scf.for %parallel_loop3A_1310 = %parallel_loop3A_425 to %parallel_loop3A_426 step %parallel_loop3A_427 iter_args(%parallel_loop3A_1311 = %get3A_389, %parallel_loop3A_1312 = %get3A_394, %parallel_loop3A_1313 = %get3A_399, %parallel_loop3A_1314 = %get3A_404, %parallel_loop3A_1315 = %get3A_409, %parallel_loop3A_1316 = %get3A_414, %parallel_loop3A_1317 = %get3A_419, %parallel_loop3A_1318 = %get3A_424) -> (vector<16xf32>, vector<16xf32>, vector<16xf32>, vector<16xf32>, vector<16xf32>, vector<16xf32>, vector<16xf32>, vector<16xf32>)  : i32 {
        %parallel_loop3A_1319 = arith.constant 0 : i32
        %parallel_loop3A_1320 = arith.addi %parallel_loop3A_1319, %parallel_loop3A_1310 : i32
        %parallel_loop3A_1321 = arith.index_cast %parallel_loop3A_1320 : i32 to index
        %parallel_loop3A_1322 = arith.constant 0 : index
        %parallel_loop3A_1323 = tpu.vector_load %arg9[%parallel_loop3A_1321, %parallel_loop3A_1322] {strides = array<i32>} : memref<50x128xf32, #tpu.memory_space<vmem>>, vector<1x16xf32>,
        %parallel_loop3A_1324 = vector.shape_cast %parallel_loop3A_1323 : vector<1x16xf32> to vector<16xf32>
        %parallel_loop3A_1325 = arith.addf %parallel_loop3A_1311, %parallel_loop3A_1324 : vector<16xf32>
        %parallel_loop3A_1326 = arith.constant 0 : i32
        %parallel_loop3A_1327 = arith.addi %parallel_loop3A_1326, %parallel_loop3A_1310 : i32
        %parallel_loop3A_1328 = arith.index_cast %parallel_loop3A_1327 : i32 to index
        %parallel_loop3A_1329 = arith.constant 16 : index
        %parallel_loop3A_1330 = tpu.vector_load %arg9[%parallel_loop3A_1328, %parallel_loop3A_1329] {strides = array<i32>} : memref<50x128xf32, #tpu.memory_space<vmem>>, vector<1x16xf32>,
        %parallel_loop3A_1331 = vector.shape_cast %parallel_loop3A_1330 : vector<1x16xf32> to vector<16xf32>
        %parallel_loop3A_1332 = arith.addf %parallel_loop3A_1312, %parallel_loop3A_1331 : vector<16xf32>
        %parallel_loop3A_1333 = arith.constant 0 : i32
        %parallel_loop3A_1334 = arith.addi %parallel_loop3A_1333, %parallel_loop3A_1310 : i32
        %parallel_loop3A_1335 = arith.index_cast %parallel_loop3A_1334 : i32 to index
        %parallel_loop3A_1336 = arith.constant 32 : index
        %parallel_loop3A_1337 = tpu.vector_load %arg9[%parallel_loop3A_1335, %parallel_loop3A_1336] {strides = array<i32>} : memref<50x128xf32, #tpu.memory_space<vmem>>, vector<1x16xf32>,
        %parallel_loop3A_1338 = vector.shape_cast %parallel_loop3A_1337 : vector<1x16xf32> to vector<16xf32>
        %parallel_loop3A_1339 = arith.addf %parallel_loop3A_1313, %parallel_loop3A_1338 : vector<16xf32>
        %parallel_loop3A_1340 = arith.constant 0 : i32
        %parallel_loop3A_1341 = arith.addi %parallel_loop3A_1340, %parallel_loop3A_1310 : i32
        %parallel_loop3A_1342 = arith.index_cast %parallel_loop3A_1341 : i32 to index
        %parallel_loop3A_1343 = arith.constant 48 : index
        %parallel_loop3A_1344 = tpu.vector_load %arg9[%parallel_loop3A_1342, %parallel_loop3A_1343] {strides = array<i32>} : memref<50x128xf32, #tpu.memory_space<vmem>>, vector<1x16xf32>,
        %parallel_loop3A_1345 = vector.shape_cast %parallel_loop3A_1344 : vector<1x16xf32> to vector<16xf32>
        %parallel_loop3A_1346 = arith.addf %parallel_loop3A_1314, %parallel_loop3A_1345 : vector<16xf32>
        %parallel_loop3A_1347 = arith.constant 0 : i32
        %parallel_loop3A_1348 = arith.addi %parallel_loop3A_1347, %parallel_loop3A_1310 : i32
        %parallel_loop3A_1349 = arith.index_cast %parallel_loop3A_1348 : i32 to index
        %parallel_loop3A_1350 = arith.constant 64 : index
        %parallel_loop3A_1351 = tpu.vector_load %arg9[%parallel_loop3A_1349, %parallel_loop3A_1350] {strides = array<i32>} : memref<50x128xf32, #tpu.memory_space<vmem>>, vector<1x16xf32>,
        %parallel_loop3A_1352 = vector.shape_cast %parallel_loop3A_1351 : vector<1x16xf32> to vector<16xf32>
        %parallel_loop3A_1353 = arith.addf %parallel_loop3A_1315, %parallel_loop3A_1352 : vector<16xf32>
        %parallel_loop3A_1354 = arith.constant 0 : i32
        %parallel_loop3A_1355 = arith.addi %parallel_loop3A_1354, %parallel_loop3A_1310 : i32
        %parallel_loop3A_1356 = arith.index_cast %parallel_loop3A_1355 : i32 to index
        %parallel_loop3A_1357 = arith.constant 80 : index
        %parallel_loop3A_1358 = tpu.vector_load %arg9[%parallel_loop3A_1356, %parallel_loop3A_1357] {strides = array<i32>} : memref<50x128xf32, #tpu.memory_space<vmem>>, vector<1x16xf32>,
        %parallel_loop3A_1359 = vector.shape_cast %parallel_loop3A_1358 : vector<1x16xf32> to vector<16xf32>
        %parallel_loop3A_1360 = arith.addf %parallel_loop3A_1316, %parallel_loop3A_1359 : vector<16xf32>
        %parallel_loop3A_1361 = arith.constant 0 : i32
        %parallel_loop3A_1362 = arith.addi %parallel_loop3A_1361, %parallel_loop3A_1310 : i32
        %parallel_loop3A_1363 = arith.index_cast %parallel_loop3A_1362 : i32 to index
        %parallel_loop3A_1364 = arith.constant 96 : index
        %parallel_loop3A_1365 = tpu.vector_load %arg9[%parallel_loop3A_1363, %parallel_loop3A_1364] {strides = array<i32>} : memref<50x128xf32, #tpu.memory_space<vmem>>, vector<1x16xf32>,
        %parallel_loop3A_1366 = vector.shape_cast %parallel_loop3A_1365 : vector<1x16xf32> to vector<16xf32>
        %parallel_loop3A_1367 = arith.addf %parallel_loop3A_1317, %parallel_loop3A_1366 : vector<16xf32>
        %parallel_loop3A_1368 = arith.constant 0 : i32
        %parallel_loop3A_1369 = arith.addi %parallel_loop3A_1368, %parallel_loop3A_1310 : i32
        %parallel_loop3A_1370 = arith.index_cast %parallel_loop3A_1369 : i32 to index
        %parallel_loop3A_1371 = arith.constant 112 : index
        %parallel_loop3A_1372 = tpu.vector_load %arg9[%parallel_loop3A_1370, %parallel_loop3A_1371] {strides = array<i32>} : memref<50x128xf32, #tpu.memory_space<vmem>>, vector<1x16xf32>,
        %parallel_loop3A_1373 = vector.shape_cast %parallel_loop3A_1372 : vector<1x16xf32> to vector<16xf32>
        %parallel_loop3A_1374 = arith.addf %parallel_loop3A_1318, %parallel_loop3A_1373 : vector<16xf32>
        scf.yield %parallel_loop3A_1325, %parallel_loop3A_1332, %parallel_loop3A_1339, %parallel_loop3A_1346, %parallel_loop3A_1353, %parallel_loop3A_1360, %parallel_loop3A_1367, %parallel_loop3A_1374 : vector<16xf32>, vector<16xf32>, vector<16xf32>, vector<16xf32>, vector<16xf32>, vector<16xf32>, vector<16xf32>, vector<16xf32>
      } {sc.loop_unroll_factor = 4 : i64, sc.parallel_access}
      %mul3A_429 = arith.constant 2.000000e-02 : f32
      %mul3A_430 = vector.broadcast %mul3A_429 : f32 to vector<16xf32>
      %mul3A_431 = arith.mulf %parallel_loop3A_428#0, %mul3A_430 : vector<16xf32>
      %mul3A_432 = arith.constant 1 : i32
      %mul3A_433 = arith.muli %add3A_369, %mul3A_432 : i32
      %add3A_434 = arith.constant 0 : i32
      %add3A_435 = arith.addi %mul3A_433, %add3A_434 : i32
      %swap3A_436 = arith.index_cast %add3A_435 : i32 to index
      %swap3A_437 = arith.constant 0 : index
      %swap3A_438 = tpu.vector_load %arg6[%swap3A_436, %swap3A_437] {strides = array<i32>} : memref<128x128xf32, #tpu.memory_space<vmem>>, vector<1x16xf32>,
      %swap3A_439 = vector.shape_cast %swap3A_438 : vector<1x16xf32> to vector<16xf32>
      %swap3A_440 = vector.shape_cast %mul3A_431 : vector<16xf32> to vector<1x16xf32>
      tpu.vector_store %arg6[%swap3A_436, %swap3A_437], %swap3A_440 {strides = array<i32>} : memref<128x128xf32, #tpu.memory_space<vmem>>, vector<1x16xf32>,
      %mul3A_441 = arith.constant 2.000000e-02 : f32
      %mul3A_442 = vector.broadcast %mul3A_441 : f32 to vector<16xf32>
      %mul3A_443 = arith.mulf %parallel_loop3A_428#1, %mul3A_442 : vector<16xf32>
      %mul3A_444 = arith.constant 1 : i32
      %mul3A_445 = arith.muli %add3A_369, %mul3A_444 : i32
      %add3A_446 = arith.constant 0 : i32
      %add3A_447 = arith.addi %mul3A_445, %add3A_446 : i32
      %swap3A_448 = arith.index_cast %add3A_447 : i32 to index
      %swap3A_449 = arith.constant 16 : index
      %swap3A_450 = tpu.vector_load %arg6[%swap3A_448, %swap3A_449] {strides = array<i32>} : memref<128x128xf32, #tpu.memory_space<vmem>>, vector<1x16xf32>,
      %swap3A_451 = vector.shape_cast %swap3A_450 : vector<1x16xf32> to vector<16xf32>
      %swap3A_452 = vector.shape_cast %mul3A_443 : vector<16xf32> to vector<1x16xf32>
      tpu.vector_store %arg6[%swap3A_448, %swap3A_449], %swap3A_452 {strides = array<i32>} : memref<128x128xf32, #tpu.memory_space<vmem>>, vector<1x16xf32>,
      %mul3A_453 = arith.constant 2.000000e-02 : f32
      %mul3A_454 = vector.broadcast %mul3A_453 : f32 to vector<16xf32>
      %mul3A_455 = arith.mulf %parallel_loop3A_428#2, %mul3A_454 : vector<16xf32>
      %mul3A_456 = arith.constant 1 : i32
      %mul3A_457 = arith.muli %add3A_369, %mul3A_456 : i32
      %add3A_458 = arith.constant 0 : i32
      %add3A_459 = arith.addi %mul3A_457, %add3A_458 : i32
      %swap3A_460 = arith.index_cast %add3A_459 : i32 to index
      %swap3A_461 = arith.constant 32 : index
      %swap3A_462 = tpu.vector_load %arg6[%swap3A_460, %swap3A_461] {strides = array<i32>} : memref<128x128xf32, #tpu.memory_space<vmem>>, vector<1x16xf32>,
      %swap3A_463 = vector.shape_cast %swap3A_462 : vector<1x16xf32> to vector<16xf32>
      %swap3A_464 = vector.shape_cast %mul3A_455 : vector<16xf32> to vector<1x16xf32>
      tpu.vector_store %arg6[%swap3A_460, %swap3A_461], %swap3A_464 {strides = array<i32>} : memref<128x128xf32, #tpu.memory_space<vmem>>, vector<1x16xf32>,
      %mul3A_465 = arith.constant 2.000000e-02 : f32
      %mul3A_466 = vector.broadcast %mul3A_465 : f32 to vector<16xf32>
      %mul3A_467 = arith.mulf %parallel_loop3A_428#3, %mul3A_466 : vector<16xf32>
      %mul3A_468 = arith.constant 1 : i32
      %mul3A_469 = arith.muli %add3A_369, %mul3A_468 : i32
      %add3A_470 = arith.constant 0 : i32
      %add3A_471 = arith.addi %mul3A_469, %add3A_470 : i32
      %swap3A_472 = arith.index_cast %add3A_471 : i32 to index
      %swap3A_473 = arith.constant 48 : index
      %swap3A_474 = tpu.vector_load %arg6[%swap3A_472, %swap3A_473] {strides = array<i32>} : memref<128x128xf32, #tpu.memory_space<vmem>>, vector<1x16xf32>,
      %swap3A_475 = vector.shape_cast %swap3A_474 : vector<1x16xf32> to vector<16xf32>
      %swap3A_476 = vector.shape_cast %mul3A_467 : vector<16xf32> to vector<1x16xf32>
      tpu.vector_store %arg6[%swap3A_472, %swap3A_473], %swap3A_476 {strides = array<i32>} : memref<128x128xf32, #tpu.memory_space<vmem>>, vector<1x16xf32>,
      %mul3A_477 = arith.constant 2.000000e-02 : f32
      %mul3A_478 = vector.broadcast %mul3A_477 : f32 to vector<16xf32>
      %mul3A_479 = arith.mulf %parallel_loop3A_428#4, %mul3A_478 : vector<16xf32>
      %mul3A_480 = arith.constant 1 : i32
      %mul3A_481 = arith.muli %add3A_369, %mul3A_480 : i32
      %add3A_482 = arith.constant 0 : i32
      %add3A_483 = arith.addi %mul3A_481, %add3A_482 : i32
      %swap3A_484 = arith.index_cast %add3A_483 : i32 to index
      %swap3A_485 = arith.constant 64 : index
      %swap3A_486 = tpu.vector_load %arg6[%swap3A_484, %swap3A_485] {strides = array<i32>} : memref<128x128xf32, #tpu.memory_space<vmem>>, vector<1x16xf32>,
      %swap3A_487 = vector.shape_cast %swap3A_486 : vector<1x16xf32> to vector<16xf32>
      %swap3A_488 = vector.shape_cast %mul3A_479 : vector<16xf32> to vector<1x16xf32>
      tpu.vector_store %arg6[%swap3A_484, %swap3A_485], %swap3A_488 {strides = array<i32>} : memref<128x128xf32, #tpu.memory_space<vmem>>, vector<1x16xf32>,
      %mul3A_489 = arith.constant 2.000000e-02 : f32
      %mul3A_490 = vector.broadcast %mul3A_489 : f32 to vector<16xf32>
      %mul3A_491 = arith.mulf %parallel_loop3A_428#5, %mul3A_490 : vector<16xf32>
      %mul3A_492 = arith.constant 1 : i32
      %mul3A_493 = arith.muli %add3A_369, %mul3A_492 : i32
      %add3A_494 = arith.constant 0 : i32
      %add3A_495 = arith.addi %mul3A_493, %add3A_494 : i32
      %swap3A_496 = arith.index_cast %add3A_495 : i32 to index
      %swap3A_497 = arith.constant 80 : index
      %swap3A_498 = tpu.vector_load %arg6[%swap3A_496, %swap3A_497] {strides = array<i32>} : memref<128x128xf32, #tpu.memory_space<vmem>>, vector<1x16xf32>,
      %swap3A_499 = vector.shape_cast %swap3A_498 : vector<1x16xf32> to vector<16xf32>
      %swap3A_500 = vector.shape_cast %mul3A_491 : vector<16xf32> to vector<1x16xf32>
      tpu.vector_store %arg6[%swap3A_496, %swap3A_497], %swap3A_500 {strides = array<i32>} : memref<128x128xf32, #tpu.memory_space<vmem>>, vector<1x16xf32>,
      %mul3A_501 = arith.constant 2.000000e-02 : f32
      %mul3A_502 = vector.broadcast %mul3A_501 : f32 to vector<16xf32>
      %mul3A_503 = arith.mulf %parallel_loop3A_428#6, %mul3A_502 : vector<16xf32>
      %mul3A_504 = arith.constant 1 : i32
      %mul3A_505 = arith.muli %add3A_369, %mul3A_504 : i32
      %add3A_506 = arith.constant 0 : i32
      %add3A_507 = arith.addi %mul3A_505, %add3A_506 : i32
      %swap3A_508 = arith.index_cast %add3A_507 : i32 to index
      %swap3A_509 = arith.constant 96 : index
      %swap3A_510 = tpu.vector_load %arg6[%swap3A_508, %swap3A_509] {strides = array<i32>} : memref<128x128xf32, #tpu.memory_space<vmem>>, vector<1x16xf32>,
      %swap3A_511 = vector.shape_cast %swap3A_510 : vector<1x16xf32> to vector<16xf32>
      %swap3A_512 = vector.shape_cast %mul3A_503 : vector<16xf32> to vector<1x16xf32>
      tpu.vector_store %arg6[%swap3A_508, %swap3A_509], %swap3A_512 {strides = array<i32>} : memref<128x128xf32, #tpu.memory_space<vmem>>, vector<1x16xf32>,
      %mul3A_513 = arith.constant 2.000000e-02 : f32
      %mul3A_514 = vector.broadcast %mul3A_513 : f32 to vector<16xf32>
      %mul3A_515 = arith.mulf %parallel_loop3A_428#7, %mul3A_514 : vector<16xf32>
      %mul3A_516 = arith.constant 1 : i32
      %mul3A_517 = arith.muli %add3A_369, %mul3A_516 : i32
      %add3A_518 = arith.constant 0 : i32
      %add3A_519 = arith.addi %mul3A_517, %add3A_518 : i32
      %swap3A_520 = arith.index_cast %add3A_519 : i32 to index
      %swap3A_521 = arith.constant 112 : index
      %swap3A_522 = tpu.vector_load %arg6[%swap3A_520, %swap3A_521] {strides = array<i32>} : memref<128x128xf32, #tpu.memory_space<vmem>>, vector<1x16xf32>,
      %swap3A_523 = vector.shape_cast %swap3A_522 : vector<1x16xf32> to vector<16xf32>
      %swap3A_524 = vector.shape_cast %mul3A_515 : vector<16xf32> to vector<1x16xf32>
      tpu.vector_store %arg6[%swap3A_520, %swap3A_521], %swap3A_524 {strides = array<i32>} : memref<128x128xf32, #tpu.memory_space<vmem>>, vector<1x16xf32>,
      %add3A_525 = arith.constant 3 : i32
      %add3A_526 = arith.addi %add3A_61, %add3A_525 : i32
      %dma_wait3A_527 = arith.constant 0 : i32
      %dma_wait3A_528 = tpu.memref_slice %arg5[%add3A_526, %dma_wait3A_527] : memref<128x50xi32, #tpu.memory_space<vmem>> -> memref<1x50xi32, #tpu.memory_space<vmem>>
      %dma_wait3A_529 = tpu.memref_squeeze %dma_wait3A_528 : memref<1x50xi32, #tpu.memory_space<vmem>> -> memref<50xi32, #tpu.memory_space<vmem>>
      %dma_wait3A_530 = arith.constant 0 : i32
      %dma_wait3A_531 = arith.constant 0 : i32
      %dma_wait3A_532 = tpu.memref_slice %arg3[%dma_wait3A_530, %dma_wait3A_531] : memref<100000x128xf32, #tpu.memory_space<hbm>> -> memref<100000x128xf32, #tpu.memory_space<hbm>>
      tpu.wait_indirect_dma semaphore(%arg18 : memref<!tpu.dma_semaphore, #tpu.memory_space<semaphore_mem>>) src(%dma_wait3A_532 : memref<100000x128xf32, #tpu.memory_space<hbm>>) dst(%arg10 : memref<50x128xf32, #tpu.memory_space<vmem>>)
      %add3A_533 = arith.constant 8 : i32
      %add3A_534 = arith.addi %add3A_526, %add3A_533 : i32
      %sub3A_535 = arith.constant 1 : i32
      %sub3A_536 = arith.subi %add3A_534, %sub3A_535 : i32
      %lt3A_537 = arith.constant 128 : i32
      %lt3A_538 = arith.cmpi slt, %sub3A_536, %lt3A_537 : i32
      %convert_element_type3A_539 = arith.extui %lt3A_538 : i1 to i32
      %cond3A_540 = arith.constant 0 : i32
      %cond3A_541 = arith.cmpi ne, %convert_element_type3A_539, %cond3A_540 : i32
      scf.if %cond3A_541 {
        %add3A_1310 = arith.constant 8 : i32
        %add3A_1311 = arith.addi %add3A_526, %add3A_1310 : i32
        %sub3A_1312 = arith.constant 1 : i32
        %sub3A_1313 = arith.subi %add3A_1311, %sub3A_1312 : i32
        %dma_start3A_1314 = arith.constant 0 : i32
        %dma_start3A_1315 = tpu.memref_slice %arg5[%sub3A_1313, %dma_start3A_1314] : memref<128x50xi32, #tpu.memory_space<vmem>> -> memref<1x50xi32, #tpu.memory_space<vmem>>
        %dma_start3A_1316 = tpu.memref_squeeze %dma_start3A_1315 : memref<1x50xi32, #tpu.memory_space<vmem>> -> memref<50xi32, #tpu.memory_space<vmem>>
        %dma_start3A_1317 = arith.constant 0 : i32
        %dma_start3A_1318 = arith.constant 0 : i32
        %dma_start3A_1319 = tpu.memref_slice %arg3[%dma_start3A_1317, %dma_start3A_1318] : memref<100000x128xf32, #tpu.memory_space<hbm>> -> memref<100000x128xf32, #tpu.memory_space<hbm>>
        tpu.enqueue_indirect_dma source(%dma_start3A_1319 : memref<100000x128xf32, #tpu.memory_space<hbm>>) target(%arg9 : memref<50x128xf32, #tpu.memory_space<vmem>>) offsets(%dma_start3A_1316 : memref<50xi32, #tpu.memory_space<vmem>>) semaphore(%arg17 : memref<!tpu.dma_semaphore, #tpu.memory_space<semaphore_mem>>)
      } else {
      }
      %get3A_542 = arith.constant 0 : i32
      %get3A_543 = arith.index_cast %get3A_542 : i32 to index
      %get3A_544 = arith.constant 0 : index
      %get3A_545 = tpu.vector_load %arg10[%get3A_543, %get3A_544] {strides = array<i32>} : memref<50x128xf32, #tpu.memory_space<vmem>>, vector<1x16xf32>,
      %get3A_546 = vector.shape_cast %get3A_545 : vector<1x16xf32> to vector<16xf32>
      %get3A_547 = arith.constant 0 : i32
      %get3A_548 = arith.index_cast %get3A_547 : i32 to index
      %get3A_549 = arith.constant 16 : index
      %get3A_550 = tpu.vector_load %arg10[%get3A_548, %get3A_549] {strides = array<i32>} : memref<50x128xf32, #tpu.memory_space<vmem>>, vector<1x16xf32>,
      %get3A_551 = vector.shape_cast %get3A_550 : vector<1x16xf32> to vector<16xf32>
      %get3A_552 = arith.constant 0 : i32
      %get3A_553 = arith.index_cast %get3A_552 : i32 to index
      %get3A_554 = arith.constant 32 : index
      %get3A_555 = tpu.vector_load %arg10[%get3A_553, %get3A_554] {strides = array<i32>} : memref<50x128xf32, #tpu.memory_space<vmem>>, vector<1x16xf32>,
      %get3A_556 = vector.shape_cast %get3A_555 : vector<1x16xf32> to vector<16xf32>
      %get3A_557 = arith.constant 0 : i32
      %get3A_558 = arith.index_cast %get3A_557 : i32 to index
      %get3A_559 = arith.constant 48 : index
      %get3A_560 = tpu.vector_load %arg10[%get3A_558, %get3A_559] {strides = array<i32>} : memref<50x128xf32, #tpu.memory_space<vmem>>, vector<1x16xf32>,
      %get3A_561 = vector.shape_cast %get3A_560 : vector<1x16xf32> to vector<16xf32>
      %get3A_562 = arith.constant 0 : i32
      %get3A_563 = arith.index_cast %get3A_562 : i32 to index
      %get3A_564 = arith.constant 64 : index
      %get3A_565 = tpu.vector_load %arg10[%get3A_563, %get3A_564] {strides = array<i32>} : memref<50x128xf32, #tpu.memory_space<vmem>>, vector<1x16xf32>,
      %get3A_566 = vector.shape_cast %get3A_565 : vector<1x16xf32> to vector<16xf32>
      %get3A_567 = arith.constant 0 : i32
      %get3A_568 = arith.index_cast %get3A_567 : i32 to index
      %get3A_569 = arith.constant 80 : index
      %get3A_570 = tpu.vector_load %arg10[%get3A_568, %get3A_569] {strides = array<i32>} : memref<50x128xf32, #tpu.memory_space<vmem>>, vector<1x16xf32>,
      %get3A_571 = vector.shape_cast %get3A_570 : vector<1x16xf32> to vector<16xf32>
      %get3A_572 = arith.constant 0 : i32
      %get3A_573 = arith.index_cast %get3A_572 : i32 to index
      %get3A_574 = arith.constant 96 : index
      %get3A_575 = tpu.vector_load %arg10[%get3A_573, %get3A_574] {strides = array<i32>} : memref<50x128xf32, #tpu.memory_space<vmem>>, vector<1x16xf32>,
      %get3A_576 = vector.shape_cast %get3A_575 : vector<1x16xf32> to vector<16xf32>
      %get3A_577 = arith.constant 0 : i32
      %get3A_578 = arith.index_cast %get3A_577 : i32 to index
      %get3A_579 = arith.constant 112 : index
      %get3A_580 = tpu.vector_load %arg10[%get3A_578, %get3A_579] {strides = array<i32>} : memref<50x128xf32, #tpu.memory_space<vmem>>, vector<1x16xf32>,
      %get3A_581 = vector.shape_cast %get3A_580 : vector<1x16xf32> to vector<16xf32>
      %parallel_loop3A_582 = arith.constant 1 : i32
      %parallel_loop3A_583 = arith.constant 50 : i32
      %parallel_loop3A_584 = arith.constant 1 : i32
      %parallel_loop3A_585:8 = scf.for %parallel_loop3A_1310 = %parallel_loop3A_582 to %parallel_loop3A_583 step %parallel_loop3A_584 iter_args(%parallel_loop3A_1311 = %get3A_546, %parallel_loop3A_1312 = %get3A_551, %parallel_loop3A_1313 = %get3A_556, %parallel_loop3A_1314 = %get3A_561, %parallel_loop3A_1315 = %get3A_566, %parallel_loop3A_1316 = %get3A_571, %parallel_loop3A_1317 = %get3A_576, %parallel_loop3A_1318 = %get3A_581) -> (vector<16xf32>, vector<16xf32>, vector<16xf32>, vector<16xf32>, vector<16xf32>, vector<16xf32>, vector<16xf32>, vector<16xf32>)  : i32 {
        %parallel_loop3A_1319 = arith.constant 0 : i32
        %parallel_loop3A_1320 = arith.addi %parallel_loop3A_1319, %parallel_loop3A_1310 : i32
        %parallel_loop3A_1321 = arith.index_cast %parallel_loop3A_1320 : i32 to index
        %parallel_loop3A_1322 = arith.constant 0 : index
        %parallel_loop3A_1323 = tpu.vector_load %arg10[%parallel_loop3A_1321, %parallel_loop3A_1322] {strides = array<i32>} : memref<50x128xf32, #tpu.memory_space<vmem>>, vector<1x16xf32>,
        %parallel_loop3A_1324 = vector.shape_cast %parallel_loop3A_1323 : vector<1x16xf32> to vector<16xf32>
        %parallel_loop3A_1325 = arith.addf %parallel_loop3A_1311, %parallel_loop3A_1324 : vector<16xf32>
        %parallel_loop3A_1326 = arith.constant 0 : i32
        %parallel_loop3A_1327 = arith.addi %parallel_loop3A_1326, %parallel_loop3A_1310 : i32
        %parallel_loop3A_1328 = arith.index_cast %parallel_loop3A_1327 : i32 to index
        %parallel_loop3A_1329 = arith.constant 16 : index
        %parallel_loop3A_1330 = tpu.vector_load %arg10[%parallel_loop3A_1328, %parallel_loop3A_1329] {strides = array<i32>} : memref<50x128xf32, #tpu.memory_space<vmem>>, vector<1x16xf32>,
        %parallel_loop3A_1331 = vector.shape_cast %parallel_loop3A_1330 : vector<1x16xf32> to vector<16xf32>
        %parallel_loop3A_1332 = arith.addf %parallel_loop3A_1312, %parallel_loop3A_1331 : vector<16xf32>
        %parallel_loop3A_1333 = arith.constant 0 : i32
        %parallel_loop3A_1334 = arith.addi %parallel_loop3A_1333, %parallel_loop3A_1310 : i32
        %parallel_loop3A_1335 = arith.index_cast %parallel_loop3A_1334 : i32 to index
        %parallel_loop3A_1336 = arith.constant 32 : index
        %parallel_loop3A_1337 = tpu.vector_load %arg10[%parallel_loop3A_1335, %parallel_loop3A_1336] {strides = array<i32>} : memref<50x128xf32, #tpu.memory_space<vmem>>, vector<1x16xf32>,
        %parallel_loop3A_1338 = vector.shape_cast %parallel_loop3A_1337 : vector<1x16xf32> to vector<16xf32>
        %parallel_loop3A_1339 = arith.addf %parallel_loop3A_1313, %parallel_loop3A_1338 : vector<16xf32>
        %parallel_loop3A_1340 = arith.constant 0 : i32
        %parallel_loop3A_1341 = arith.addi %parallel_loop3A_1340, %parallel_loop3A_1310 : i32
        %parallel_loop3A_1342 = arith.index_cast %parallel_loop3A_1341 : i32 to index
        %parallel_loop3A_1343 = arith.constant 48 : index
        %parallel_loop3A_1344 = tpu.vector_load %arg10[%parallel_loop3A_1342, %parallel_loop3A_1343] {strides = array<i32>} : memref<50x128xf32, #tpu.memory_space<vmem>>, vector<1x16xf32>,
        %parallel_loop3A_1345 = vector.shape_cast %parallel_loop3A_1344 : vector<1x16xf32> to vector<16xf32>
        %parallel_loop3A_1346 = arith.addf %parallel_loop3A_1314, %parallel_loop3A_1345 : vector<16xf32>
        %parallel_loop3A_1347 = arith.constant 0 : i32
        %parallel_loop3A_1348 = arith.addi %parallel_loop3A_1347, %parallel_loop3A_1310 : i32
        %parallel_loop3A_1349 = arith.index_cast %parallel_loop3A_1348 : i32 to index
        %parallel_loop3A_1350 = arith.constant 64 : index
        %parallel_loop3A_1351 = tpu.vector_load %arg10[%parallel_loop3A_1349, %parallel_loop3A_1350] {strides = array<i32>} : memref<50x128xf32, #tpu.memory_space<vmem>>, vector<1x16xf32>,
        %parallel_loop3A_1352 = vector.shape_cast %parallel_loop3A_1351 : vector<1x16xf32> to vector<16xf32>
        %parallel_loop3A_1353 = arith.addf %parallel_loop3A_1315, %parallel_loop3A_1352 : vector<16xf32>
        %parallel_loop3A_1354 = arith.constant 0 : i32
        %parallel_loop3A_1355 = arith.addi %parallel_loop3A_1354, %parallel_loop3A_1310 : i32
        %parallel_loop3A_1356 = arith.index_cast %parallel_loop3A_1355 : i32 to index
        %parallel_loop3A_1357 = arith.constant 80 : index
        %parallel_loop3A_1358 = tpu.vector_load %arg10[%parallel_loop3A_1356, %parallel_loop3A_1357] {strides = array<i32>} : memref<50x128xf32, #tpu.memory_space<vmem>>, vector<1x16xf32>,
        %parallel_loop3A_1359 = vector.shape_cast %parallel_loop3A_1358 : vector<1x16xf32> to vector<16xf32>
        %parallel_loop3A_1360 = arith.addf %parallel_loop3A_1316, %parallel_loop3A_1359 : vector<16xf32>
        %parallel_loop3A_1361 = arith.constant 0 : i32
        %parallel_loop3A_1362 = arith.addi %parallel_loop3A_1361, %parallel_loop3A_1310 : i32
        %parallel_loop3A_1363 = arith.index_cast %parallel_loop3A_1362 : i32 to index
        %parallel_loop3A_1364 = arith.constant 96 : index
        %parallel_loop3A_1365 = tpu.vector_load %arg10[%parallel_loop3A_1363, %parallel_loop3A_1364] {strides = array<i32>} : memref<50x128xf32, #tpu.memory_space<vmem>>, vector<1x16xf32>,
        %parallel_loop3A_1366 = vector.shape_cast %parallel_loop3A_1365 : vector<1x16xf32> to vector<16xf32>
        %parallel_loop3A_1367 = arith.addf %parallel_loop3A_1317, %parallel_loop3A_1366 : vector<16xf32>
        %parallel_loop3A_1368 = arith.constant 0 : i32
        %parallel_loop3A_1369 = arith.addi %parallel_loop3A_1368, %parallel_loop3A_1310 : i32
        %parallel_loop3A_1370 = arith.index_cast %parallel_loop3A_1369 : i32 to index
        %parallel_loop3A_1371 = arith.constant 112 : index
        %parallel_loop3A_1372 = tpu.vector_load %arg10[%parallel_loop3A_1370, %parallel_loop3A_1371] {strides = array<i32>} : memref<50x128xf32, #tpu.memory_space<vmem>>, vector<1x16xf32>,
        %parallel_loop3A_1373 = vector.shape_cast %parallel_loop3A_1372 : vector<1x16xf32> to vector<16xf32>
        %parallel_loop3A_1374 = arith.addf %parallel_loop3A_1318, %parallel_loop3A_1373 : vector<16xf32>
        scf.yield %parallel_loop3A_1325, %parallel_loop3A_1332, %parallel_loop3A_1339, %parallel_loop3A_1346, %parallel_loop3A_1353, %parallel_loop3A_1360, %parallel_loop3A_1367, %parallel_loop3A_1374 : vector<16xf32>, vector<16xf32>, vector<16xf32>, vector<16xf32>, vector<16xf32>, vector<16xf32>, vector<16xf32>, vector<16xf32>
      } {sc.loop_unroll_factor = 4 : i64, sc.parallel_access}
      %mul3A_586 = arith.constant 2.000000e-02 : f32
      %mul3A_587 = vector.broadcast %mul3A_586 : f32 to vector<16xf32>
      %mul3A_588 = arith.mulf %parallel_loop3A_585#0, %mul3A_587 : vector<16xf32>
      %mul3A_589 = arith.constant 1 : i32
      %mul3A_590 = arith.muli %add3A_526, %mul3A_589 : i32
      %add3A_591 = arith.constant 0 : i32
      %add3A_592 = arith.addi %mul3A_590, %add3A_591 : i32
      %swap3A_593 = arith.index_cast %add3A_592 : i32 to index
      %swap3A_594 = arith.constant 0 : index
      %swap3A_595 = tpu.vector_load %arg6[%swap3A_593, %swap3A_594] {strides = array<i32>} : memref<128x128xf32, #tpu.memory_space<vmem>>, vector<1x16xf32>,
      %swap3A_596 = vector.shape_cast %swap3A_595 : vector<1x16xf32> to vector<16xf32>
      %swap3A_597 = vector.shape_cast %mul3A_588 : vector<16xf32> to vector<1x16xf32>
      tpu.vector_store %arg6[%swap3A_593, %swap3A_594], %swap3A_597 {strides = array<i32>} : memref<128x128xf32, #tpu.memory_space<vmem>>, vector<1x16xf32>,
      %mul3A_598 = arith.constant 2.000000e-02 : f32
      %mul3A_599 = vector.broadcast %mul3A_598 : f32 to vector<16xf32>
      %mul3A_600 = arith.mulf %parallel_loop3A_585#1, %mul3A_599 : vector<16xf32>
      %mul3A_601 = arith.constant 1 : i32
      %mul3A_602 = arith.muli %add3A_526, %mul3A_601 : i32
      %add3A_603 = arith.constant 0 : i32
      %add3A_604 = arith.addi %mul3A_602, %add3A_603 : i32
      %swap3A_605 = arith.index_cast %add3A_604 : i32 to index
      %swap3A_606 = arith.constant 16 : index
      %swap3A_607 = tpu.vector_load %arg6[%swap3A_605, %swap3A_606] {strides = array<i32>} : memref<128x128xf32, #tpu.memory_space<vmem>>, vector<1x16xf32>,
      %swap3A_608 = vector.shape_cast %swap3A_607 : vector<1x16xf32> to vector<16xf32>
      %swap3A_609 = vector.shape_cast %mul3A_600 : vector<16xf32> to vector<1x16xf32>
      tpu.vector_store %arg6[%swap3A_605, %swap3A_606], %swap3A_609 {strides = array<i32>} : memref<128x128xf32, #tpu.memory_space<vmem>>, vector<1x16xf32>,
      %mul3A_610 = arith.constant 2.000000e-02 : f32
      %mul3A_611 = vector.broadcast %mul3A_610 : f32 to vector<16xf32>
      %mul3A_612 = arith.mulf %parallel_loop3A_585#2, %mul3A_611 : vector<16xf32>
      %mul3A_613 = arith.constant 1 : i32
      %mul3A_614 = arith.muli %add3A_526, %mul3A_613 : i32
      %add3A_615 = arith.constant 0 : i32
      %add3A_616 = arith.addi %mul3A_614, %add3A_615 : i32
      %swap3A_617 = arith.index_cast %add3A_616 : i32 to index
      %swap3A_618 = arith.constant 32 : index
      %swap3A_619 = tpu.vector_load %arg6[%swap3A_617, %swap3A_618] {strides = array<i32>} : memref<128x128xf32, #tpu.memory_space<vmem>>, vector<1x16xf32>,
      %swap3A_620 = vector.shape_cast %swap3A_619 : vector<1x16xf32> to vector<16xf32>
      %swap3A_621 = vector.shape_cast %mul3A_612 : vector<16xf32> to vector<1x16xf32>
      tpu.vector_store %arg6[%swap3A_617, %swap3A_618], %swap3A_621 {strides = array<i32>} : memref<128x128xf32, #tpu.memory_space<vmem>>, vector<1x16xf32>,
      %mul3A_622 = arith.constant 2.000000e-02 : f32
      %mul3A_623 = vector.broadcast %mul3A_622 : f32 to vector<16xf32>
      %mul3A_624 = arith.mulf %parallel_loop3A_585#3, %mul3A_623 : vector<16xf32>
      %mul3A_625 = arith.constant 1 : i32
      %mul3A_626 = arith.muli %add3A_526, %mul3A_625 : i32
      %add3A_627 = arith.constant 0 : i32
      %add3A_628 = arith.addi %mul3A_626, %add3A_627 : i32
      %swap3A_629 = arith.index_cast %add3A_628 : i32 to index
      %swap3A_630 = arith.constant 48 : index
      %swap3A_631 = tpu.vector_load %arg6[%swap3A_629, %swap3A_630] {strides = array<i32>} : memref<128x128xf32, #tpu.memory_space<vmem>>, vector<1x16xf32>,
      %swap3A_632 = vector.shape_cast %swap3A_631 : vector<1x16xf32> to vector<16xf32>
      %swap3A_633 = vector.shape_cast %mul3A_624 : vector<16xf32> to vector<1x16xf32>
      tpu.vector_store %arg6[%swap3A_629, %swap3A_630], %swap3A_633 {strides = array<i32>} : memref<128x128xf32, #tpu.memory_space<vmem>>, vector<1x16xf32>,
      %mul3A_634 = arith.constant 2.000000e-02 : f32
      %mul3A_635 = vector.broadcast %mul3A_634 : f32 to vector<16xf32>
      %mul3A_636 = arith.mulf %parallel_loop3A_585#4, %mul3A_635 : vector<16xf32>
      %mul3A_637 = arith.constant 1 : i32
      %mul3A_638 = arith.muli %add3A_526, %mul3A_637 : i32
      %add3A_639 = arith.constant 0 : i32
      %add3A_640 = arith.addi %mul3A_638, %add3A_639 : i32
      %swap3A_641 = arith.index_cast %add3A_640 : i32 to index
      %swap3A_642 = arith.constant 64 : index
      %swap3A_643 = tpu.vector_load %arg6[%swap3A_641, %swap3A_642] {strides = array<i32>} : memref<128x128xf32, #tpu.memory_space<vmem>>, vector<1x16xf32>,
      %swap3A_644 = vector.shape_cast %swap3A_643 : vector<1x16xf32> to vector<16xf32>
      %swap3A_645 = vector.shape_cast %mul3A_636 : vector<16xf32> to vector<1x16xf32>
      tpu.vector_store %arg6[%swap3A_641, %swap3A_642], %swap3A_645 {strides = array<i32>} : memref<128x128xf32, #tpu.memory_space<vmem>>, vector<1x16xf32>,
      %mul3A_646 = arith.constant 2.000000e-02 : f32
      %mul3A_647 = vector.broadcast %mul3A_646 : f32 to vector<16xf32>
      %mul3A_648 = arith.mulf %parallel_loop3A_585#5, %mul3A_647 : vector<16xf32>
      %mul3A_649 = arith.constant 1 : i32
      %mul3A_650 = arith.muli %add3A_526, %mul3A_649 : i32
      %add3A_651 = arith.constant 0 : i32
      %add3A_652 = arith.addi %mul3A_650, %add3A_651 : i32
      %swap3A_653 = arith.index_cast %add3A_652 : i32 to index
      %swap3A_654 = arith.constant 80 : index
      %swap3A_655 = tpu.vector_load %arg6[%swap3A_653, %swap3A_654] {strides = array<i32>} : memref<128x128xf32, #tpu.memory_space<vmem>>, vector<1x16xf32>,
      %swap3A_656 = vector.shape_cast %swap3A_655 : vector<1x16xf32> to vector<16xf32>
      %swap3A_657 = vector.shape_cast %mul3A_648 : vector<16xf32> to vector<1x16xf32>
      tpu.vector_store %arg6[%swap3A_653, %swap3A_654], %swap3A_657 {strides = array<i32>} : memref<128x128xf32, #tpu.memory_space<vmem>>, vector<1x16xf32>,
      %mul3A_658 = arith.constant 2.000000e-02 : f32
      %mul3A_659 = vector.broadcast %mul3A_658 : f32 to vector<16xf32>
      %mul3A_660 = arith.mulf %parallel_loop3A_585#6, %mul3A_659 : vector<16xf32>
      %mul3A_661 = arith.constant 1 : i32
      %mul3A_662 = arith.muli %add3A_526, %mul3A_661 : i32
      %add3A_663 = arith.constant 0 : i32
      %add3A_664 = arith.addi %mul3A_662, %add3A_663 : i32
      %swap3A_665 = arith.index_cast %add3A_664 : i32 to index
      %swap3A_666 = arith.constant 96 : index
      %swap3A_667 = tpu.vector_load %arg6[%swap3A_665, %swap3A_666] {strides = array<i32>} : memref<128x128xf32, #tpu.memory_space<vmem>>, vector<1x16xf32>,
      %swap3A_668 = vector.shape_cast %swap3A_667 : vector<1x16xf32> to vector<16xf32>
      %swap3A_669 = vector.shape_cast %mul3A_660 : vector<16xf32> to vector<1x16xf32>
      tpu.vector_store %arg6[%swap3A_665, %swap3A_666], %swap3A_669 {strides = array<i32>} : memref<128x128xf32, #tpu.memory_space<vmem>>, vector<1x16xf32>,
      %mul3A_670 = arith.constant 2.000000e-02 : f32
      %mul3A_671 = vector.broadcast %mul3A_670 : f32 to vector<16xf32>
      %mul3A_672 = arith.mulf %parallel_loop3A_585#7, %mul3A_671 : vector<16xf32>
      %mul3A_673 = arith.constant 1 : i32
      %mul3A_674 = arith.muli %add3A_526, %mul3A_673 : i32
      %add3A_675 = arith.constant 0 : i32
      %add3A_676 = arith.addi %mul3A_674, %add3A_675 : i32
      %swap3A_677 = arith.index_cast %add3A_676 : i32 to index
      %swap3A_678 = arith.constant 112 : index
      %swap3A_679 = tpu.vector_load %arg6[%swap3A_677, %swap3A_678] {strides = array<i32>} : memref<128x128xf32, #tpu.memory_space<vmem>>, vector<1x16xf32>,
      %swap3A_680 = vector.shape_cast %swap3A_679 : vector<1x16xf32> to vector<16xf32>
      %swap3A_681 = vector.shape_cast %mul3A_672 : vector<16xf32> to vector<1x16xf32>
      tpu.vector_store %arg6[%swap3A_677, %swap3A_678], %swap3A_681 {strides = array<i32>} : memref<128x128xf32, #tpu.memory_space<vmem>>, vector<1x16xf32>,
      %add3A_682 = arith.constant 4 : i32
      %add3A_683 = arith.addi %add3A_61, %add3A_682 : i32
      %dma_wait3A_684 = arith.constant 0 : i32
      %dma_wait3A_685 = tpu.memref_slice %arg5[%add3A_683, %dma_wait3A_684] : memref<128x50xi32, #tpu.memory_space<vmem>> -> memref<1x50xi32, #tpu.memory_space<vmem>>
      %dma_wait3A_686 = tpu.memref_squeeze %dma_wait3A_685 : memref<1x50xi32, #tpu.memory_space<vmem>> -> memref<50xi32, #tpu.memory_space<vmem>>
      %dma_wait3A_687 = arith.constant 0 : i32
      %dma_wait3A_688 = arith.constant 0 : i32
      %dma_wait3A_689 = tpu.memref_slice %arg3[%dma_wait3A_687, %dma_wait3A_688] : memref<100000x128xf32, #tpu.memory_space<hbm>> -> memref<100000x128xf32, #tpu.memory_space<hbm>>
      tpu.wait_indirect_dma semaphore(%arg19 : memref<!tpu.dma_semaphore, #tpu.memory_space<semaphore_mem>>) src(%dma_wait3A_689 : memref<100000x128xf32, #tpu.memory_space<hbm>>) dst(%arg11 : memref<50x128xf32, #tpu.memory_space<vmem>>)
      %add3A_690 = arith.constant 8 : i32
      %add3A_691 = arith.addi %add3A_683, %add3A_690 : i32
      %sub3A_692 = arith.constant 1 : i32
      %sub3A_693 = arith.subi %add3A_691, %sub3A_692 : i32
      %lt3A_694 = arith.constant 128 : i32
      %lt3A_695 = arith.cmpi slt, %sub3A_693, %lt3A_694 : i32
      %convert_element_type3A_696 = arith.extui %lt3A_695 : i1 to i32
      %cond3A_697 = arith.constant 0 : i32
      %cond3A_698 = arith.cmpi ne, %convert_element_type3A_696, %cond3A_697 : i32
      scf.if %cond3A_698 {
        %add3A_1310 = arith.constant 8 : i32
        %add3A_1311 = arith.addi %add3A_683, %add3A_1310 : i32
        %sub3A_1312 = arith.constant 1 : i32
        %sub3A_1313 = arith.subi %add3A_1311, %sub3A_1312 : i32
        %dma_start3A_1314 = arith.constant 0 : i32
        %dma_start3A_1315 = tpu.memref_slice %arg5[%sub3A_1313, %dma_start3A_1314] : memref<128x50xi32, #tpu.memory_space<vmem>> -> memref<1x50xi32, #tpu.memory_space<vmem>>
        %dma_start3A_1316 = tpu.memref_squeeze %dma_start3A_1315 : memref<1x50xi32, #tpu.memory_space<vmem>> -> memref<50xi32, #tpu.memory_space<vmem>>
        %dma_start3A_1317 = arith.constant 0 : i32
        %dma_start3A_1318 = arith.constant 0 : i32
        %dma_start3A_1319 = tpu.memref_slice %arg3[%dma_start3A_1317, %dma_start3A_1318] : memref<100000x128xf32, #tpu.memory_space<hbm>> -> memref<100000x128xf32, #tpu.memory_space<hbm>>
        tpu.enqueue_indirect_dma source(%dma_start3A_1319 : memref<100000x128xf32, #tpu.memory_space<hbm>>) target(%arg10 : memref<50x128xf32, #tpu.memory_space<vmem>>) offsets(%dma_start3A_1316 : memref<50xi32, #tpu.memory_space<vmem>>) semaphore(%arg18 : memref<!tpu.dma_semaphore, #tpu.memory_space<semaphore_mem>>)
      } else {
      }
      %get3A_699 = arith.constant 0 : i32
      %get3A_700 = arith.index_cast %get3A_699 : i32 to index
      %get3A_701 = arith.constant 0 : index
      %get3A_702 = tpu.vector_load %arg11[%get3A_700, %get3A_701] {strides = array<i32>} : memref<50x128xf32, #tpu.memory_space<vmem>>, vector<1x16xf32>,
      %get3A_703 = vector.shape_cast %get3A_702 : vector<1x16xf32> to vector<16xf32>
      %get3A_704 = arith.constant 0 : i32
      %get3A_705 = arith.index_cast %get3A_704 : i32 to index
      %get3A_706 = arith.constant 16 : index
      %get3A_707 = tpu.vector_load %arg11[%get3A_705, %get3A_706] {strides = array<i32>} : memref<50x128xf32, #tpu.memory_space<vmem>>, vector<1x16xf32>,
      %get3A_708 = vector.shape_cast %get3A_707 : vector<1x16xf32> to vector<16xf32>
      %get3A_709 = arith.constant 0 : i32
      %get3A_710 = arith.index_cast %get3A_709 : i32 to index
      %get3A_711 = arith.constant 32 : index
      %get3A_712 = tpu.vector_load %arg11[%get3A_710, %get3A_711] {strides = array<i32>} : memref<50x128xf32, #tpu.memory_space<vmem>>, vector<1x16xf32>,
      %get3A_713 = vector.shape_cast %get3A_712 : vector<1x16xf32> to vector<16xf32>
      %get3A_714 = arith.constant 0 : i32
      %get3A_715 = arith.index_cast %get3A_714 : i32 to index
      %get3A_716 = arith.constant 48 : index
      %get3A_717 = tpu.vector_load %arg11[%get3A_715, %get3A_716] {strides = array<i32>} : memref<50x128xf32, #tpu.memory_space<vmem>>, vector<1x16xf32>,
      %get3A_718 = vector.shape_cast %get3A_717 : vector<1x16xf32> to vector<16xf32>
      %get3A_719 = arith.constant 0 : i32
      %get3A_720 = arith.index_cast %get3A_719 : i32 to index
      %get3A_721 = arith.constant 64 : index
      %get3A_722 = tpu.vector_load %arg11[%get3A_720, %get3A_721] {strides = array<i32>} : memref<50x128xf32, #tpu.memory_space<vmem>>, vector<1x16xf32>,
      %get3A_723 = vector.shape_cast %get3A_722 : vector<1x16xf32> to vector<16xf32>
      %get3A_724 = arith.constant 0 : i32
      %get3A_725 = arith.index_cast %get3A_724 : i32 to index
      %get3A_726 = arith.constant 80 : index
      %get3A_727 = tpu.vector_load %arg11[%get3A_725, %get3A_726] {strides = array<i32>} : memref<50x128xf32, #tpu.memory_space<vmem>>, vector<1x16xf32>,
      %get3A_728 = vector.shape_cast %get3A_727 : vector<1x16xf32> to vector<16xf32>
      %get3A_729 = arith.constant 0 : i32
      %get3A_730 = arith.index_cast %get3A_729 : i32 to index
      %get3A_731 = arith.constant 96 : index
      %get3A_732 = tpu.vector_load %arg11[%get3A_730, %get3A_731] {strides = array<i32>} : memref<50x128xf32, #tpu.memory_space<vmem>>, vector<1x16xf32>,
      %get3A_733 = vector.shape_cast %get3A_732 : vector<1x16xf32> to vector<16xf32>
      %get3A_734 = arith.constant 0 : i32
      %get3A_735 = arith.index_cast %get3A_734 : i32 to index
      %get3A_736 = arith.constant 112 : index
      %get3A_737 = tpu.vector_load %arg11[%get3A_735, %get3A_736] {strides = array<i32>} : memref<50x128xf32, #tpu.memory_space<vmem>>, vector<1x16xf32>,
      %get3A_738 = vector.shape_cast %get3A_737 : vector<1x16xf32> to vector<16xf32>
      %parallel_loop3A_739 = arith.constant 1 : i32
      %parallel_loop3A_740 = arith.constant 50 : i32
      %parallel_loop3A_741 = arith.constant 1 : i32
      %parallel_loop3A_742:8 = scf.for %parallel_loop3A_1310 = %parallel_loop3A_739 to %parallel_loop3A_740 step %parallel_loop3A_741 iter_args(%parallel_loop3A_1311 = %get3A_703, %parallel_loop3A_1312 = %get3A_708, %parallel_loop3A_1313 = %get3A_713, %parallel_loop3A_1314 = %get3A_718, %parallel_loop3A_1315 = %get3A_723, %parallel_loop3A_1316 = %get3A_728, %parallel_loop3A_1317 = %get3A_733, %parallel_loop3A_1318 = %get3A_738) -> (vector<16xf32>, vector<16xf32>, vector<16xf32>, vector<16xf32>, vector<16xf32>, vector<16xf32>, vector<16xf32>, vector<16xf32>)  : i32 {
        %parallel_loop3A_1319 = arith.constant 0 : i32
        %parallel_loop3A_1320 = arith.addi %parallel_loop3A_1319, %parallel_loop3A_1310 : i32
        %parallel_loop3A_1321 = arith.index_cast %parallel_loop3A_1320 : i32 to index
        %parallel_loop3A_1322 = arith.constant 0 : index
        %parallel_loop3A_1323 = tpu.vector_load %arg11[%parallel_loop3A_1321, %parallel_loop3A_1322] {strides = array<i32>} : memref<50x128xf32, #tpu.memory_space<vmem>>, vector<1x16xf32>,
        %parallel_loop3A_1324 = vector.shape_cast %parallel_loop3A_1323 : vector<1x16xf32> to vector<16xf32>
        %parallel_loop3A_1325 = arith.addf %parallel_loop3A_1311, %parallel_loop3A_1324 : vector<16xf32>
        %parallel_loop3A_1326 = arith.constant 0 : i32
        %parallel_loop3A_1327 = arith.addi %parallel_loop3A_1326, %parallel_loop3A_1310 : i32
        %parallel_loop3A_1328 = arith.index_cast %parallel_loop3A_1327 : i32 to index
        %parallel_loop3A_1329 = arith.constant 16 : index
        %parallel_loop3A_1330 = tpu.vector_load %arg11[%parallel_loop3A_1328, %parallel_loop3A_1329] {strides = array<i32>} : memref<50x128xf32, #tpu.memory_space<vmem>>, vector<1x16xf32>,
        %parallel_loop3A_1331 = vector.shape_cast %parallel_loop3A_1330 : vector<1x16xf32> to vector<16xf32>
        %parallel_loop3A_1332 = arith.addf %parallel_loop3A_1312, %parallel_loop3A_1331 : vector<16xf32>
        %parallel_loop3A_1333 = arith.constant 0 : i32
        %parallel_loop3A_1334 = arith.addi %parallel_loop3A_1333, %parallel_loop3A_1310 : i32
        %parallel_loop3A_1335 = arith.index_cast %parallel_loop3A_1334 : i32 to index
        %parallel_loop3A_1336 = arith.constant 32 : index
        %parallel_loop3A_1337 = tpu.vector_load %arg11[%parallel_loop3A_1335, %parallel_loop3A_1336] {strides = array<i32>} : memref<50x128xf32, #tpu.memory_space<vmem>>, vector<1x16xf32>,
        %parallel_loop3A_1338 = vector.shape_cast %parallel_loop3A_1337 : vector<1x16xf32> to vector<16xf32>
        %parallel_loop3A_1339 = arith.addf %parallel_loop3A_1313, %parallel_loop3A_1338 : vector<16xf32>
        %parallel_loop3A_1340 = arith.constant 0 : i32
        %parallel_loop3A_1341 = arith.addi %parallel_loop3A_1340, %parallel_loop3A_1310 : i32
        %parallel_loop3A_1342 = arith.index_cast %parallel_loop3A_1341 : i32 to index
        %parallel_loop3A_1343 = arith.constant 48 : index
        %parallel_loop3A_1344 = tpu.vector_load %arg11[%parallel_loop3A_1342, %parallel_loop3A_1343] {strides = array<i32>} : memref<50x128xf32, #tpu.memory_space<vmem>>, vector<1x16xf32>,
        %parallel_loop3A_1345 = vector.shape_cast %parallel_loop3A_1344 : vector<1x16xf32> to vector<16xf32>
        %parallel_loop3A_1346 = arith.addf %parallel_loop3A_1314, %parallel_loop3A_1345 : vector<16xf32>
        %parallel_loop3A_1347 = arith.constant 0 : i32
        %parallel_loop3A_1348 = arith.addi %parallel_loop3A_1347, %parallel_loop3A_1310 : i32
        %parallel_loop3A_1349 = arith.index_cast %parallel_loop3A_1348 : i32 to index
        %parallel_loop3A_1350 = arith.constant 64 : index
        %parallel_loop3A_1351 = tpu.vector_load %arg11[%parallel_loop3A_1349, %parallel_loop3A_1350] {strides = array<i32>} : memref<50x128xf32, #tpu.memory_space<vmem>>, vector<1x16xf32>,
        %parallel_loop3A_1352 = vector.shape_cast %parallel_loop3A_1351 : vector<1x16xf32> to vector<16xf32>
        %parallel_loop3A_1353 = arith.addf %parallel_loop3A_1315, %parallel_loop3A_1352 : vector<16xf32>
        %parallel_loop3A_1354 = arith.constant 0 : i32
        %parallel_loop3A_1355 = arith.addi %parallel_loop3A_1354, %parallel_loop3A_1310 : i32
        %parallel_loop3A_1356 = arith.index_cast %parallel_loop3A_1355 : i32 to index
        %parallel_loop3A_1357 = arith.constant 80 : index
        %parallel_loop3A_1358 = tpu.vector_load %arg11[%parallel_loop3A_1356, %parallel_loop3A_1357] {strides = array<i32>} : memref<50x128xf32, #tpu.memory_space<vmem>>, vector<1x16xf32>,
        %parallel_loop3A_1359 = vector.shape_cast %parallel_loop3A_1358 : vector<1x16xf32> to vector<16xf32>
        %parallel_loop3A_1360 = arith.addf %parallel_loop3A_1316, %parallel_loop3A_1359 : vector<16xf32>
        %parallel_loop3A_1361 = arith.constant 0 : i32
        %parallel_loop3A_1362 = arith.addi %parallel_loop3A_1361, %parallel_loop3A_1310 : i32
        %parallel_loop3A_1363 = arith.index_cast %parallel_loop3A_1362 : i32 to index
        %parallel_loop3A_1364 = arith.constant 96 : index
        %parallel_loop3A_1365 = tpu.vector_load %arg11[%parallel_loop3A_1363, %parallel_loop3A_1364] {strides = array<i32>} : memref<50x128xf32, #tpu.memory_space<vmem>>, vector<1x16xf32>,
        %parallel_loop3A_1366 = vector.shape_cast %parallel_loop3A_1365 : vector<1x16xf32> to vector<16xf32>
        %parallel_loop3A_1367 = arith.addf %parallel_loop3A_1317, %parallel_loop3A_1366 : vector<16xf32>
        %parallel_loop3A_1368 = arith.constant 0 : i32
        %parallel_loop3A_1369 = arith.addi %parallel_loop3A_1368, %parallel_loop3A_1310 : i32
        %parallel_loop3A_1370 = arith.index_cast %parallel_loop3A_1369 : i32 to index
        %parallel_loop3A_1371 = arith.constant 112 : index
        %parallel_loop3A_1372 = tpu.vector_load %arg11[%parallel_loop3A_1370, %parallel_loop3A_1371] {strides = array<i32>} : memref<50x128xf32, #tpu.memory_space<vmem>>, vector<1x16xf32>,
        %parallel_loop3A_1373 = vector.shape_cast %parallel_loop3A_1372 : vector<1x16xf32> to vector<16xf32>
        %parallel_loop3A_1374 = arith.addf %parallel_loop3A_1318, %parallel_loop3A_1373 : vector<16xf32>
        scf.yield %parallel_loop3A_1325, %parallel_loop3A_1332, %parallel_loop3A_1339, %parallel_loop3A_1346, %parallel_loop3A_1353, %parallel_loop3A_1360, %parallel_loop3A_1367, %parallel_loop3A_1374 : vector<16xf32>, vector<16xf32>, vector<16xf32>, vector<16xf32>, vector<16xf32>, vector<16xf32>, vector<16xf32>, vector<16xf32>
      } {sc.loop_unroll_factor = 4 : i64, sc.parallel_access}
      %mul3A_743 = arith.constant 2.000000e-02 : f32
      %mul3A_744 = vector.broadcast %mul3A_743 : f32 to vector<16xf32>
      %mul3A_745 = arith.mulf %parallel_loop3A_742#0, %mul3A_744 : vector<16xf32>
      %mul3A_746 = arith.constant 1 : i32
      %mul3A_747 = arith.muli %add3A_683, %mul3A_746 : i32
      %add3A_748 = arith.constant 0 : i32
      %add3A_749 = arith.addi %mul3A_747, %add3A_748 : i32
      %swap3A_750 = arith.index_cast %add3A_749 : i32 to index
      %swap3A_751 = arith.constant 0 : index
      %swap3A_752 = tpu.vector_load %arg6[%swap3A_750, %swap3A_751] {strides = array<i32>} : memref<128x128xf32, #tpu.memory_space<vmem>>, vector<1x16xf32>,
      %swap3A_753 = vector.shape_cast %swap3A_752 : vector<1x16xf32> to vector<16xf32>
      %swap3A_754 = vector.shape_cast %mul3A_745 : vector<16xf32> to vector<1x16xf32>
      tpu.vector_store %arg6[%swap3A_750, %swap3A_751], %swap3A_754 {strides = array<i32>} : memref<128x128xf32, #tpu.memory_space<vmem>>, vector<1x16xf32>,
      %mul3A_755 = arith.constant 2.000000e-02 : f32
      %mul3A_756 = vector.broadcast %mul3A_755 : f32 to vector<16xf32>
      %mul3A_757 = arith.mulf %parallel_loop3A_742#1, %mul3A_756 : vector<16xf32>
      %mul3A_758 = arith.constant 1 : i32
      %mul3A_759 = arith.muli %add3A_683, %mul3A_758 : i32
      %add3A_760 = arith.constant 0 : i32
      %add3A_761 = arith.addi %mul3A_759, %add3A_760 : i32
      %swap3A_762 = arith.index_cast %add3A_761 : i32 to index
      %swap3A_763 = arith.constant 16 : index
      %swap3A_764 = tpu.vector_load %arg6[%swap3A_762, %swap3A_763] {strides = array<i32>} : memref<128x128xf32, #tpu.memory_space<vmem>>, vector<1x16xf32>,
      %swap3A_765 = vector.shape_cast %swap3A_764 : vector<1x16xf32> to vector<16xf32>
      %swap3A_766 = vector.shape_cast %mul3A_757 : vector<16xf32> to vector<1x16xf32>
      tpu.vector_store %arg6[%swap3A_762, %swap3A_763], %swap3A_766 {strides = array<i32>} : memref<128x128xf32, #tpu.memory_space<vmem>>, vector<1x16xf32>,
      %mul3A_767 = arith.constant 2.000000e-02 : f32
      %mul3A_768 = vector.broadcast %mul3A_767 : f32 to vector<16xf32>
      %mul3A_769 = arith.mulf %parallel_loop3A_742#2, %mul3A_768 : vector<16xf32>
      %mul3A_770 = arith.constant 1 : i32
      %mul3A_771 = arith.muli %add3A_683, %mul3A_770 : i32
      %add3A_772 = arith.constant 0 : i32
      %add3A_773 = arith.addi %mul3A_771, %add3A_772 : i32
      %swap3A_774 = arith.index_cast %add3A_773 : i32 to index
      %swap3A_775 = arith.constant 32 : index
      %swap3A_776 = tpu.vector_load %arg6[%swap3A_774, %swap3A_775] {strides = array<i32>} : memref<128x128xf32, #tpu.memory_space<vmem>>, vector<1x16xf32>,
      %swap3A_777 = vector.shape_cast %swap3A_776 : vector<1x16xf32> to vector<16xf32>
      %swap3A_778 = vector.shape_cast %mul3A_769 : vector<16xf32> to vector<1x16xf32>
      tpu.vector_store %arg6[%swap3A_774, %swap3A_775], %swap3A_778 {strides = array<i32>} : memref<128x128xf32, #tpu.memory_space<vmem>>, vector<1x16xf32>,
      %mul3A_779 = arith.constant 2.000000e-02 : f32
      %mul3A_780 = vector.broadcast %mul3A_779 : f32 to vector<16xf32>
      %mul3A_781 = arith.mulf %parallel_loop3A_742#3, %mul3A_780 : vector<16xf32>
      %mul3A_782 = arith.constant 1 : i32
      %mul3A_783 = arith.muli %add3A_683, %mul3A_782 : i32
      %add3A_784 = arith.constant 0 : i32
      %add3A_785 = arith.addi %mul3A_783, %add3A_784 : i32
      %swap3A_786 = arith.index_cast %add3A_785 : i32 to index
      %swap3A_787 = arith.constant 48 : index
      %swap3A_788 = tpu.vector_load %arg6[%swap3A_786, %swap3A_787] {strides = array<i32>} : memref<128x128xf32, #tpu.memory_space<vmem>>, vector<1x16xf32>,
      %swap3A_789 = vector.shape_cast %swap3A_788 : vector<1x16xf32> to vector<16xf32>
      %swap3A_790 = vector.shape_cast %mul3A_781 : vector<16xf32> to vector<1x16xf32>
      tpu.vector_store %arg6[%swap3A_786, %swap3A_787], %swap3A_790 {strides = array<i32>} : memref<128x128xf32, #tpu.memory_space<vmem>>, vector<1x16xf32>,
      %mul3A_791 = arith.constant 2.000000e-02 : f32
      %mul3A_792 = vector.broadcast %mul3A_791 : f32 to vector<16xf32>
      %mul3A_793 = arith.mulf %parallel_loop3A_742#4, %mul3A_792 : vector<16xf32>
      %mul3A_794 = arith.constant 1 : i32
      %mul3A_795 = arith.muli %add3A_683, %mul3A_794 : i32
      %add3A_796 = arith.constant 0 : i32
      %add3A_797 = arith.addi %mul3A_795, %add3A_796 : i32
      %swap3A_798 = arith.index_cast %add3A_797 : i32 to index
      %swap3A_799 = arith.constant 64 : index
      %swap3A_800 = tpu.vector_load %arg6[%swap3A_798, %swap3A_799] {strides = array<i32>} : memref<128x128xf32, #tpu.memory_space<vmem>>, vector<1x16xf32>,
      %swap3A_801 = vector.shape_cast %swap3A_800 : vector<1x16xf32> to vector<16xf32>
      %swap3A_802 = vector.shape_cast %mul3A_793 : vector<16xf32> to vector<1x16xf32>
      tpu.vector_store %arg6[%swap3A_798, %swap3A_799], %swap3A_802 {strides = array<i32>} : memref<128x128xf32, #tpu.memory_space<vmem>>, vector<1x16xf32>,
      %mul3A_803 = arith.constant 2.000000e-02 : f32
      %mul3A_804 = vector.broadcast %mul3A_803 : f32 to vector<16xf32>
      %mul3A_805 = arith.mulf %parallel_loop3A_742#5, %mul3A_804 : vector<16xf32>
      %mul3A_806 = arith.constant 1 : i32
      %mul3A_807 = arith.muli %add3A_683, %mul3A_806 : i32
      %add3A_808 = arith.constant 0 : i32
      %add3A_809 = arith.addi %mul3A_807, %add3A_808 : i32
      %swap3A_810 = arith.index_cast %add3A_809 : i32 to index
      %swap3A_811 = arith.constant 80 : index
      %swap3A_812 = tpu.vector_load %arg6[%swap3A_810, %swap3A_811] {strides = array<i32>} : memref<128x128xf32, #tpu.memory_space<vmem>>, vector<1x16xf32>,
      %swap3A_813 = vector.shape_cast %swap3A_812 : vector<1x16xf32> to vector<16xf32>
      %swap3A_814 = vector.shape_cast %mul3A_805 : vector<16xf32> to vector<1x16xf32>
      tpu.vector_store %arg6[%swap3A_810, %swap3A_811], %swap3A_814 {strides = array<i32>} : memref<128x128xf32, #tpu.memory_space<vmem>>, vector<1x16xf32>,
      %mul3A_815 = arith.constant 2.000000e-02 : f32
      %mul3A_816 = vector.broadcast %mul3A_815 : f32 to vector<16xf32>
      %mul3A_817 = arith.mulf %parallel_loop3A_742#6, %mul3A_816 : vector<16xf32>
      %mul3A_818 = arith.constant 1 : i32
      %mul3A_819 = arith.muli %add3A_683, %mul3A_818 : i32
      %add3A_820 = arith.constant 0 : i32
      %add3A_821 = arith.addi %mul3A_819, %add3A_820 : i32
      %swap3A_822 = arith.index_cast %add3A_821 : i32 to index
      %swap3A_823 = arith.constant 96 : index
      %swap3A_824 = tpu.vector_load %arg6[%swap3A_822, %swap3A_823] {strides = array<i32>} : memref<128x128xf32, #tpu.memory_space<vmem>>, vector<1x16xf32>,
      %swap3A_825 = vector.shape_cast %swap3A_824 : vector<1x16xf32> to vector<16xf32>
      %swap3A_826 = vector.shape_cast %mul3A_817 : vector<16xf32> to vector<1x16xf32>
      tpu.vector_store %arg6[%swap3A_822, %swap3A_823], %swap3A_826 {strides = array<i32>} : memref<128x128xf32, #tpu.memory_space<vmem>>, vector<1x16xf32>,
      %mul3A_827 = arith.constant 2.000000e-02 : f32
      %mul3A_828 = vector.broadcast %mul3A_827 : f32 to vector<16xf32>
      %mul3A_829 = arith.mulf %parallel_loop3A_742#7, %mul3A_828 : vector<16xf32>
      %mul3A_830 = arith.constant 1 : i32
      %mul3A_831 = arith.muli %add3A_683, %mul3A_830 : i32
      %add3A_832 = arith.constant 0 : i32
      %add3A_833 = arith.addi %mul3A_831, %add3A_832 : i32
      %swap3A_834 = arith.index_cast %add3A_833 : i32 to index
      %swap3A_835 = arith.constant 112 : index
      %swap3A_836 = tpu.vector_load %arg6[%swap3A_834, %swap3A_835] {strides = array<i32>} : memref<128x128xf32, #tpu.memory_space<vmem>>, vector<1x16xf32>,
      %swap3A_837 = vector.shape_cast %swap3A_836 : vector<1x16xf32> to vector<16xf32>
      %swap3A_838 = vector.shape_cast %mul3A_829 : vector<16xf32> to vector<1x16xf32>
      tpu.vector_store %arg6[%swap3A_834, %swap3A_835], %swap3A_838 {strides = array<i32>} : memref<128x128xf32, #tpu.memory_space<vmem>>, vector<1x16xf32>,
      %add3A_839 = arith.constant 5 : i32
      %add3A_840 = arith.addi %add3A_61, %add3A_839 : i32
      %dma_wait3A_841 = arith.constant 0 : i32
      %dma_wait3A_842 = tpu.memref_slice %arg5[%add3A_840, %dma_wait3A_841] : memref<128x50xi32, #tpu.memory_space<vmem>> -> memref<1x50xi32, #tpu.memory_space<vmem>>
      %dma_wait3A_843 = tpu.memref_squeeze %dma_wait3A_842 : memref<1x50xi32, #tpu.memory_space<vmem>> -> memref<50xi32, #tpu.memory_space<vmem>>
      %dma_wait3A_844 = arith.constant 0 : i32
      %dma_wait3A_845 = arith.constant 0 : i32
      %dma_wait3A_846 = tpu.memref_slice %arg3[%dma_wait3A_844, %dma_wait3A_845] : memref<100000x128xf32, #tpu.memory_space<hbm>> -> memref<100000x128xf32, #tpu.memory_space<hbm>>
      tpu.wait_indirect_dma semaphore(%arg20 : memref<!tpu.dma_semaphore, #tpu.memory_space<semaphore_mem>>) src(%dma_wait3A_846 : memref<100000x128xf32, #tpu.memory_space<hbm>>) dst(%arg12 : memref<50x128xf32, #tpu.memory_space<vmem>>)
      %add3A_847 = arith.constant 8 : i32
      %add3A_848 = arith.addi %add3A_840, %add3A_847 : i32
      %sub3A_849 = arith.constant 1 : i32
      %sub3A_850 = arith.subi %add3A_848, %sub3A_849 : i32
      %lt3A_851 = arith.constant 128 : i32
      %lt3A_852 = arith.cmpi slt, %sub3A_850, %lt3A_851 : i32
      %convert_element_type3A_853 = arith.extui %lt3A_852 : i1 to i32
      %cond3A_854 = arith.constant 0 : i32
      %cond3A_855 = arith.cmpi ne, %convert_element_type3A_853, %cond3A_854 : i32
      scf.if %cond3A_855 {
        %add3A_1310 = arith.constant 8 : i32
        %add3A_1311 = arith.addi %add3A_840, %add3A_1310 : i32
        %sub3A_1312 = arith.constant 1 : i32
        %sub3A_1313 = arith.subi %add3A_1311, %sub3A_1312 : i32
        %dma_start3A_1314 = arith.constant 0 : i32
        %dma_start3A_1315 = tpu.memref_slice %arg5[%sub3A_1313, %dma_start3A_1314] : memref<128x50xi32, #tpu.memory_space<vmem>> -> memref<1x50xi32, #tpu.memory_space<vmem>>
        %dma_start3A_1316 = tpu.memref_squeeze %dma_start3A_1315 : memref<1x50xi32, #tpu.memory_space<vmem>> -> memref<50xi32, #tpu.memory_space<vmem>>
        %dma_start3A_1317 = arith.constant 0 : i32
        %dma_start3A_1318 = arith.constant 0 : i32
        %dma_start3A_1319 = tpu.memref_slice %arg3[%dma_start3A_1317, %dma_start3A_1318] : memref<100000x128xf32, #tpu.memory_space<hbm>> -> memref<100000x128xf32, #tpu.memory_space<hbm>>
        tpu.enqueue_indirect_dma source(%dma_start3A_1319 : memref<100000x128xf32, #tpu.memory_space<hbm>>) target(%arg11 : memref<50x128xf32, #tpu.memory_space<vmem>>) offsets(%dma_start3A_1316 : memref<50xi32, #tpu.memory_space<vmem>>) semaphore(%arg19 : memref<!tpu.dma_semaphore, #tpu.memory_space<semaphore_mem>>)
      } else {
      }
      %get3A_856 = arith.constant 0 : i32
      %get3A_857 = arith.index_cast %get3A_856 : i32 to index
      %get3A_858 = arith.constant 0 : index
      %get3A_859 = tpu.vector_load %arg12[%get3A_857, %get3A_858] {strides = array<i32>} : memref<50x128xf32, #tpu.memory_space<vmem>>, vector<1x16xf32>,
      %get3A_860 = vector.shape_cast %get3A_859 : vector<1x16xf32> to vector<16xf32>
      %get3A_861 = arith.constant 0 : i32
      %get3A_862 = arith.index_cast %get3A_861 : i32 to index
      %get3A_863 = arith.constant 16 : index
      %get3A_864 = tpu.vector_load %arg12[%get3A_862, %get3A_863] {strides = array<i32>} : memref<50x128xf32, #tpu.memory_space<vmem>>, vector<1x16xf32>,
      %get3A_865 = vector.shape_cast %get3A_864 : vector<1x16xf32> to vector<16xf32>
      %get3A_866 = arith.constant 0 : i32
      %get3A_867 = arith.index_cast %get3A_866 : i32 to index
      %get3A_868 = arith.constant 32 : index
      %get3A_869 = tpu.vector_load %arg12[%get3A_867, %get3A_868] {strides = array<i32>} : memref<50x128xf32, #tpu.memory_space<vmem>>, vector<1x16xf32>,
      %get3A_870 = vector.shape_cast %get3A_869 : vector<1x16xf32> to vector<16xf32>
      %get3A_871 = arith.constant 0 : i32
      %get3A_872 = arith.index_cast %get3A_871 : i32 to index
      %get3A_873 = arith.constant 48 : index
      %get3A_874 = tpu.vector_load %arg12[%get3A_872, %get3A_873] {strides = array<i32>} : memref<50x128xf32, #tpu.memory_space<vmem>>, vector<1x16xf32>,
      %get3A_875 = vector.shape_cast %get3A_874 : vector<1x16xf32> to vector<16xf32>
      %get3A_876 = arith.constant 0 : i32
      %get3A_877 = arith.index_cast %get3A_876 : i32 to index
      %get3A_878 = arith.constant 64 : index
      %get3A_879 = tpu.vector_load %arg12[%get3A_877, %get3A_878] {strides = array<i32>} : memref<50x128xf32, #tpu.memory_space<vmem>>, vector<1x16xf32>,
      %get3A_880 = vector.shape_cast %get3A_879 : vector<1x16xf32> to vector<16xf32>
      %get3A_881 = arith.constant 0 : i32
      %get3A_882 = arith.index_cast %get3A_881 : i32 to index
      %get3A_883 = arith.constant 80 : index
      %get3A_884 = tpu.vector_load %arg12[%get3A_882, %get3A_883] {strides = array<i32>} : memref<50x128xf32, #tpu.memory_space<vmem>>, vector<1x16xf32>,
      %get3A_885 = vector.shape_cast %get3A_884 : vector<1x16xf32> to vector<16xf32>
      %get3A_886 = arith.constant 0 : i32
      %get3A_887 = arith.index_cast %get3A_886 : i32 to index
      %get3A_888 = arith.constant 96 : index
      %get3A_889 = tpu.vector_load %arg12[%get3A_887, %get3A_888] {strides = array<i32>} : memref<50x128xf32, #tpu.memory_space<vmem>>, vector<1x16xf32>,
      %get3A_890 = vector.shape_cast %get3A_889 : vector<1x16xf32> to vector<16xf32>
      %get3A_891 = arith.constant 0 : i32
      %get3A_892 = arith.index_cast %get3A_891 : i32 to index
      %get3A_893 = arith.constant 112 : index
      %get3A_894 = tpu.vector_load %arg12[%get3A_892, %get3A_893] {strides = array<i32>} : memref<50x128xf32, #tpu.memory_space<vmem>>, vector<1x16xf32>,
      %get3A_895 = vector.shape_cast %get3A_894 : vector<1x16xf32> to vector<16xf32>
      %parallel_loop3A_896 = arith.constant 1 : i32
      %parallel_loop3A_897 = arith.constant 50 : i32
      %parallel_loop3A_898 = arith.constant 1 : i32
      %parallel_loop3A_899:8 = scf.for %parallel_loop3A_1310 = %parallel_loop3A_896 to %parallel_loop3A_897 step %parallel_loop3A_898 iter_args(%parallel_loop3A_1311 = %get3A_860, %parallel_loop3A_1312 = %get3A_865, %parallel_loop3A_1313 = %get3A_870, %parallel_loop3A_1314 = %get3A_875, %parallel_loop3A_1315 = %get3A_880, %parallel_loop3A_1316 = %get3A_885, %parallel_loop3A_1317 = %get3A_890, %parallel_loop3A_1318 = %get3A_895) -> (vector<16xf32>, vector<16xf32>, vector<16xf32>, vector<16xf32>, vector<16xf32>, vector<16xf32>, vector<16xf32>, vector<16xf32>)  : i32 {
        %parallel_loop3A_1319 = arith.constant 0 : i32
        %parallel_loop3A_1320 = arith.addi %parallel_loop3A_1319, %parallel_loop3A_1310 : i32
        %parallel_loop3A_1321 = arith.index_cast %parallel_loop3A_1320 : i32 to index
        %parallel_loop3A_1322 = arith.constant 0 : index
        %parallel_loop3A_1323 = tpu.vector_load %arg12[%parallel_loop3A_1321, %parallel_loop3A_1322] {strides = array<i32>} : memref<50x128xf32, #tpu.memory_space<vmem>>, vector<1x16xf32>,
        %parallel_loop3A_1324 = vector.shape_cast %parallel_loop3A_1323 : vector<1x16xf32> to vector<16xf32>
        %parallel_loop3A_1325 = arith.addf %parallel_loop3A_1311, %parallel_loop3A_1324 : vector<16xf32>
        %parallel_loop3A_1326 = arith.constant 0 : i32
        %parallel_loop3A_1327 = arith.addi %parallel_loop3A_1326, %parallel_loop3A_1310 : i32
        %parallel_loop3A_1328 = arith.index_cast %parallel_loop3A_1327 : i32 to index
        %parallel_loop3A_1329 = arith.constant 16 : index
        %parallel_loop3A_1330 = tpu.vector_load %arg12[%parallel_loop3A_1328, %parallel_loop3A_1329] {strides = array<i32>} : memref<50x128xf32, #tpu.memory_space<vmem>>, vector<1x16xf32>,
        %parallel_loop3A_1331 = vector.shape_cast %parallel_loop3A_1330 : vector<1x16xf32> to vector<16xf32>
        %parallel_loop3A_1332 = arith.addf %parallel_loop3A_1312, %parallel_loop3A_1331 : vector<16xf32>
        %parallel_loop3A_1333 = arith.constant 0 : i32
        %parallel_loop3A_1334 = arith.addi %parallel_loop3A_1333, %parallel_loop3A_1310 : i32
        %parallel_loop3A_1335 = arith.index_cast %parallel_loop3A_1334 : i32 to index
        %parallel_loop3A_1336 = arith.constant 32 : index
        %parallel_loop3A_1337 = tpu.vector_load %arg12[%parallel_loop3A_1335, %parallel_loop3A_1336] {strides = array<i32>} : memref<50x128xf32, #tpu.memory_space<vmem>>, vector<1x16xf32>,
        %parallel_loop3A_1338 = vector.shape_cast %parallel_loop3A_1337 : vector<1x16xf32> to vector<16xf32>
        %parallel_loop3A_1339 = arith.addf %parallel_loop3A_1313, %parallel_loop3A_1338 : vector<16xf32>
        %parallel_loop3A_1340 = arith.constant 0 : i32
        %parallel_loop3A_1341 = arith.addi %parallel_loop3A_1340, %parallel_loop3A_1310 : i32
        %parallel_loop3A_1342 = arith.index_cast %parallel_loop3A_1341 : i32 to index
        %parallel_loop3A_1343 = arith.constant 48 : index
        %parallel_loop3A_1344 = tpu.vector_load %arg12[%parallel_loop3A_1342, %parallel_loop3A_1343] {strides = array<i32>} : memref<50x128xf32, #tpu.memory_space<vmem>>, vector<1x16xf32>,
        %parallel_loop3A_1345 = vector.shape_cast %parallel_loop3A_1344 : vector<1x16xf32> to vector<16xf32>
        %parallel_loop3A_1346 = arith.addf %parallel_loop3A_1314, %parallel_loop3A_1345 : vector<16xf32>
        %parallel_loop3A_1347 = arith.constant 0 : i32
        %parallel_loop3A_1348 = arith.addi %parallel_loop3A_1347, %parallel_loop3A_1310 : i32
        %parallel_loop3A_1349 = arith.index_cast %parallel_loop3A_1348 : i32 to index
        %parallel_loop3A_1350 = arith.constant 64 : index
        %parallel_loop3A_1351 = tpu.vector_load %arg12[%parallel_loop3A_1349, %parallel_loop3A_1350] {strides = array<i32>} : memref<50x128xf32, #tpu.memory_space<vmem>>, vector<1x16xf32>,
        %parallel_loop3A_1352 = vector.shape_cast %parallel_loop3A_1351 : vector<1x16xf32> to vector<16xf32>
        %parallel_loop3A_1353 = arith.addf %parallel_loop3A_1315, %parallel_loop3A_1352 : vector<16xf32>
        %parallel_loop3A_1354 = arith.constant 0 : i32
        %parallel_loop3A_1355 = arith.addi %parallel_loop3A_1354, %parallel_loop3A_1310 : i32
        %parallel_loop3A_1356 = arith.index_cast %parallel_loop3A_1355 : i32 to index
        %parallel_loop3A_1357 = arith.constant 80 : index
        %parallel_loop3A_1358 = tpu.vector_load %arg12[%parallel_loop3A_1356, %parallel_loop3A_1357] {strides = array<i32>} : memref<50x128xf32, #tpu.memory_space<vmem>>, vector<1x16xf32>,
        %parallel_loop3A_1359 = vector.shape_cast %parallel_loop3A_1358 : vector<1x16xf32> to vector<16xf32>
        %parallel_loop3A_1360 = arith.addf %parallel_loop3A_1316, %parallel_loop3A_1359 : vector<16xf32>
        %parallel_loop3A_1361 = arith.constant 0 : i32
        %parallel_loop3A_1362 = arith.addi %parallel_loop3A_1361, %parallel_loop3A_1310 : i32
        %parallel_loop3A_1363 = arith.index_cast %parallel_loop3A_1362 : i32 to index
        %parallel_loop3A_1364 = arith.constant 96 : index
        %parallel_loop3A_1365 = tpu.vector_load %arg12[%parallel_loop3A_1363, %parallel_loop3A_1364] {strides = array<i32>} : memref<50x128xf32, #tpu.memory_space<vmem>>, vector<1x16xf32>,
        %parallel_loop3A_1366 = vector.shape_cast %parallel_loop3A_1365 : vector<1x16xf32> to vector<16xf32>
        %parallel_loop3A_1367 = arith.addf %parallel_loop3A_1317, %parallel_loop3A_1366 : vector<16xf32>
        %parallel_loop3A_1368 = arith.constant 0 : i32
        %parallel_loop3A_1369 = arith.addi %parallel_loop3A_1368, %parallel_loop3A_1310 : i32
        %parallel_loop3A_1370 = arith.index_cast %parallel_loop3A_1369 : i32 to index
        %parallel_loop3A_1371 = arith.constant 112 : index
        %parallel_loop3A_1372 = tpu.vector_load %arg12[%parallel_loop3A_1370, %parallel_loop3A_1371] {strides = array<i32>} : memref<50x128xf32, #tpu.memory_space<vmem>>, vector<1x16xf32>,
        %parallel_loop3A_1373 = vector.shape_cast %parallel_loop3A_1372 : vector<1x16xf32> to vector<16xf32>
        %parallel_loop3A_1374 = arith.addf %parallel_loop3A_1318, %parallel_loop3A_1373 : vector<16xf32>
        scf.yield %parallel_loop3A_1325, %parallel_loop3A_1332, %parallel_loop3A_1339, %parallel_loop3A_1346, %parallel_loop3A_1353, %parallel_loop3A_1360, %parallel_loop3A_1367, %parallel_loop3A_1374 : vector<16xf32>, vector<16xf32>, vector<16xf32>, vector<16xf32>, vector<16xf32>, vector<16xf32>, vector<16xf32>, vector<16xf32>
      } {sc.loop_unroll_factor = 4 : i64, sc.parallel_access}
      %mul3A_900 = arith.constant 2.000000e-02 : f32
      %mul3A_901 = vector.broadcast %mul3A_900 : f32 to vector<16xf32>
      %mul3A_902 = arith.mulf %parallel_loop3A_899#0, %mul3A_901 : vector<16xf32>
      %mul3A_903 = arith.constant 1 : i32
      %mul3A_904 = arith.muli %add3A_840, %mul3A_903 : i32
      %add3A_905 = arith.constant 0 : i32
      %add3A_906 = arith.addi %mul3A_904, %add3A_905 : i32
      %swap3A_907 = arith.index_cast %add3A_906 : i32 to index
      %swap3A_908 = arith.constant 0 : index
      %swap3A_909 = tpu.vector_load %arg6[%swap3A_907, %swap3A_908] {strides = array<i32>} : memref<128x128xf32, #tpu.memory_space<vmem>>, vector<1x16xf32>,
      %swap3A_910 = vector.shape_cast %swap3A_909 : vector<1x16xf32> to vector<16xf32>
      %swap3A_911 = vector.shape_cast %mul3A_902 : vector<16xf32> to vector<1x16xf32>
      tpu.vector_store %arg6[%swap3A_907, %swap3A_908], %swap3A_911 {strides = array<i32>} : memref<128x128xf32, #tpu.memory_space<vmem>>, vector<1x16xf32>,
      %mul3A_912 = arith.constant 2.000000e-02 : f32
      %mul3A_913 = vector.broadcast %mul3A_912 : f32 to vector<16xf32>
      %mul3A_914 = arith.mulf %parallel_loop3A_899#1, %mul3A_913 : vector<16xf32>
      %mul3A_915 = arith.constant 1 : i32
      %mul3A_916 = arith.muli %add3A_840, %mul3A_915 : i32
      %add3A_917 = arith.constant 0 : i32
      %add3A_918 = arith.addi %mul3A_916, %add3A_917 : i32
      %swap3A_919 = arith.index_cast %add3A_918 : i32 to index
      %swap3A_920 = arith.constant 16 : index
      %swap3A_921 = tpu.vector_load %arg6[%swap3A_919, %swap3A_920] {strides = array<i32>} : memref<128x128xf32, #tpu.memory_space<vmem>>, vector<1x16xf32>,
      %swap3A_922 = vector.shape_cast %swap3A_921 : vector<1x16xf32> to vector<16xf32>
      %swap3A_923 = vector.shape_cast %mul3A_914 : vector<16xf32> to vector<1x16xf32>
      tpu.vector_store %arg6[%swap3A_919, %swap3A_920], %swap3A_923 {strides = array<i32>} : memref<128x128xf32, #tpu.memory_space<vmem>>, vector<1x16xf32>,
      %mul3A_924 = arith.constant 2.000000e-02 : f32
      %mul3A_925 = vector.broadcast %mul3A_924 : f32 to vector<16xf32>
      %mul3A_926 = arith.mulf %parallel_loop3A_899#2, %mul3A_925 : vector<16xf32>
      %mul3A_927 = arith.constant 1 : i32
      %mul3A_928 = arith.muli %add3A_840, %mul3A_927 : i32
      %add3A_929 = arith.constant 0 : i32
      %add3A_930 = arith.addi %mul3A_928, %add3A_929 : i32
      %swap3A_931 = arith.index_cast %add3A_930 : i32 to index
      %swap3A_932 = arith.constant 32 : index
      %swap3A_933 = tpu.vector_load %arg6[%swap3A_931, %swap3A_932] {strides = array<i32>} : memref<128x128xf32, #tpu.memory_space<vmem>>, vector<1x16xf32>,
      %swap3A_934 = vector.shape_cast %swap3A_933 : vector<1x16xf32> to vector<16xf32>
      %swap3A_935 = vector.shape_cast %mul3A_926 : vector<16xf32> to vector<1x16xf32>
      tpu.vector_store %arg6[%swap3A_931, %swap3A_932], %swap3A_935 {strides = array<i32>} : memref<128x128xf32, #tpu.memory_space<vmem>>, vector<1x16xf32>,
      %mul3A_936 = arith.constant 2.000000e-02 : f32
      %mul3A_937 = vector.broadcast %mul3A_936 : f32 to vector<16xf32>
      %mul3A_938 = arith.mulf %parallel_loop3A_899#3, %mul3A_937 : vector<16xf32>
      %mul3A_939 = arith.constant 1 : i32
      %mul3A_940 = arith.muli %add3A_840, %mul3A_939 : i32
      %add3A_941 = arith.constant 0 : i32
      %add3A_942 = arith.addi %mul3A_940, %add3A_941 : i32
      %swap3A_943 = arith.index_cast %add3A_942 : i32 to index
      %swap3A_944 = arith.constant 48 : index
      %swap3A_945 = tpu.vector_load %arg6[%swap3A_943, %swap3A_944] {strides = array<i32>} : memref<128x128xf32, #tpu.memory_space<vmem>>, vector<1x16xf32>,
      %swap3A_946 = vector.shape_cast %swap3A_945 : vector<1x16xf32> to vector<16xf32>
      %swap3A_947 = vector.shape_cast %mul3A_938 : vector<16xf32> to vector<1x16xf32>
      tpu.vector_store %arg6[%swap3A_943, %swap3A_944], %swap3A_947 {strides = array<i32>} : memref<128x128xf32, #tpu.memory_space<vmem>>, vector<1x16xf32>,
      %mul3A_948 = arith.constant 2.000000e-02 : f32
      %mul3A_949 = vector.broadcast %mul3A_948 : f32 to vector<16xf32>
      %mul3A_950 = arith.mulf %parallel_loop3A_899#4, %mul3A_949 : vector<16xf32>
      %mul3A_951 = arith.constant 1 : i32
      %mul3A_952 = arith.muli %add3A_840, %mul3A_951 : i32
      %add3A_953 = arith.constant 0 : i32
      %add3A_954 = arith.addi %mul3A_952, %add3A_953 : i32
      %swap3A_955 = arith.index_cast %add3A_954 : i32 to index
      %swap3A_956 = arith.constant 64 : index
      %swap3A_957 = tpu.vector_load %arg6[%swap3A_955, %swap3A_956] {strides = array<i32>} : memref<128x128xf32, #tpu.memory_space<vmem>>, vector<1x16xf32>,
      %swap3A_958 = vector.shape_cast %swap3A_957 : vector<1x16xf32> to vector<16xf32>
      %swap3A_959 = vector.shape_cast %mul3A_950 : vector<16xf32> to vector<1x16xf32>
      tpu.vector_store %arg6[%swap3A_955, %swap3A_956], %swap3A_959 {strides = array<i32>} : memref<128x128xf32, #tpu.memory_space<vmem>>, vector<1x16xf32>,
      %mul3A_960 = arith.constant 2.000000e-02 : f32
      %mul3A_961 = vector.broadcast %mul3A_960 : f32 to vector<16xf32>
      %mul3A_962 = arith.mulf %parallel_loop3A_899#5, %mul3A_961 : vector<16xf32>
      %mul3A_963 = arith.constant 1 : i32
      %mul3A_964 = arith.muli %add3A_840, %mul3A_963 : i32
      %add3A_965 = arith.constant 0 : i32
      %add3A_966 = arith.addi %mul3A_964, %add3A_965 : i32
      %swap3A_967 = arith.index_cast %add3A_966 : i32 to index
      %swap3A_968 = arith.constant 80 : index
      %swap3A_969 = tpu.vector_load %arg6[%swap3A_967, %swap3A_968] {strides = array<i32>} : memref<128x128xf32, #tpu.memory_space<vmem>>, vector<1x16xf32>,
      %swap3A_970 = vector.shape_cast %swap3A_969 : vector<1x16xf32> to vector<16xf32>
      %swap3A_971 = vector.shape_cast %mul3A_962 : vector<16xf32> to vector<1x16xf32>
      tpu.vector_store %arg6[%swap3A_967, %swap3A_968], %swap3A_971 {strides = array<i32>} : memref<128x128xf32, #tpu.memory_space<vmem>>, vector<1x16xf32>,
      %mul3A_972 = arith.constant 2.000000e-02 : f32
      %mul3A_973 = vector.broadcast %mul3A_972 : f32 to vector<16xf32>
      %mul3A_974 = arith.mulf %parallel_loop3A_899#6, %mul3A_973 : vector<16xf32>
      %mul3A_975 = arith.constant 1 : i32
      %mul3A_976 = arith.muli %add3A_840, %mul3A_975 : i32
      %add3A_977 = arith.constant 0 : i32
      %add3A_978 = arith.addi %mul3A_976, %add3A_977 : i32
      %swap3A_979 = arith.index_cast %add3A_978 : i32 to index
      %swap3A_980 = arith.constant 96 : index
      %swap3A_981 = tpu.vector_load %arg6[%swap3A_979, %swap3A_980] {strides = array<i32>} : memref<128x128xf32, #tpu.memory_space<vmem>>, vector<1x16xf32>,
      %swap3A_982 = vector.shape_cast %swap3A_981 : vector<1x16xf32> to vector<16xf32>
      %swap3A_983 = vector.shape_cast %mul3A_974 : vector<16xf32> to vector<1x16xf32>
      tpu.vector_store %arg6[%swap3A_979, %swap3A_980], %swap3A_983 {strides = array<i32>} : memref<128x128xf32, #tpu.memory_space<vmem>>, vector<1x16xf32>,
      %mul3A_984 = arith.constant 2.000000e-02 : f32
      %mul3A_985 = vector.broadcast %mul3A_984 : f32 to vector<16xf32>
      %mul3A_986 = arith.mulf %parallel_loop3A_899#7, %mul3A_985 : vector<16xf32>
      %mul3A_987 = arith.constant 1 : i32
      %mul3A_988 = arith.muli %add3A_840, %mul3A_987 : i32
      %add3A_989 = arith.constant 0 : i32
      %add3A_990 = arith.addi %mul3A_988, %add3A_989 : i32
      %swap3A_991 = arith.index_cast %add3A_990 : i32 to index
      %swap3A_992 = arith.constant 112 : index
      %swap3A_993 = tpu.vector_load %arg6[%swap3A_991, %swap3A_992] {strides = array<i32>} : memref<128x128xf32, #tpu.memory_space<vmem>>, vector<1x16xf32>,
      %swap3A_994 = vector.shape_cast %swap3A_993 : vector<1x16xf32> to vector<16xf32>
      %swap3A_995 = vector.shape_cast %mul3A_986 : vector<16xf32> to vector<1x16xf32>
      tpu.vector_store %arg6[%swap3A_991, %swap3A_992], %swap3A_995 {strides = array<i32>} : memref<128x128xf32, #tpu.memory_space<vmem>>, vector<1x16xf32>,
      %add3A_996 = arith.constant 6 : i32
      %add3A_997 = arith.addi %add3A_61, %add3A_996 : i32
      %dma_wait3A_998 = arith.constant 0 : i32
      %dma_wait3A_999 = tpu.memref_slice %arg5[%add3A_997, %dma_wait3A_998] : memref<128x50xi32, #tpu.memory_space<vmem>> -> memref<1x50xi32, #tpu.memory_space<vmem>>
      %dma_wait3A_1000 = tpu.memref_squeeze %dma_wait3A_999 : memref<1x50xi32, #tpu.memory_space<vmem>> -> memref<50xi32, #tpu.memory_space<vmem>>
      %dma_wait3A_1001 = arith.constant 0 : i32
      %dma_wait3A_1002 = arith.constant 0 : i32
      %dma_wait3A_1003 = tpu.memref_slice %arg3[%dma_wait3A_1001, %dma_wait3A_1002] : memref<100000x128xf32, #tpu.memory_space<hbm>> -> memref<100000x128xf32, #tpu.memory_space<hbm>>
      tpu.wait_indirect_dma semaphore(%arg21 : memref<!tpu.dma_semaphore, #tpu.memory_space<semaphore_mem>>) src(%dma_wait3A_1003 : memref<100000x128xf32, #tpu.memory_space<hbm>>) dst(%arg13 : memref<50x128xf32, #tpu.memory_space<vmem>>)
      %add3A_1004 = arith.constant 8 : i32
      %add3A_1005 = arith.addi %add3A_997, %add3A_1004 : i32
      %sub3A_1006 = arith.constant 1 : i32
      %sub3A_1007 = arith.subi %add3A_1005, %sub3A_1006 : i32
      %lt3A_1008 = arith.constant 128 : i32
      %lt3A_1009 = arith.cmpi slt, %sub3A_1007, %lt3A_1008 : i32
      %convert_element_type3A_1010 = arith.extui %lt3A_1009 : i1 to i32
      %cond3A_1011 = arith.constant 0 : i32
      %cond3A_1012 = arith.cmpi ne, %convert_element_type3A_1010, %cond3A_1011 : i32
      scf.if %cond3A_1012 {
        %add3A_1310 = arith.constant 8 : i32
        %add3A_1311 = arith.addi %add3A_997, %add3A_1310 : i32
        %sub3A_1312 = arith.constant 1 : i32
        %sub3A_1313 = arith.subi %add3A_1311, %sub3A_1312 : i32
        %dma_start3A_1314 = arith.constant 0 : i32
        %dma_start3A_1315 = tpu.memref_slice %arg5[%sub3A_1313, %dma_start3A_1314] : memref<128x50xi32, #tpu.memory_space<vmem>> -> memref<1x50xi32, #tpu.memory_space<vmem>>
        %dma_start3A_1316 = tpu.memref_squeeze %dma_start3A_1315 : memref<1x50xi32, #tpu.memory_space<vmem>> -> memref<50xi32, #tpu.memory_space<vmem>>
        %dma_start3A_1317 = arith.constant 0 : i32
        %dma_start3A_1318 = arith.constant 0 : i32
        %dma_start3A_1319 = tpu.memref_slice %arg3[%dma_start3A_1317, %dma_start3A_1318] : memref<100000x128xf32, #tpu.memory_space<hbm>> -> memref<100000x128xf32, #tpu.memory_space<hbm>>
        tpu.enqueue_indirect_dma source(%dma_start3A_1319 : memref<100000x128xf32, #tpu.memory_space<hbm>>) target(%arg12 : memref<50x128xf32, #tpu.memory_space<vmem>>) offsets(%dma_start3A_1316 : memref<50xi32, #tpu.memory_space<vmem>>) semaphore(%arg20 : memref<!tpu.dma_semaphore, #tpu.memory_space<semaphore_mem>>)
      } else {
      }
      %get3A_1013 = arith.constant 0 : i32
      %get3A_1014 = arith.index_cast %get3A_1013 : i32 to index
      %get3A_1015 = arith.constant 0 : index
      %get3A_1016 = tpu.vector_load %arg13[%get3A_1014, %get3A_1015] {strides = array<i32>} : memref<50x128xf32, #tpu.memory_space<vmem>>, vector<1x16xf32>,
      %get3A_1017 = vector.shape_cast %get3A_1016 : vector<1x16xf32> to vector<16xf32>
      %get3A_1018 = arith.constant 0 : i32
      %get3A_1019 = arith.index_cast %get3A_1018 : i32 to index
      %get3A_1020 = arith.constant 16 : index
      %get3A_1021 = tpu.vector_load %arg13[%get3A_1019, %get3A_1020] {strides = array<i32>} : memref<50x128xf32, #tpu.memory_space<vmem>>, vector<1x16xf32>,
      %get3A_1022 = vector.shape_cast %get3A_1021 : vector<1x16xf32> to vector<16xf32>
      %get3A_1023 = arith.constant 0 : i32
      %get3A_1024 = arith.index_cast %get3A_1023 : i32 to index
      %get3A_1025 = arith.constant 32 : index
      %get3A_1026 = tpu.vector_load %arg13[%get3A_1024, %get3A_1025] {strides = array<i32>} : memref<50x128xf32, #tpu.memory_space<vmem>>, vector<1x16xf32>,
      %get3A_1027 = vector.shape_cast %get3A_1026 : vector<1x16xf32> to vector<16xf32>
      %get3A_1028 = arith.constant 0 : i32
      %get3A_1029 = arith.index_cast %get3A_1028 : i32 to index
      %get3A_1030 = arith.constant 48 : index
      %get3A_1031 = tpu.vector_load %arg13[%get3A_1029, %get3A_1030] {strides = array<i32>} : memref<50x128xf32, #tpu.memory_space<vmem>>, vector<1x16xf32>,
      %get3A_1032 = vector.shape_cast %get3A_1031 : vector<1x16xf32> to vector<16xf32>
      %get3A_1033 = arith.constant 0 : i32
      %get3A_1034 = arith.index_cast %get3A_1033 : i32 to index
      %get3A_1035 = arith.constant 64 : index
      %get3A_1036 = tpu.vector_load %arg13[%get3A_1034, %get3A_1035] {strides = array<i32>} : memref<50x128xf32, #tpu.memory_space<vmem>>, vector<1x16xf32>,
      %get3A_1037 = vector.shape_cast %get3A_1036 : vector<1x16xf32> to vector<16xf32>
      %get3A_1038 = arith.constant 0 : i32
      %get3A_1039 = arith.index_cast %get3A_1038 : i32 to index
      %get3A_1040 = arith.constant 80 : index
      %get3A_1041 = tpu.vector_load %arg13[%get3A_1039, %get3A_1040] {strides = array<i32>} : memref<50x128xf32, #tpu.memory_space<vmem>>, vector<1x16xf32>,
      %get3A_1042 = vector.shape_cast %get3A_1041 : vector<1x16xf32> to vector<16xf32>
      %get3A_1043 = arith.constant 0 : i32
      %get3A_1044 = arith.index_cast %get3A_1043 : i32 to index
      %get3A_1045 = arith.constant 96 : index
      %get3A_1046 = tpu.vector_load %arg13[%get3A_1044, %get3A_1045] {strides = array<i32>} : memref<50x128xf32, #tpu.memory_space<vmem>>, vector<1x16xf32>,
      %get3A_1047 = vector.shape_cast %get3A_1046 : vector<1x16xf32> to vector<16xf32>
      %get3A_1048 = arith.constant 0 : i32
      %get3A_1049 = arith.index_cast %get3A_1048 : i32 to index
      %get3A_1050 = arith.constant 112 : index
      %get3A_1051 = tpu.vector_load %arg13[%get3A_1049, %get3A_1050] {strides = array<i32>} : memref<50x128xf32, #tpu.memory_space<vmem>>, vector<1x16xf32>,
      %get3A_1052 = vector.shape_cast %get3A_1051 : vector<1x16xf32> to vector<16xf32>
      %parallel_loop3A_1053 = arith.constant 1 : i32
      %parallel_loop3A_1054 = arith.constant 50 : i32
      %parallel_loop3A_1055 = arith.constant 1 : i32
      %parallel_loop3A_1056:8 = scf.for %parallel_loop3A_1310 = %parallel_loop3A_1053 to %parallel_loop3A_1054 step %parallel_loop3A_1055 iter_args(%parallel_loop3A_1311 = %get3A_1017, %parallel_loop3A_1312 = %get3A_1022, %parallel_loop3A_1313 = %get3A_1027, %parallel_loop3A_1314 = %get3A_1032, %parallel_loop3A_1315 = %get3A_1037, %parallel_loop3A_1316 = %get3A_1042, %parallel_loop3A_1317 = %get3A_1047, %parallel_loop3A_1318 = %get3A_1052) -> (vector<16xf32>, vector<16xf32>, vector<16xf32>, vector<16xf32>, vector<16xf32>, vector<16xf32>, vector<16xf32>, vector<16xf32>)  : i32 {
        %parallel_loop3A_1319 = arith.constant 0 : i32
        %parallel_loop3A_1320 = arith.addi %parallel_loop3A_1319, %parallel_loop3A_1310 : i32
        %parallel_loop3A_1321 = arith.index_cast %parallel_loop3A_1320 : i32 to index
        %parallel_loop3A_1322 = arith.constant 0 : index
        %parallel_loop3A_1323 = tpu.vector_load %arg13[%parallel_loop3A_1321, %parallel_loop3A_1322] {strides = array<i32>} : memref<50x128xf32, #tpu.memory_space<vmem>>, vector<1x16xf32>,
        %parallel_loop3A_1324 = vector.shape_cast %parallel_loop3A_1323 : vector<1x16xf32> to vector<16xf32>
        %parallel_loop3A_1325 = arith.addf %parallel_loop3A_1311, %parallel_loop3A_1324 : vector<16xf32>
        %parallel_loop3A_1326 = arith.constant 0 : i32
        %parallel_loop3A_1327 = arith.addi %parallel_loop3A_1326, %parallel_loop3A_1310 : i32
        %parallel_loop3A_1328 = arith.index_cast %parallel_loop3A_1327 : i32 to index
        %parallel_loop3A_1329 = arith.constant 16 : index
        %parallel_loop3A_1330 = tpu.vector_load %arg13[%parallel_loop3A_1328, %parallel_loop3A_1329] {strides = array<i32>} : memref<50x128xf32, #tpu.memory_space<vmem>>, vector<1x16xf32>,
        %parallel_loop3A_1331 = vector.shape_cast %parallel_loop3A_1330 : vector<1x16xf32> to vector<16xf32>
        %parallel_loop3A_1332 = arith.addf %parallel_loop3A_1312, %parallel_loop3A_1331 : vector<16xf32>
        %parallel_loop3A_1333 = arith.constant 0 : i32
        %parallel_loop3A_1334 = arith.addi %parallel_loop3A_1333, %parallel_loop3A_1310 : i32
        %parallel_loop3A_1335 = arith.index_cast %parallel_loop3A_1334 : i32 to index
        %parallel_loop3A_1336 = arith.constant 32 : index
        %parallel_loop3A_1337 = tpu.vector_load %arg13[%parallel_loop3A_1335, %parallel_loop3A_1336] {strides = array<i32>} : memref<50x128xf32, #tpu.memory_space<vmem>>, vector<1x16xf32>,
        %parallel_loop3A_1338 = vector.shape_cast %parallel_loop3A_1337 : vector<1x16xf32> to vector<16xf32>
        %parallel_loop3A_1339 = arith.addf %parallel_loop3A_1313, %parallel_loop3A_1338 : vector<16xf32>
        %parallel_loop3A_1340 = arith.constant 0 : i32
        %parallel_loop3A_1341 = arith.addi %parallel_loop3A_1340, %parallel_loop3A_1310 : i32
        %parallel_loop3A_1342 = arith.index_cast %parallel_loop3A_1341 : i32 to index
        %parallel_loop3A_1343 = arith.constant 48 : index
        %parallel_loop3A_1344 = tpu.vector_load %arg13[%parallel_loop3A_1342, %parallel_loop3A_1343] {strides = array<i32>} : memref<50x128xf32, #tpu.memory_space<vmem>>, vector<1x16xf32>,
        %parallel_loop3A_1345 = vector.shape_cast %parallel_loop3A_1344 : vector<1x16xf32> to vector<16xf32>
        %parallel_loop3A_1346 = arith.addf %parallel_loop3A_1314, %parallel_loop3A_1345 : vector<16xf32>
        %parallel_loop3A_1347 = arith.constant 0 : i32
        %parallel_loop3A_1348 = arith.addi %parallel_loop3A_1347, %parallel_loop3A_1310 : i32
        %parallel_loop3A_1349 = arith.index_cast %parallel_loop3A_1348 : i32 to index
        %parallel_loop3A_1350 = arith.constant 64 : index
        %parallel_loop3A_1351 = tpu.vector_load %arg13[%parallel_loop3A_1349, %parallel_loop3A_1350] {strides = array<i32>} : memref<50x128xf32, #tpu.memory_space<vmem>>, vector<1x16xf32>,
        %parallel_loop3A_1352 = vector.shape_cast %parallel_loop3A_1351 : vector<1x16xf32> to vector<16xf32>
        %parallel_loop3A_1353 = arith.addf %parallel_loop3A_1315, %parallel_loop3A_1352 : vector<16xf32>
        %parallel_loop3A_1354 = arith.constant 0 : i32
        %parallel_loop3A_1355 = arith.addi %parallel_loop3A_1354, %parallel_loop3A_1310 : i32
        %parallel_loop3A_1356 = arith.index_cast %parallel_loop3A_1355 : i32 to index
        %parallel_loop3A_1357 = arith.constant 80 : index
        %parallel_loop3A_1358 = tpu.vector_load %arg13[%parallel_loop3A_1356, %parallel_loop3A_1357] {strides = array<i32>} : memref<50x128xf32, #tpu.memory_space<vmem>>, vector<1x16xf32>,
        %parallel_loop3A_1359 = vector.shape_cast %parallel_loop3A_1358 : vector<1x16xf32> to vector<16xf32>
        %parallel_loop3A_1360 = arith.addf %parallel_loop3A_1316, %parallel_loop3A_1359 : vector<16xf32>
        %parallel_loop3A_1361 = arith.constant 0 : i32
        %parallel_loop3A_1362 = arith.addi %parallel_loop3A_1361, %parallel_loop3A_1310 : i32
        %parallel_loop3A_1363 = arith.index_cast %parallel_loop3A_1362 : i32 to index
        %parallel_loop3A_1364 = arith.constant 96 : index
        %parallel_loop3A_1365 = tpu.vector_load %arg13[%parallel_loop3A_1363, %parallel_loop3A_1364] {strides = array<i32>} : memref<50x128xf32, #tpu.memory_space<vmem>>, vector<1x16xf32>,
        %parallel_loop3A_1366 = vector.shape_cast %parallel_loop3A_1365 : vector<1x16xf32> to vector<16xf32>
        %parallel_loop3A_1367 = arith.addf %parallel_loop3A_1317, %parallel_loop3A_1366 : vector<16xf32>
        %parallel_loop3A_1368 = arith.constant 0 : i32
        %parallel_loop3A_1369 = arith.addi %parallel_loop3A_1368, %parallel_loop3A_1310 : i32
        %parallel_loop3A_1370 = arith.index_cast %parallel_loop3A_1369 : i32 to index
        %parallel_loop3A_1371 = arith.constant 112 : index
        %parallel_loop3A_1372 = tpu.vector_load %arg13[%parallel_loop3A_1370, %parallel_loop3A_1371] {strides = array<i32>} : memref<50x128xf32, #tpu.memory_space<vmem>>, vector<1x16xf32>,
        %parallel_loop3A_1373 = vector.shape_cast %parallel_loop3A_1372 : vector<1x16xf32> to vector<16xf32>
        %parallel_loop3A_1374 = arith.addf %parallel_loop3A_1318, %parallel_loop3A_1373 : vector<16xf32>
        scf.yield %parallel_loop3A_1325, %parallel_loop3A_1332, %parallel_loop3A_1339, %parallel_loop3A_1346, %parallel_loop3A_1353, %parallel_loop3A_1360, %parallel_loop3A_1367, %parallel_loop3A_1374 : vector<16xf32>, vector<16xf32>, vector<16xf32>, vector<16xf32>, vector<16xf32>, vector<16xf32>, vector<16xf32>, vector<16xf32>
      } {sc.loop_unroll_factor = 4 : i64, sc.parallel_access}
      %mul3A_1057 = arith.constant 2.000000e-02 : f32
      %mul3A_1058 = vector.broadcast %mul3A_1057 : f32 to vector<16xf32>
      %mul3A_1059 = arith.mulf %parallel_loop3A_1056#0, %mul3A_1058 : vector<16xf32>
      %mul3A_1060 = arith.constant 1 : i32
      %mul3A_1061 = arith.muli %add3A_997, %mul3A_1060 : i32
      %add3A_1062 = arith.constant 0 : i32
      %add3A_1063 = arith.addi %mul3A_1061, %add3A_1062 : i32
      %swap3A_1064 = arith.index_cast %add3A_1063 : i32 to index
      %swap3A_1065 = arith.constant 0 : index
      %swap3A_1066 = tpu.vector_load %arg6[%swap3A_1064, %swap3A_1065] {strides = array<i32>} : memref<128x128xf32, #tpu.memory_space<vmem>>, vector<1x16xf32>,
      %swap3A_1067 = vector.shape_cast %swap3A_1066 : vector<1x16xf32> to vector<16xf32>
      %swap3A_1068 = vector.shape_cast %mul3A_1059 : vector<16xf32> to vector<1x16xf32>
      tpu.vector_store %arg6[%swap3A_1064, %swap3A_1065], %swap3A_1068 {strides = array<i32>} : memref<128x128xf32, #tpu.memory_space<vmem>>, vector<1x16xf32>,
      %mul3A_1069 = arith.constant 2.000000e-02 : f32
      %mul3A_1070 = vector.broadcast %mul3A_1069 : f32 to vector<16xf32>
      %mul3A_1071 = arith.mulf %parallel_loop3A_1056#1, %mul3A_1070 : vector<16xf32>
      %mul3A_1072 = arith.constant 1 : i32
      %mul3A_1073 = arith.muli %add3A_997, %mul3A_1072 : i32
      %add3A_1074 = arith.constant 0 : i32
      %add3A_1075 = arith.addi %mul3A_1073, %add3A_1074 : i32
      %swap3A_1076 = arith.index_cast %add3A_1075 : i32 to index
      %swap3A_1077 = arith.constant 16 : index
      %swap3A_1078 = tpu.vector_load %arg6[%swap3A_1076, %swap3A_1077] {strides = array<i32>} : memref<128x128xf32, #tpu.memory_space<vmem>>, vector<1x16xf32>,
      %swap3A_1079 = vector.shape_cast %swap3A_1078 : vector<1x16xf32> to vector<16xf32>
      %swap3A_1080 = vector.shape_cast %mul3A_1071 : vector<16xf32> to vector<1x16xf32>
      tpu.vector_store %arg6[%swap3A_1076, %swap3A_1077], %swap3A_1080 {strides = array<i32>} : memref<128x128xf32, #tpu.memory_space<vmem>>, vector<1x16xf32>,
      %mul3A_1081 = arith.constant 2.000000e-02 : f32
      %mul3A_1082 = vector.broadcast %mul3A_1081 : f32 to vector<16xf32>
      %mul3A_1083 = arith.mulf %parallel_loop3A_1056#2, %mul3A_1082 : vector<16xf32>
      %mul3A_1084 = arith.constant 1 : i32
      %mul3A_1085 = arith.muli %add3A_997, %mul3A_1084 : i32
      %add3A_1086 = arith.constant 0 : i32
      %add3A_1087 = arith.addi %mul3A_1085, %add3A_1086 : i32
      %swap3A_1088 = arith.index_cast %add3A_1087 : i32 to index
      %swap3A_1089 = arith.constant 32 : index
      %swap3A_1090 = tpu.vector_load %arg6[%swap3A_1088, %swap3A_1089] {strides = array<i32>} : memref<128x128xf32, #tpu.memory_space<vmem>>, vector<1x16xf32>,
      %swap3A_1091 = vector.shape_cast %swap3A_1090 : vector<1x16xf32> to vector<16xf32>
      %swap3A_1092 = vector.shape_cast %mul3A_1083 : vector<16xf32> to vector<1x16xf32>
      tpu.vector_store %arg6[%swap3A_1088, %swap3A_1089], %swap3A_1092 {strides = array<i32>} : memref<128x128xf32, #tpu.memory_space<vmem>>, vector<1x16xf32>,
      %mul3A_1093 = arith.constant 2.000000e-02 : f32
      %mul3A_1094 = vector.broadcast %mul3A_1093 : f32 to vector<16xf32>
      %mul3A_1095 = arith.mulf %parallel_loop3A_1056#3, %mul3A_1094 : vector<16xf32>
      %mul3A_1096 = arith.constant 1 : i32
      %mul3A_1097 = arith.muli %add3A_997, %mul3A_1096 : i32
      %add3A_1098 = arith.constant 0 : i32
      %add3A_1099 = arith.addi %mul3A_1097, %add3A_1098 : i32
      %swap3A_1100 = arith.index_cast %add3A_1099 : i32 to index
      %swap3A_1101 = arith.constant 48 : index
      %swap3A_1102 = tpu.vector_load %arg6[%swap3A_1100, %swap3A_1101] {strides = array<i32>} : memref<128x128xf32, #tpu.memory_space<vmem>>, vector<1x16xf32>,
      %swap3A_1103 = vector.shape_cast %swap3A_1102 : vector<1x16xf32> to vector<16xf32>
      %swap3A_1104 = vector.shape_cast %mul3A_1095 : vector<16xf32> to vector<1x16xf32>
      tpu.vector_store %arg6[%swap3A_1100, %swap3A_1101], %swap3A_1104 {strides = array<i32>} : memref<128x128xf32, #tpu.memory_space<vmem>>, vector<1x16xf32>,
      %mul3A_1105 = arith.constant 2.000000e-02 : f32
      %mul3A_1106 = vector.broadcast %mul3A_1105 : f32 to vector<16xf32>
      %mul3A_1107 = arith.mulf %parallel_loop3A_1056#4, %mul3A_1106 : vector<16xf32>
      %mul3A_1108 = arith.constant 1 : i32
      %mul3A_1109 = arith.muli %add3A_997, %mul3A_1108 : i32
      %add3A_1110 = arith.constant 0 : i32
      %add3A_1111 = arith.addi %mul3A_1109, %add3A_1110 : i32
      %swap3A_1112 = arith.index_cast %add3A_1111 : i32 to index
      %swap3A_1113 = arith.constant 64 : index
      %swap3A_1114 = tpu.vector_load %arg6[%swap3A_1112, %swap3A_1113] {strides = array<i32>} : memref<128x128xf32, #tpu.memory_space<vmem>>, vector<1x16xf32>,
      %swap3A_1115 = vector.shape_cast %swap3A_1114 : vector<1x16xf32> to vector<16xf32>
      %swap3A_1116 = vector.shape_cast %mul3A_1107 : vector<16xf32> to vector<1x16xf32>
      tpu.vector_store %arg6[%swap3A_1112, %swap3A_1113], %swap3A_1116 {strides = array<i32>} : memref<128x128xf32, #tpu.memory_space<vmem>>, vector<1x16xf32>,
      %mul3A_1117 = arith.constant 2.000000e-02 : f32
      %mul3A_1118 = vector.broadcast %mul3A_1117 : f32 to vector<16xf32>
      %mul3A_1119 = arith.mulf %parallel_loop3A_1056#5, %mul3A_1118 : vector<16xf32>
      %mul3A_1120 = arith.constant 1 : i32
      %mul3A_1121 = arith.muli %add3A_997, %mul3A_1120 : i32
      %add3A_1122 = arith.constant 0 : i32
      %add3A_1123 = arith.addi %mul3A_1121, %add3A_1122 : i32
      %swap3A_1124 = arith.index_cast %add3A_1123 : i32 to index
      %swap3A_1125 = arith.constant 80 : index
      %swap3A_1126 = tpu.vector_load %arg6[%swap3A_1124, %swap3A_1125] {strides = array<i32>} : memref<128x128xf32, #tpu.memory_space<vmem>>, vector<1x16xf32>,
      %swap3A_1127 = vector.shape_cast %swap3A_1126 : vector<1x16xf32> to vector<16xf32>
      %swap3A_1128 = vector.shape_cast %mul3A_1119 : vector<16xf32> to vector<1x16xf32>
      tpu.vector_store %arg6[%swap3A_1124, %swap3A_1125], %swap3A_1128 {strides = array<i32>} : memref<128x128xf32, #tpu.memory_space<vmem>>, vector<1x16xf32>,
      %mul3A_1129 = arith.constant 2.000000e-02 : f32
      %mul3A_1130 = vector.broadcast %mul3A_1129 : f32 to vector<16xf32>
      %mul3A_1131 = arith.mulf %parallel_loop3A_1056#6, %mul3A_1130 : vector<16xf32>
      %mul3A_1132 = arith.constant 1 : i32
      %mul3A_1133 = arith.muli %add3A_997, %mul3A_1132 : i32
      %add3A_1134 = arith.constant 0 : i32
      %add3A_1135 = arith.addi %mul3A_1133, %add3A_1134 : i32
      %swap3A_1136 = arith.index_cast %add3A_1135 : i32 to index
      %swap3A_1137 = arith.constant 96 : index
      %swap3A_1138 = tpu.vector_load %arg6[%swap3A_1136, %swap3A_1137] {strides = array<i32>} : memref<128x128xf32, #tpu.memory_space<vmem>>, vector<1x16xf32>,
      %swap3A_1139 = vector.shape_cast %swap3A_1138 : vector<1x16xf32> to vector<16xf32>
      %swap3A_1140 = vector.shape_cast %mul3A_1131 : vector<16xf32> to vector<1x16xf32>
      tpu.vector_store %arg6[%swap3A_1136, %swap3A_1137], %swap3A_1140 {strides = array<i32>} : memref<128x128xf32, #tpu.memory_space<vmem>>, vector<1x16xf32>,
      %mul3A_1141 = arith.constant 2.000000e-02 : f32
      %mul3A_1142 = vector.broadcast %mul3A_1141 : f32 to vector<16xf32>
      %mul3A_1143 = arith.mulf %parallel_loop3A_1056#7, %mul3A_1142 : vector<16xf32>
      %mul3A_1144 = arith.constant 1 : i32
      %mul3A_1145 = arith.muli %add3A_997, %mul3A_1144 : i32
      %add3A_1146 = arith.constant 0 : i32
      %add3A_1147 = arith.addi %mul3A_1145, %add3A_1146 : i32
      %swap3A_1148 = arith.index_cast %add3A_1147 : i32 to index
      %swap3A_1149 = arith.constant 112 : index
      %swap3A_1150 = tpu.vector_load %arg6[%swap3A_1148, %swap3A_1149] {strides = array<i32>} : memref<128x128xf32, #tpu.memory_space<vmem>>, vector<1x16xf32>,
      %swap3A_1151 = vector.shape_cast %swap3A_1150 : vector<1x16xf32> to vector<16xf32>
      %swap3A_1152 = vector.shape_cast %mul3A_1143 : vector<16xf32> to vector<1x16xf32>
      tpu.vector_store %arg6[%swap3A_1148, %swap3A_1149], %swap3A_1152 {strides = array<i32>} : memref<128x128xf32, #tpu.memory_space<vmem>>, vector<1x16xf32>,
      %add3A_1153 = arith.constant 7 : i32
      %add3A_1154 = arith.addi %add3A_61, %add3A_1153 : i32
      %dma_wait3A_1155 = arith.constant 0 : i32
      %dma_wait3A_1156 = tpu.memref_slice %arg5[%add3A_1154, %dma_wait3A_1155] : memref<128x50xi32, #tpu.memory_space<vmem>> -> memref<1x50xi32, #tpu.memory_space<vmem>>
      %dma_wait3A_1157 = tpu.memref_squeeze %dma_wait3A_1156 : memref<1x50xi32, #tpu.memory_space<vmem>> -> memref<50xi32, #tpu.memory_space<vmem>>
      %dma_wait3A_1158 = arith.constant 0 : i32
      %dma_wait3A_1159 = arith.constant 0 : i32
      %dma_wait3A_1160 = tpu.memref_slice %arg3[%dma_wait3A_1158, %dma_wait3A_1159] : memref<100000x128xf32, #tpu.memory_space<hbm>> -> memref<100000x128xf32, #tpu.memory_space<hbm>>
      tpu.wait_indirect_dma semaphore(%arg22 : memref<!tpu.dma_semaphore, #tpu.memory_space<semaphore_mem>>) src(%dma_wait3A_1160 : memref<100000x128xf32, #tpu.memory_space<hbm>>) dst(%arg14 : memref<50x128xf32, #tpu.memory_space<vmem>>)
      %add3A_1161 = arith.constant 8 : i32
      %add3A_1162 = arith.addi %add3A_1154, %add3A_1161 : i32
      %sub3A_1163 = arith.constant 1 : i32
      %sub3A_1164 = arith.subi %add3A_1162, %sub3A_1163 : i32
      %lt3A_1165 = arith.constant 128 : i32
      %lt3A_1166 = arith.cmpi slt, %sub3A_1164, %lt3A_1165 : i32
      %convert_element_type3A_1167 = arith.extui %lt3A_1166 : i1 to i32
      %cond3A_1168 = arith.constant 0 : i32
      %cond3A_1169 = arith.cmpi ne, %convert_element_type3A_1167, %cond3A_1168 : i32
      scf.if %cond3A_1169 {
        %add3A_1310 = arith.constant 8 : i32
        %add3A_1311 = arith.addi %add3A_1154, %add3A_1310 : i32
        %sub3A_1312 = arith.constant 1 : i32
        %sub3A_1313 = arith.subi %add3A_1311, %sub3A_1312 : i32
        %dma_start3A_1314 = arith.constant 0 : i32
        %dma_start3A_1315 = tpu.memref_slice %arg5[%sub3A_1313, %dma_start3A_1314] : memref<128x50xi32, #tpu.memory_space<vmem>> -> memref<1x50xi32, #tpu.memory_space<vmem>>
        %dma_start3A_1316 = tpu.memref_squeeze %dma_start3A_1315 : memref<1x50xi32, #tpu.memory_space<vmem>> -> memref<50xi32, #tpu.memory_space<vmem>>
        %dma_start3A_1317 = arith.constant 0 : i32
        %dma_start3A_1318 = arith.constant 0 : i32
        %dma_start3A_1319 = tpu.memref_slice %arg3[%dma_start3A_1317, %dma_start3A_1318] : memref<100000x128xf32, #tpu.memory_space<hbm>> -> memref<100000x128xf32, #tpu.memory_space<hbm>>
        tpu.enqueue_indirect_dma source(%dma_start3A_1319 : memref<100000x128xf32, #tpu.memory_space<hbm>>) target(%arg13 : memref<50x128xf32, #tpu.memory_space<vmem>>) offsets(%dma_start3A_1316 : memref<50xi32, #tpu.memory_space<vmem>>) semaphore(%arg21 : memref<!tpu.dma_semaphore, #tpu.memory_space<semaphore_mem>>)
      } else {
      }
      %get3A_1170 = arith.constant 0 : i32
      %get3A_1171 = arith.index_cast %get3A_1170 : i32 to index
      %get3A_1172 = arith.constant 0 : index
      %get3A_1173 = tpu.vector_load %arg14[%get3A_1171, %get3A_1172] {strides = array<i32>} : memref<50x128xf32, #tpu.memory_space<vmem>>, vector<1x16xf32>,
      %get3A_1174 = vector.shape_cast %get3A_1173 : vector<1x16xf32> to vector<16xf32>
      %get3A_1175 = arith.constant 0 : i32
      %get3A_1176 = arith.index_cast %get3A_1175 : i32 to index
      %get3A_1177 = arith.constant 16 : index
      %get3A_1178 = tpu.vector_load %arg14[%get3A_1176, %get3A_1177] {strides = array<i32>} : memref<50x128xf32, #tpu.memory_space<vmem>>, vector<1x16xf32>,
      %get3A_1179 = vector.shape_cast %get3A_1178 : vector<1x16xf32> to vector<16xf32>
      %get3A_1180 = arith.constant 0 : i32
      %get3A_1181 = arith.index_cast %get3A_1180 : i32 to index
      %get3A_1182 = arith.constant 32 : index
      %get3A_1183 = tpu.vector_load %arg14[%get3A_1181, %get3A_1182] {strides = array<i32>} : memref<50x128xf32, #tpu.memory_space<vmem>>, vector<1x16xf32>,
      %get3A_1184 = vector.shape_cast %get3A_1183 : vector<1x16xf32> to vector<16xf32>
      %get3A_1185 = arith.constant 0 : i32
      %get3A_1186 = arith.index_cast %get3A_1185 : i32 to index
      %get3A_1187 = arith.constant 48 : index
      %get3A_1188 = tpu.vector_load %arg14[%get3A_1186, %get3A_1187] {strides = array<i32>} : memref<50x128xf32, #tpu.memory_space<vmem>>, vector<1x16xf32>,
      %get3A_1189 = vector.shape_cast %get3A_1188 : vector<1x16xf32> to vector<16xf32>
      %get3A_1190 = arith.constant 0 : i32
      %get3A_1191 = arith.index_cast %get3A_1190 : i32 to index
      %get3A_1192 = arith.constant 64 : index
      %get3A_1193 = tpu.vector_load %arg14[%get3A_1191, %get3A_1192] {strides = array<i32>} : memref<50x128xf32, #tpu.memory_space<vmem>>, vector<1x16xf32>,
      %get3A_1194 = vector.shape_cast %get3A_1193 : vector<1x16xf32> to vector<16xf32>
      %get3A_1195 = arith.constant 0 : i32
      %get3A_1196 = arith.index_cast %get3A_1195 : i32 to index
      %get3A_1197 = arith.constant 80 : index
      %get3A_1198 = tpu.vector_load %arg14[%get3A_1196, %get3A_1197] {strides = array<i32>} : memref<50x128xf32, #tpu.memory_space<vmem>>, vector<1x16xf32>,
      %get3A_1199 = vector.shape_cast %get3A_1198 : vector<1x16xf32> to vector<16xf32>
      %get3A_1200 = arith.constant 0 : i32
      %get3A_1201 = arith.index_cast %get3A_1200 : i32 to index
      %get3A_1202 = arith.constant 96 : index
      %get3A_1203 = tpu.vector_load %arg14[%get3A_1201, %get3A_1202] {strides = array<i32>} : memref<50x128xf32, #tpu.memory_space<vmem>>, vector<1x16xf32>,
      %get3A_1204 = vector.shape_cast %get3A_1203 : vector<1x16xf32> to vector<16xf32>
      %get3A_1205 = arith.constant 0 : i32
      %get3A_1206 = arith.index_cast %get3A_1205 : i32 to index
      %get3A_1207 = arith.constant 112 : index
      %get3A_1208 = tpu.vector_load %arg14[%get3A_1206, %get3A_1207] {strides = array<i32>} : memref<50x128xf32, #tpu.memory_space<vmem>>, vector<1x16xf32>,
      %get3A_1209 = vector.shape_cast %get3A_1208 : vector<1x16xf32> to vector<16xf32>
      %parallel_loop3A_1210 = arith.constant 1 : i32
      %parallel_loop3A_1211 = arith.constant 50 : i32
      %parallel_loop3A_1212 = arith.constant 1 : i32
      %parallel_loop3A_1213:8 = scf.for %parallel_loop3A_1310 = %parallel_loop3A_1210 to %parallel_loop3A_1211 step %parallel_loop3A_1212 iter_args(%parallel_loop3A_1311 = %get3A_1174, %parallel_loop3A_1312 = %get3A_1179, %parallel_loop3A_1313 = %get3A_1184, %parallel_loop3A_1314 = %get3A_1189, %parallel_loop3A_1315 = %get3A_1194, %parallel_loop3A_1316 = %get3A_1199, %parallel_loop3A_1317 = %get3A_1204, %parallel_loop3A_1318 = %get3A_1209) -> (vector<16xf32>, vector<16xf32>, vector<16xf32>, vector<16xf32>, vector<16xf32>, vector<16xf32>, vector<16xf32>, vector<16xf32>)  : i32 {
        %parallel_loop3A_1319 = arith.constant 0 : i32
        %parallel_loop3A_1320 = arith.addi %parallel_loop3A_1319, %parallel_loop3A_1310 : i32
        %parallel_loop3A_1321 = arith.index_cast %parallel_loop3A_1320 : i32 to index
        %parallel_loop3A_1322 = arith.constant 0 : index
        %parallel_loop3A_1323 = tpu.vector_load %arg14[%parallel_loop3A_1321, %parallel_loop3A_1322] {strides = array<i32>} : memref<50x128xf32, #tpu.memory_space<vmem>>, vector<1x16xf32>,
        %parallel_loop3A_1324 = vector.shape_cast %parallel_loop3A_1323 : vector<1x16xf32> to vector<16xf32>
        %parallel_loop3A_1325 = arith.addf %parallel_loop3A_1311, %parallel_loop3A_1324 : vector<16xf32>
        %parallel_loop3A_1326 = arith.constant 0 : i32
        %parallel_loop3A_1327 = arith.addi %parallel_loop3A_1326, %parallel_loop3A_1310 : i32
        %parallel_loop3A_1328 = arith.index_cast %parallel_loop3A_1327 : i32 to index
        %parallel_loop3A_1329 = arith.constant 16 : index
        %parallel_loop3A_1330 = tpu.vector_load %arg14[%parallel_loop3A_1328, %parallel_loop3A_1329] {strides = array<i32>} : memref<50x128xf32, #tpu.memory_space<vmem>>, vector<1x16xf32>,
        %parallel_loop3A_1331 = vector.shape_cast %parallel_loop3A_1330 : vector<1x16xf32> to vector<16xf32>
        %parallel_loop3A_1332 = arith.addf %parallel_loop3A_1312, %parallel_loop3A_1331 : vector<16xf32>
        %parallel_loop3A_1333 = arith.constant 0 : i32
        %parallel_loop3A_1334 = arith.addi %parallel_loop3A_1333, %parallel_loop3A_1310 : i32
        %parallel_loop3A_1335 = arith.index_cast %parallel_loop3A_1334 : i32 to index
        %parallel_loop3A_1336 = arith.constant 32 : index
        %parallel_loop3A_1337 = tpu.vector_load %arg14[%parallel_loop3A_1335, %parallel_loop3A_1336] {strides = array<i32>} : memref<50x128xf32, #tpu.memory_space<vmem>>, vector<1x16xf32>,
        %parallel_loop3A_1338 = vector.shape_cast %parallel_loop3A_1337 : vector<1x16xf32> to vector<16xf32>
        %parallel_loop3A_1339 = arith.addf %parallel_loop3A_1313, %parallel_loop3A_1338 : vector<16xf32>
        %parallel_loop3A_1340 = arith.constant 0 : i32
        %parallel_loop3A_1341 = arith.addi %parallel_loop3A_1340, %parallel_loop3A_1310 : i32
        %parallel_loop3A_1342 = arith.index_cast %parallel_loop3A_1341 : i32 to index
        %parallel_loop3A_1343 = arith.constant 48 : index
        %parallel_loop3A_1344 = tpu.vector_load %arg14[%parallel_loop3A_1342, %parallel_loop3A_1343] {strides = array<i32>} : memref<50x128xf32, #tpu.memory_space<vmem>>, vector<1x16xf32>,
        %parallel_loop3A_1345 = vector.shape_cast %parallel_loop3A_1344 : vector<1x16xf32> to vector<16xf32>
        %parallel_loop3A_1346 = arith.addf %parallel_loop3A_1314, %parallel_loop3A_1345 : vector<16xf32>
        %parallel_loop3A_1347 = arith.constant 0 : i32
        %parallel_loop3A_1348 = arith.addi %parallel_loop3A_1347, %parallel_loop3A_1310 : i32
        %parallel_loop3A_1349 = arith.index_cast %parallel_loop3A_1348 : i32 to index
        %parallel_loop3A_1350 = arith.constant 64 : index
        %parallel_loop3A_1351 = tpu.vector_load %arg14[%parallel_loop3A_1349, %parallel_loop3A_1350] {strides = array<i32>} : memref<50x128xf32, #tpu.memory_space<vmem>>, vector<1x16xf32>,
        %parallel_loop3A_1352 = vector.shape_cast %parallel_loop3A_1351 : vector<1x16xf32> to vector<16xf32>
        %parallel_loop3A_1353 = arith.addf %parallel_loop3A_1315, %parallel_loop3A_1352 : vector<16xf32>
        %parallel_loop3A_1354 = arith.constant 0 : i32
        %parallel_loop3A_1355 = arith.addi %parallel_loop3A_1354, %parallel_loop3A_1310 : i32
        %parallel_loop3A_1356 = arith.index_cast %parallel_loop3A_1355 : i32 to index
        %parallel_loop3A_1357 = arith.constant 80 : index
        %parallel_loop3A_1358 = tpu.vector_load %arg14[%parallel_loop3A_1356, %parallel_loop3A_1357] {strides = array<i32>} : memref<50x128xf32, #tpu.memory_space<vmem>>, vector<1x16xf32>,
        %parallel_loop3A_1359 = vector.shape_cast %parallel_loop3A_1358 : vector<1x16xf32> to vector<16xf32>
        %parallel_loop3A_1360 = arith.addf %parallel_loop3A_1316, %parallel_loop3A_1359 : vector<16xf32>
        %parallel_loop3A_1361 = arith.constant 0 : i32
        %parallel_loop3A_1362 = arith.addi %parallel_loop3A_1361, %parallel_loop3A_1310 : i32
        %parallel_loop3A_1363 = arith.index_cast %parallel_loop3A_1362 : i32 to index
        %parallel_loop3A_1364 = arith.constant 96 : index
        %parallel_loop3A_1365 = tpu.vector_load %arg14[%parallel_loop3A_1363, %parallel_loop3A_1364] {strides = array<i32>} : memref<50x128xf32, #tpu.memory_space<vmem>>, vector<1x16xf32>,
        %parallel_loop3A_1366 = vector.shape_cast %parallel_loop3A_1365 : vector<1x16xf32> to vector<16xf32>
        %parallel_loop3A_1367 = arith.addf %parallel_loop3A_1317, %parallel_loop3A_1366 : vector<16xf32>
        %parallel_loop3A_1368 = arith.constant 0 : i32
        %parallel_loop3A_1369 = arith.addi %parallel_loop3A_1368, %parallel_loop3A_1310 : i32
        %parallel_loop3A_1370 = arith.index_cast %parallel_loop3A_1369 : i32 to index
        %parallel_loop3A_1371 = arith.constant 112 : index
        %parallel_loop3A_1372 = tpu.vector_load %arg14[%parallel_loop3A_1370, %parallel_loop3A_1371] {strides = array<i32>} : memref<50x128xf32, #tpu.memory_space<vmem>>, vector<1x16xf32>,
        %parallel_loop3A_1373 = vector.shape_cast %parallel_loop3A_1372 : vector<1x16xf32> to vector<16xf32>
        %parallel_loop3A_1374 = arith.addf %parallel_loop3A_1318, %parallel_loop3A_1373 : vector<16xf32>
        scf.yield %parallel_loop3A_1325, %parallel_loop3A_1332, %parallel_loop3A_1339, %parallel_loop3A_1346, %parallel_loop3A_1353, %parallel_loop3A_1360, %parallel_loop3A_1367, %parallel_loop3A_1374 : vector<16xf32>, vector<16xf32>, vector<16xf32>, vector<16xf32>, vector<16xf32>, vector<16xf32>, vector<16xf32>, vector<16xf32>
      } {sc.loop_unroll_factor = 4 : i64, sc.parallel_access}
      %mul3A_1214 = arith.constant 2.000000e-02 : f32
      %mul3A_1215 = vector.broadcast %mul3A_1214 : f32 to vector<16xf32>
      %mul3A_1216 = arith.mulf %parallel_loop3A_1213#0, %mul3A_1215 : vector<16xf32>
      %mul3A_1217 = arith.constant 1 : i32
      %mul3A_1218 = arith.muli %add3A_1154, %mul3A_1217 : i32
      %add3A_1219 = arith.constant 0 : i32
      %add3A_1220 = arith.addi %mul3A_1218, %add3A_1219 : i32
      %swap3A_1221 = arith.index_cast %add3A_1220 : i32 to index
      %swap3A_1222 = arith.constant 0 : index
      %swap3A_1223 = tpu.vector_load %arg6[%swap3A_1221, %swap3A_1222] {strides = array<i32>} : memref<128x128xf32, #tpu.memory_space<vmem>>, vector<1x16xf32>,
      %swap3A_1224 = vector.shape_cast %swap3A_1223 : vector<1x16xf32> to vector<16xf32>
      %swap3A_1225 = vector.shape_cast %mul3A_1216 : vector<16xf32> to vector<1x16xf32>
      tpu.vector_store %arg6[%swap3A_1221, %swap3A_1222], %swap3A_1225 {strides = array<i32>} : memref<128x128xf32, #tpu.memory_space<vmem>>, vector<1x16xf32>,
      %mul3A_1226 = arith.constant 2.000000e-02 : f32
      %mul3A_1227 = vector.broadcast %mul3A_1226 : f32 to vector<16xf32>
      %mul3A_1228 = arith.mulf %parallel_loop3A_1213#1, %mul3A_1227 : vector<16xf32>
      %mul3A_1229 = arith.constant 1 : i32
      %mul3A_1230 = arith.muli %add3A_1154, %mul3A_1229 : i32
      %add3A_1231 = arith.constant 0 : i32
      %add3A_1232 = arith.addi %mul3A_1230, %add3A_1231 : i32
      %swap3A_1233 = arith.index_cast %add3A_1232 : i32 to index
      %swap3A_1234 = arith.constant 16 : index
      %swap3A_1235 = tpu.vector_load %arg6[%swap3A_1233, %swap3A_1234] {strides = array<i32>} : memref<128x128xf32, #tpu.memory_space<vmem>>, vector<1x16xf32>,
      %swap3A_1236 = vector.shape_cast %swap3A_1235 : vector<1x16xf32> to vector<16xf32>
      %swap3A_1237 = vector.shape_cast %mul3A_1228 : vector<16xf32> to vector<1x16xf32>
      tpu.vector_store %arg6[%swap3A_1233, %swap3A_1234], %swap3A_1237 {strides = array<i32>} : memref<128x128xf32, #tpu.memory_space<vmem>>, vector<1x16xf32>,
      %mul3A_1238 = arith.constant 2.000000e-02 : f32
      %mul3A_1239 = vector.broadcast %mul3A_1238 : f32 to vector<16xf32>
      %mul3A_1240 = arith.mulf %parallel_loop3A_1213#2, %mul3A_1239 : vector<16xf32>
      %mul3A_1241 = arith.constant 1 : i32
      %mul3A_1242 = arith.muli %add3A_1154, %mul3A_1241 : i32
      %add3A_1243 = arith.constant 0 : i32
      %add3A_1244 = arith.addi %mul3A_1242, %add3A_1243 : i32
      %swap3A_1245 = arith.index_cast %add3A_1244 : i32 to index
      %swap3A_1246 = arith.constant 32 : index
      %swap3A_1247 = tpu.vector_load %arg6[%swap3A_1245, %swap3A_1246] {strides = array<i32>} : memref<128x128xf32, #tpu.memory_space<vmem>>, vector<1x16xf32>,
      %swap3A_1248 = vector.shape_cast %swap3A_1247 : vector<1x16xf32> to vector<16xf32>
      %swap3A_1249 = vector.shape_cast %mul3A_1240 : vector<16xf32> to vector<1x16xf32>
      tpu.vector_store %arg6[%swap3A_1245, %swap3A_1246], %swap3A_1249 {strides = array<i32>} : memref<128x128xf32, #tpu.memory_space<vmem>>, vector<1x16xf32>,
      %mul3A_1250 = arith.constant 2.000000e-02 : f32
      %mul3A_1251 = vector.broadcast %mul3A_1250 : f32 to vector<16xf32>
      %mul3A_1252 = arith.mulf %parallel_loop3A_1213#3, %mul3A_1251 : vector<16xf32>
      %mul3A_1253 = arith.constant 1 : i32
      %mul3A_1254 = arith.muli %add3A_1154, %mul3A_1253 : i32
      %add3A_1255 = arith.constant 0 : i32
      %add3A_1256 = arith.addi %mul3A_1254, %add3A_1255 : i32
      %swap3A_1257 = arith.index_cast %add3A_1256 : i32 to index
      %swap3A_1258 = arith.constant 48 : index
      %swap3A_1259 = tpu.vector_load %arg6[%swap3A_1257, %swap3A_1258] {strides = array<i32>} : memref<128x128xf32, #tpu.memory_space<vmem>>, vector<1x16xf32>,
      %swap3A_1260 = vector.shape_cast %swap3A_1259 : vector<1x16xf32> to vector<16xf32>
      %swap3A_1261 = vector.shape_cast %mul3A_1252 : vector<16xf32> to vector<1x16xf32>
      tpu.vector_store %arg6[%swap3A_1257, %swap3A_1258], %swap3A_1261 {strides = array<i32>} : memref<128x128xf32, #tpu.memory_space<vmem>>, vector<1x16xf32>,
      %mul3A_1262 = arith.constant 2.000000e-02 : f32
      %mul3A_1263 = vector.broadcast %mul3A_1262 : f32 to vector<16xf32>
      %mul3A_1264 = arith.mulf %parallel_loop3A_1213#4, %mul3A_1263 : vector<16xf32>
      %mul3A_1265 = arith.constant 1 : i32
      %mul3A_1266 = arith.muli %add3A_1154, %mul3A_1265 : i32
      %add3A_1267 = arith.constant 0 : i32
      %add3A_1268 = arith.addi %mul3A_1266, %add3A_1267 : i32
      %swap3A_1269 = arith.index_cast %add3A_1268 : i32 to index
      %swap3A_1270 = arith.constant 64 : index
      %swap3A_1271 = tpu.vector_load %arg6[%swap3A_1269, %swap3A_1270] {strides = array<i32>} : memref<128x128xf32, #tpu.memory_space<vmem>>, vector<1x16xf32>,
      %swap3A_1272 = vector.shape_cast %swap3A_1271 : vector<1x16xf32> to vector<16xf32>
      %swap3A_1273 = vector.shape_cast %mul3A_1264 : vector<16xf32> to vector<1x16xf32>
      tpu.vector_store %arg6[%swap3A_1269, %swap3A_1270], %swap3A_1273 {strides = array<i32>} : memref<128x128xf32, #tpu.memory_space<vmem>>, vector<1x16xf32>,
      %mul3A_1274 = arith.constant 2.000000e-02 : f32
      %mul3A_1275 = vector.broadcast %mul3A_1274 : f32 to vector<16xf32>
      %mul3A_1276 = arith.mulf %parallel_loop3A_1213#5, %mul3A_1275 : vector<16xf32>
      %mul3A_1277 = arith.constant 1 : i32
      %mul3A_1278 = arith.muli %add3A_1154, %mul3A_1277 : i32
      %add3A_1279 = arith.constant 0 : i32
      %add3A_1280 = arith.addi %mul3A_1278, %add3A_1279 : i32
      %swap3A_1281 = arith.index_cast %add3A_1280 : i32 to index
      %swap3A_1282 = arith.constant 80 : index
      %swap3A_1283 = tpu.vector_load %arg6[%swap3A_1281, %swap3A_1282] {strides = array<i32>} : memref<128x128xf32, #tpu.memory_space<vmem>>, vector<1x16xf32>,
      %swap3A_1284 = vector.shape_cast %swap3A_1283 : vector<1x16xf32> to vector<16xf32>
      %swap3A_1285 = vector.shape_cast %mul3A_1276 : vector<16xf32> to vector<1x16xf32>
      tpu.vector_store %arg6[%swap3A_1281, %swap3A_1282], %swap3A_1285 {strides = array<i32>} : memref<128x128xf32, #tpu.memory_space<vmem>>, vector<1x16xf32>,
      %mul3A_1286 = arith.constant 2.000000e-02 : f32
      %mul3A_1287 = vector.broadcast %mul3A_1286 : f32 to vector<16xf32>
      %mul3A_1288 = arith.mulf %parallel_loop3A_1213#6, %mul3A_1287 : vector<16xf32>
      %mul3A_1289 = arith.constant 1 : i32
      %mul3A_1290 = arith.muli %add3A_1154, %mul3A_1289 : i32
      %add3A_1291 = arith.constant 0 : i32
      %add3A_1292 = arith.addi %mul3A_1290, %add3A_1291 : i32
      %swap3A_1293 = arith.index_cast %add3A_1292 : i32 to index
      %swap3A_1294 = arith.constant 96 : index
      %swap3A_1295 = tpu.vector_load %arg6[%swap3A_1293, %swap3A_1294] {strides = array<i32>} : memref<128x128xf32, #tpu.memory_space<vmem>>, vector<1x16xf32>,
      %swap3A_1296 = vector.shape_cast %swap3A_1295 : vector<1x16xf32> to vector<16xf32>
      %swap3A_1297 = vector.shape_cast %mul3A_1288 : vector<16xf32> to vector<1x16xf32>
      tpu.vector_store %arg6[%swap3A_1293, %swap3A_1294], %swap3A_1297 {strides = array<i32>} : memref<128x128xf32, #tpu.memory_space<vmem>>, vector<1x16xf32>,
      %mul3A_1298 = arith.constant 2.000000e-02 : f32
      %mul3A_1299 = vector.broadcast %mul3A_1298 : f32 to vector<16xf32>
      %mul3A_1300 = arith.mulf %parallel_loop3A_1213#7, %mul3A_1299 : vector<16xf32>
      %mul3A_1301 = arith.constant 1 : i32
      %mul3A_1302 = arith.muli %add3A_1154, %mul3A_1301 : i32
      %add3A_1303 = arith.constant 0 : i32
      %add3A_1304 = arith.addi %mul3A_1302, %add3A_1303 : i32
      %swap3A_1305 = arith.index_cast %add3A_1304 : i32 to index
      %swap3A_1306 = arith.constant 112 : index
      %swap3A_1307 = tpu.vector_load %arg6[%swap3A_1305, %swap3A_1306] {strides = array<i32>} : memref<128x128xf32, #tpu.memory_space<vmem>>, vector<1x16xf32>,
      %swap3A_1308 = vector.shape_cast %swap3A_1307 : vector<1x16xf32> to vector<16xf32>
      %swap3A_1309 = vector.shape_cast %mul3A_1300 : vector<16xf32> to vector<1x16xf32>
      tpu.vector_store %arg6[%swap3A_1305, %swap3A_1306], %swap3A_1309 {strides = array<i32>} : memref<128x128xf32, #tpu.memory_space<vmem>>, vector<1x16xf32>,
    }
    %scan3A_54 = arith.constant 16 : i32
    %mul3A_55 = arith.constant 128 : i32
    %mul3A_56 = arith.muli %add3A, %mul3A_55 : i32
    "tpu.region"() ({
      %run_scoped3A = tpu.sem_alloc : memref<!tpu.dma_semaphore, #tpu.memory_space<semaphore_mem>>
      %dma_start3A_57 = arith.constant 0 : i32
      %dma_start3A_58 = tpu.memref_slice %arg4[%mul3A_56, %dma_start3A_57] : memref<4096x128xf32, #tpu.memory_space<hbm>> -> memref<128x128xf32, #tpu.memory_space<hbm>>
      %dma_start3A_59 = arith.constant 0 : i32
      %dma_start3A_60 = tpu.memref_slice %arg4[%mul3A_56, %dma_start3A_59] : memref<4096x128xf32, #tpu.memory_space<hbm>> -> memref<128x128xf32, #tpu.memory_space<hbm>>
      tpu.enqueue_dma source(%arg6 : memref<128x128xf32, #tpu.memory_space<vmem>>) target(%dma_start3A_60 : memref<128x128xf32, #tpu.memory_space<hbm>>) target_semaphore(%run_scoped3A : memref<!tpu.dma_semaphore, #tpu.memory_space<semaphore_mem>>)
      %dma_wait3A = arith.constant 0 : i32
      %dma_wait3A_61 = tpu.memref_slice %arg4[%mul3A_56, %dma_wait3A] : memref<4096x128xf32, #tpu.memory_space<hbm>> -> memref<128x128xf32, #tpu.memory_space<hbm>>
      %dma_wait3A_62 = arith.constant 0 : i32
      %dma_wait3A_63 = tpu.memref_slice %arg4[%mul3A_56, %dma_wait3A_62] : memref<4096x128xf32, #tpu.memory_space<hbm>> -> memref<128x128xf32, #tpu.memory_space<hbm>>
      tpu.wait_dma2 semaphore(%run_scoped3A : memref<!tpu.dma_semaphore, #tpu.memory_space<semaphore_mem>>) src(%arg6 : memref<128x128xf32, #tpu.memory_space<vmem>>) dst(%dma_wait3A_63 : memref<128x128xf32, #tpu.memory_space<hbm>>)
      tpu.yield
    }) : () -> ()
    return
  }
}

module attributes {stable_mosaic.version = 14 : i64} {
  func.func @_mm_body(%arg0: i32, %arg1: i32, %arg2: memref<2048x128xf32, #tpu.memory_space<vmem>>, %arg3: memref<2048x128xf32, #tpu.memory_space<vmem>>, %arg4: memref<1x2048xf32, #tpu.memory_space<vmem>>, %arg5: memref<2048x2048xf32, #tpu.memory_space<vmem>>) attributes {dimension_semantics = [#tpu.dimension_semantics<parallel>, #tpu.dimension_semantics<parallel>], iteration_bounds = array<i64: 2, 5>, scalar_prefetch = 0 : i64, scratch_operands = 0 : i64, tpu.core_type = #tpu.core_type<tc>, window_params = [{transform_indices = @transform_0, window_bounds = array<i64: 2048, 128>}, {transform_indices = @transform_1, window_bounds = array<i64: 2048, 128>}, {transform_indices = @transform_2, window_bounds = array<i64: 1, 2048>}, {transform_indices = @transform_3, window_bounds = array<i64: 2048, 2048>}]} {
    %get3A = arith.constant 0 : index
    %get3A_0 = arith.constant 0 : index
    %get3A_1 = vector.load %arg2[%get3A, %get3A_0] : memref<2048x128xf32, #tpu.memory_space<vmem>>, vector<2048x128xf32>
    %get3A_2 = arith.constant 0 : index
    %get3A_3 = arith.constant 0 : index
    %get3A_4 = vector.load %arg3[%get3A_2, %get3A_3] : memref<2048x128xf32, #tpu.memory_space<vmem>>, vector<2048x128xf32>
    %dot_general3A = arith.constant dense<0.000000e+00> : vector<2048x2048xf32>
    %dot_general3A_5 = tpu.matmul %get3A_1, %get3A_4, %dot_general3A {dimension_numbers = #tpu.dot_dimension_numbers<[1], [1], [0], [0], [0, 0, 1, 0], [], []>, transpose_lhs_hint = false} : vector<2048x128xf32>, vector<2048x128xf32>, vector<2048x2048xf32> -> vector<2048x2048xf32>
    %get3A_6 = arith.constant 0 : index
    %get3A_7 = arith.constant 0 : index
    %get3A_8 = vector.load %arg4[%get3A_6, %get3A_7] : memref<1x2048xf32, #tpu.memory_space<vmem>>, vector<1x2048xf32>
    %add3A = vector.broadcast %get3A_8 : vector<1x2048xf32> to vector<2048x2048xf32>
    %add3A_9 = arith.addf %dot_general3A_5, %add3A : vector<2048x2048xf32>
    %swap3A = arith.constant 0 : index
    %swap3A_10 = arith.constant 0 : index
    %swap3A_11 = vector.load %arg5[%swap3A, %swap3A_10] : memref<2048x2048xf32, #tpu.memory_space<vmem>>, vector<2048x2048xf32>
    tpu.vector_store %arg5[%swap3A, %swap3A_10], %add3A_9 {strides = array<i32>} : memref<2048x2048xf32, #tpu.memory_space<vmem>>, vector<2048x2048xf32>,
    return
  }
  func.func @transform_0(%arg0: i32, %arg1: i32) -> (i32, i32) {
    %c0_i32 = arith.constant 0 : i32
    %c0_i32_0 = arith.constant 0 : i32
    return %arg0, %c0_i32 : i32, i32
  }
  func.func @transform_1(%arg0: i32, %arg1: i32) -> (i32, i32) {
    %c0_i32 = arith.constant 0 : i32
    %c0_i32_0 = arith.constant 0 : i32
    return %arg1, %c0_i32 : i32, i32
  }
  func.func @transform_2(%arg0: i32, %arg1: i32) -> (i32, i32) {
    %c0_i32 = arith.constant 0 : i32
    %c0_i32_0 = arith.constant 0 : i32
    return %c0_i32, %arg1 : i32, i32
  }
  func.func @transform_3(%arg0: i32, %arg1: i32) -> (i32, i32) {
    %c0_i32 = arith.constant 0 : i32
    return %arg0, %arg1 : i32, i32
  }
}

</mosaic_0001>

<sc_bundles>
// kernel: kernel.4.cloned.1.call-start
scs
__scs_entry_jumppad:
0x0: {  	(pc) =	sbr.rel $0x88, $3  }
0x1: {  	(tag) =	ssettag $0x0;
	lr =	simm.s32 $0x1  }
0x2: {  	[smem:$0x3F9D] =	sst lr;
	_ =	strace $0xD0000000  }
0x3: {  	_ = 	snop  }
0x4: {  	_ = 	snop  }
0x5: {  	_ = 	snop  }
0x6: {  	_ = 	snop  }
0x7: {  	_ = 	snop  }
__scs_overlays_trampoline_lowered:
0x8: {  	[smem:$0x3FAC] =	sst s0  }
0x9: {  	[smem:$0x3FAD] =	sst s1  }
0xa: {  	[smem:$0x3FAE] =	sst s2  }
0xb: {  	[smem:$0x3FAF] =	sst s3  }
0xc: {  	[smem:$0x3FB0] =	sst s4  }
0xd: {  	[smem:$0x3FB1] =	sst s5  }
0xe: {  	[smem:$0x3FB2] =	sst s6  }
0xf: {  	[smem:$0x3FB3] =	sst s7  }
0x10: {  	[smem:$0x3FB4] =	sst s8  }
0x11: {  	[smem:$0x3FB5] =	sst s9;
	s0 =	simm.s32 @!p0 $0x0  }
0x12: {  	s1 =	sld [smem:$0x3F9B];
	s0 =	simm.s32 @p0 $0x1  }
0x13: {  	[smem:$0x3FB6] =	sst s0;
	s0 =	simm.s32 @!p1 $0x0  }
0x14: {  	s2 =	sld [smem:$0x3F9A];
	s0 =	simm.s32 @p1 $0x1  }
0x15: {  	[smem:$0x3FB7] =	sst s0;
	s0 =	simm.s32 @!p2 $0x0  }
0x16: {  	s3 =	sld [smem:$0x3FDB];
	s0 =	simm.s32 @p2 $0x1  }
0x17: {  	s4 =	simm.s32 $0x1BF5;
	[smem:$0x3FB9] =	sst s0  }
0x18: {  	s0 =	sld [smem:$0x3F9C];
	_ =	swait.ge [sflag:s4], $0x0  }
0x19: {  	s7 =	sld [smem:$0x3F9D]  }
0x1a: {  	s8 =	sadd.s32 $0xFFFFE003, lr  }
0x1b: {  	s9 =	sadd.s32 $0xFFFFFEF7, lr;
	s5 =	simm.s32 $0xFFFFFFFF;
	p2 =	slt.u32 s8, $0xFFFFF086  }
0x1c: {  	p1 =	slt.u32 s9, $0xF7A;
	s5 =	simm.s32 @!p2 $0x0  }
0x1d: {  	s5 =	simm.s32 @p1 $0x1;
	p0 =	seq.s32 s7, s2  }
0x1e: {  	s7 =	smul.u32 @!p0 $0xF7A, s2;
	p2 =	seq.s32 @!p0 s5, $0x0  }
0x1f: {  	s9 =	smul.u32 $0xF7A, s1;
	s8 =	simm.s32 @!p0 $0x1BF5;
	p2 =	por !p2, p0  }
0x20: {  	[sflag:s8] =	ssyncset.s32 @!p0 $0xFFFFF086;
	s6 =	sadd.s32 @!p0 s3, s7;
	s7 =	simm.s32 @!p0 $0x108  }
0x21: {  	s3 =	sadd.s32 s3, s9;
	s6 =	sadd.s32 @!p0 $0x88, s6;
	s7 =	simm.s32 @p2 $0x1082  }
0x22: {  	[simem:s7], [sflag:s8] =	dma.local @!p0 [hbm:s6], $0xF7A  }
0x23: {  	s9 =	sor.u32 $0xD0000000, s2;
	s6 =	simm.s32 $0x108;
	_ =	swait.ge @!p0 [sflag:s8], $0x0  }
0x24: {  	s3 =	sadd.s32 $0x88, s3;
	s6 =	simm.s32 @!p1 $0x1082;
	[sflag:s4] =	ssyncset.s32 $0xFFFFF086  }
0x25: {  	[simem:s6], [sflag:s4] =	dma.local [hbm:s3], $0xF7A  }
0x26: {  	[smem:$0x3F9D] =	sst s1;
	(tag) =	ssettag s2;
	_ =	strace s9  }
0x27: {  	s1 =	sld [smem:$0x3FAD]  }
0x28: {  	s2 =	sld [smem:$0x3FAE]  }
0x29: {  	s4 =	sld [smem:$0x3FB0]  }
0x2a: {  	p0 =	seq.s32 s5, $0x0;
	s5 =	sld [smem:$0x3FB1]  }
0x2b: {  	s6 =	sld [smem:$0x3FB2]  }
0x2c: {  	s7 =	sld [smem:$0x3FB3]  }
0x2d: {  	s3 =	simm.s32 $0x108;
	s8 =	sld [smem:$0x3FB4]  }
0x2e: {  	s3 =	simm.s32 @!p0 $0x1082;
	s9 =	sld [smem:$0x3FB5]  }
0x2f: {  	lr =	sadd.s32 s0, s3;
	s0 =	sld [smem:$0x3FAC]  }
0x30: {  	s3 =	sld [smem:$0x3FAF]  }
0x31: {  	[smem:$0x3FB8] =	sst s10  }
0x32: {  	s10 =	sld [smem:$0x3FB6];
	_ =	sdelay $0x3  }
0x33: {  	p0 =	seq.s32 s10, $0x1;
	s10 =	sld [smem:$0x3FB8];
	_ =	sdelay $0x3  }
0x34: {  	[smem:$0x3FB8] =	sst s10  }
0x35: {  	s10 =	sld [smem:$0x3FB7];
	_ =	sdelay $0x3  }
0x36: {  	p1 =	seq.s32 s10, $0x1;
	s10 =	sld [smem:$0x3FB8];
	_ =	sdelay $0x3  }
0x37: {  	[smem:$0x3FB8] =	sst s10  }
0x38: {  	s10 =	sld [smem:$0x3FB9]  }
0x39: {  	_ = 	snop;
	(pc) =	sbr.ind lr, $3  }
0x3a: {  	_ = 	snop  }
0x3b: {  	_ = 	snop  }
0x3c: {  	p2 =	seq.s32 s10, $0x1;
	s10 =	sld [smem:$0x3FB8]  }
0x3d: {  	_ =	shalt  }
0x3e: {  	_ =	shalt  }
0x3f: {  	_ =	shalt  }
0x40: {  	_ =	shalt  }
0x41: {  	_ =	shalt  }
0x42: {  	_ =	shalt  }
0x43: {  	_ =	shalt  }
0x44: {  	_ =	shalt  }
0x45: {  	_ =	shalt  }
0x46: {  	_ =	shalt  }
0x47: {  	_ =	shalt  }
0x48: {  	_ =	shalt  }
0x49: {  	_ =	shalt  }
0x4a: {  	_ =	shalt  }
0x4b: {  	_ =	shalt  }
0x4c: {  	_ =	shalt  }
0x4d: {  	_ =	shalt  }
0x4e: {  	_ =	shalt  }
0x4f: {  	_ =	shalt  }
0x50: {  	_ =	shalt  }
0x51: {  	_ =	shalt  }
0x52: {  	_ =	shalt  }
0x53: {  	_ =	shalt  }
0x54: {  	_ =	shalt  }
0x55: {  	_ =	shalt  }
0x56: {  	_ =	shalt  }
0x57: {  	_ =	shalt  }
0x58: {  	_ =	shalt  }
0x59: {  	_ =	shalt  }
0x5a: {  	_ =	shalt  }
0x5b: {  	_ =	shalt  }
0x5c: {  	_ =	shalt  }
0x5d: {  	_ =	shalt  }
0x5e: {  	_ =	shalt  }
0x5f: {  	_ =	shalt  }
0x60: {  	_ =	shalt  }
0x61: {  	_ =	shalt  }
0x62: {  	_ =	shalt  }
0x63: {  	_ =	shalt  }
0x64: {  	_ =	shalt  }
0x65: {  	_ =	shalt  }
0x66: {  	_ =	shalt  }
0x67: {  	_ =	shalt  }
0x68: {  	_ =	shalt  }
0x69: {  	_ =	shalt  }
0x6a: {  	_ =	shalt  }
0x6b: {  	_ =	shalt  }
0x6c: {  	_ =	shalt  }
0x6d: {  	_ =	shalt  }
0x6e: {  	_ =	shalt  }
0x6f: {  	_ =	shalt  }
0x70: {  	_ =	shalt  }
0x71: {  	_ =	shalt  }
0x72: {  	_ =	shalt  }
0x73: {  	_ =	shalt  }
0x74: {  	_ =	shalt  }
0x75: {  	_ =	shalt  }
0x76: {  	_ =	shalt  }
0x77: {  	_ =	shalt  }
0x78: {  	_ =	shalt  }
0x79: {  	_ =	shalt  }
0x7a: {  	_ =	shalt  }
0x7b: {  	_ =	shalt  }
0x7c: {  	_ =	shalt  }
0x7d: {  	_ =	shalt  }
0x7e: {  	_ =	shalt  }
0x7f: {  	_ =	shalt  }
0x80: {  	_ =	shalt  }
0x81: {  	_ =	shalt  }
0x82: {  	_ =	shalt  }
0x83: {  	_ =	shalt  }
0x84: {  	_ =	shalt  }
0x85: {  	_ =	shalt  }
0x86: {  	_ =	shalt  }
0x87: {  	_ =	shalt  }
.Lfunc_end0:
.L_simem_size_0:
called_computation_lowered:
.L_overlay_start_0:
0x88: {  	s2 =	sld [smem:$0x3FD9]  }
0x89: {  	s3 =	sld [smem:$0x3FFE];
	_ =	sdelay $0x1  }
0x8a: {  	s1 =	srdreg.scid  }
0x8b: {  	s0 =	sand.u32 $0x1, s1  }
0x8c: {  	s17 =	sshll.u32 s0, $0xA;
	s2 =	sadd.s32 s3, s2  }
0x8d: {  	s2 =	sadd.s32 s2, s17  }
0x8e: {  	[smem:$0x3FC4] =	sst s2  }
0x8f: {  	_ = 	snop  }
0x90: {  	s2 =	sld [smem:$0x3FC8]  }
0x91: {  	s18 =	sld [smem:$0x3FD0];
	(tm) =	ssettm $0x1  }
0x92: {  	s4 =	sld [smem:$0x3FFB];
	_ =	sdelay $0x3  }
0x93: {  	_ =	strace s4  }
0x94: {  	s4 =	sld [smem:$0x3FFC];
	_ =	sdelay $0x3  }
0x95: {  	_ =	strace s4  }
0x96: {  	s4 =	sld [smem:$0x3FFD];
	_ =	sdelay $0x3  }
0x97: {  	_ =	strace s4  }
0x98: {  	_ =	strace $0x8FFFFFFF  }
0x99: {  	s19 =	sld [smem:$0x3FDB];
	_ =	sdelay $0x1  }
0x9a: {  	s5 =	simm.s32 $_scs_section_size  }
0x9b: {  	s6 =	simm.s32 $_size__tile_overlayer_lowered;
	s7 =	simm.s32 $_tile_overlayer_lowered  }
0x9c: {  	s22 =	simm.s32 $0x1BFF;
	s21 =	sshll.u32 s7, $0x1;
	s4 =	sadd.s32 s5, s19  }
0x9d: {  	s8 =	simm.s32 $0x0;
	s20 =	sshll.u32 s6, $0x1;
	s6 =	sadd.s32 s21, s4  }
0x9e: {  	[timem:s8], [sflag:s22] =	dma.local [hbm:s6], s20  }
0x9f: {  	_ =	swait.ge [sflag:s22], s20  }
0xa0: {  	s5 =	ssub.s32 $0x0, s20;
	[sflag:s22] =	ssyncset.done $0x0  }
0xa1: {  	[sflag:s22] =	ssyncadd.s32 s5;
	_ =	sdelay $0x1  }
0xa2: {  	s23 =	simm.s32 $0x1B8B  }
0xa3: {  	_ =	swait.ge [sflag:s23], $0x1  }
0xa4: {  	[sflag:s23] =	ssyncset.done $0x0  }
0xa5: {  	s25 =	simm.s32 $0x1B8E;
	s24 =	sld [smem:$0x3FFE];
	[sflag:s23] =	ssyncadd.s32 $0xFFFFFFFF  }
0xa6: {  	s26 =	simm.s32 $execute0_lowered;
	[smem:$0x3FD2] =	sst s25  }
0xa7: {  	s6 =	sshll.u32 s26, $0x1;
	_ =	strace $0x80000046;
	[dreg:$0x1] =	wrdreg $0xFFFFFFFF  }
0xa8: {  	s28 =	simm.s32 $_size_execute0_lowered;
	s4 =	sadd.s32 s4, s6;
	[dreg:$0x0] =	wrdreg $0x0  }
0xa9: {  	s6 =	sshll.u32 s28, $0x1;
	[dreg:$0x2] =	wrdreg s4  }
0xaa: {  	[dreg:$0x3] =	wrdreg s6  }
0xab: {  	[dreg:$0x4] =	wrdreg $0xC0  }
0xac: {  	_ =	task [dreg:s8], $0x5FFFF  }
0xad: {  	[dreg:$0x1] =	wrdreg $0xFFFFFFFF  }
0xae: {  	[dreg:$0x0] =	wrdreg $0x60  }
0xaf: {  	[dreg:$0x2] =	wrdreg s18  }
0xb0: {  	[dreg:$0x3] =	wrdreg s2  }
0xb1: {  	[dreg:$0x4] =	wrdreg s24  }
0xb2: {  	[dreg:$0x5] =	wrdreg $0x9  }
0xb3: {  	_ =	task.clear_ibuf [dreg:s8], $0x6FFFF;
	_ =	strace $0x90000046  }
0xb4: {  	s29 =	simm.s32 $0x9;
	_ =	strace $0x80000048  }
0xb5: {  	_ =	swait.ge [sflag:s29], $0x1  }
0xb6: {  	[sflag:s29] =	ssyncadd.s32 $0xFFFFFFFF  }
0xb7: {  	_ =	strace $0x90000048  }
0xb8: {  	_ =	sfence  }
0xb9: {  	s30 =	sld [smem:$0x0];
	_ =	sdelay $0x2  }
0xba: {  	s31 =	sshll.u32 s1, $0xD;
	s1 =	sshrl.u32 s1, $0x2  }
0xbb: {  	s3 =	sand.u32 $0x4000, s31;
	s1 =	sadd.s32 s1, s30  }
0xbc: {  	s0 =	sor.u32 s3, s0;
	s1 =	sshll.u32 s1, $0x11  }
0xbd: {  	s0 =	sor.u32 s1, s0  }
0xbe: {  	s0 =	sadd.s32 $0x8F2B, s0  }
0xbf: {  	[sflag:s0] =	ssyncadd.remote.s32 $0x1  }
0xc0: {  	_ =	sfence.sel $0xFFFF  }
0xc1: {  	[dreg:$0x0] =	wrdreg $0xFFFFFFFF;
	(pc) =	sbr.abs _section_cstart, $3  }
0xc2: {  	[dreg:$0x1] =	wrdreg $0xFFFFFFFF  }
0xc3: {  	_ =	task.clear_ibuf [dreg:s8], $0x2FFFF;
	_ =	strace $0x9FFFFFFF  }
0xc4: {  	(tm) =	ssettm $0x7FFFFFFF  }
0xc5: {  	_ =	shalt  }
tec
execute0_lowered:
.L_overlay_start_1:
0x0: {  	(tag) =	ssettag $0x1  }
0x1: {  	s0 =	rddreg [dreg:$0x0]  }
0x2: {  	s2 =	rddreg [dreg:$0x1]  }
0x3: {  	s1 =	rddreg [dreg:$0x2]  }
0x4: {  	s3 =	srdreg.scid;
	s6 =	stileid.u32  }
0x5: {  	s7 =	simm.s32 $0x9;
	s8 =	simm.s32 $0x32;
	s16 =	simm.s32 $0x200  }
0x6: {  	s17 =	simm.s32 $0xF000;
	s18 =	simm.s32 $0x280;
	s19 =	simm.s32 $0x10C00  }
0x7: {  	s20 =	simm.s32 $0x300;
	s21 =	simm.s32 $0x12800;
	s22 =	simm.s32 $0x1  }
0x8: {  	s23 =	simm.s32 $0x14400;
	s24 =	simm.s32 $0x2;
	s25 =	simm.s32 $0x3  }
0x9: {  	s28 =	simm.s32 $0x5;
	s29 =	simm.s32 $0x6;
	s30 =	simm.s32 $0x7  }
0xa: {  	s31 =	simm.s32 $0x8;
	s4 =	sand.u32 $0x1, s3;
	s3 =	simm.s32 $0x0  }
0xb: {  	s6 =	sshll.u32 s6, $0xB;
	s5 =	sshll.u32 s4, $0xF;
	s4 =	ssub.s32 $0x2, s4  }
0xc: {  	[smem:$0x7FF] =	sst s3;
	s5 =	sor.u32 s6, s5;
	s26 =	sshrl.u32 s4, $0x1  }
0xd: {  	_ =	strace $0x80000047;
	s1 =	sadd.s32 s5, s1;
	s6 =	ssub.s32 s4, s26  }
0xe: {  	s4 =	sadd.s32 s0, s5;
	s26 =	simm.s32 $0x4;
	s0 =	simm.s32 $0x4000  }
0xf: {  	s5 =	sadd.s32 $0x1000, s1;
	s6 =	smax.u32 s6, $0x1;
	s1 =	simm.s32 $0x0  }
.LBB2_1:
0x10: {  	[tilespmem:s3], [sflag:$0x9] =	stream.linear.gather [hbm4b:s4+s3], $0x4000, $0x38;
	[tilespmem:$0x16000] =	vst v63  }
0x11: {  	_ =	swait.ge [sflag:s7], $0x4000  }
0x12: {  	[sflag:s7] =	ssyncset.done $0x0  }
0x13: {  	s9 =	simm.s32 $0x8000;
	[sflag:s7] =	ssyncadd.s32 $0xFFFFC000  }
0x14: {  	[tilespmem:s9], [sflag:$0x1] =	stream.indirect.gather [hbm4b:s2+s8], $0x80, s3, s8, $0xb8;
	[tilespmem:$0x16000] =	vst v63  }
0x15: {  	s11 =	simm.s32 $0x80;
	s10 =	simm.s32 $0x9C00  }
0x16: {  	[tilespmem:s10], [sflag:$0x2] =	stream.indirect.gather [hbm4b:s2+s8], $0x80, s11, s8, $0xb8;
	[tilespmem:$0x16000] =	vst v63  }
0x17: {  	s12 =	simm.s32 $0x100;
	s13 =	simm.s32 $0xB800  }
0x18: {  	[tilespmem:s13], [sflag:$0x3] =	stream.indirect.gather [hbm4b:s2+s8], $0x80, s12, s8, $0xb8;
	[tilespmem:$0x16000] =	vst v63  }
0x19: {  	s14 =	simm.s32 $0x180;
	s15 =	simm.s32 $0xD400  }
0x1a: {  	[tilespmem:s15], [sflag:$0x4] =	stream.indirect.gather [hbm4b:s2+s8], $0x80, s14, s8, $0xb8;
	[tilespmem:$0x16000] =	vst v63  }
0x1b: {  	_ = 	snop  }
0x1c: {  	[tilespmem:s17], [sflag:$0x5] =	stream.indirect.gather [hbm4b:s2+s8], $0x80, s16, s8, $0xb8;
	[tilespmem:$0x16000] =	vst v63  }
0x1d: {  	_ = 	snop  }
0x1e: {  	[tilespmem:s19], [sflag:$0x6] =	stream.indirect.gather [hbm4b:s2+s8], $0x80, s18, s8, $0xb8;
	[tilespmem:$0x16000] =	vst v63  }
0x1f: {  	s9 =	simm.s32 $0x0  }
0x20: {  	[tilespmem:s21], [sflag:$0x7] =	stream.indirect.gather [hbm4b:s2+s8], $0x80, s20, s8, $0xb8;
	[tilespmem:$0x16000] =	vst v63  }
.LBB2_2:
0x21: {  	s12 =	sshll.u32 s9, $0xC;
	_ =	swait.ge [sflag:s22], $0x1900  }
0x22: {  	[sflag:s22] =	ssyncset.done $0x0;
	s10 =	sor.u32 $0xE00, s12  }
0x23: {  	[sflag:s22] =	ssyncadd.s32 $0xFFFFE700;
	s10 =	sshra.s32 s10, $0x2  }
0x24: {  	[tilespmem:s23], [sflag:$0x8] =	stream.indirect.gather [hbm4b:s2+s8], $0x80, s10, s8, $0xb8;
	[tilespmem:$0x16000] =	vst v63  }
0x25: {  	v8 =	vld [tilespmem:$0x8000]  }
0x26: {  	v10 =	vld [tilespmem:$0x8010]  }
0x27: {  	v5 =	vld [tilespmem:$0x8020]  }
0x28: {  	v4 =	vld [tilespmem:$0x8030]  }
0x29: {  	v3 =	vld [tilespmem:$0x8040]  }
0x2a: {  	v2 =	vld [tilespmem:$0x8050]  }
0x2b: {  	v1 =	vld [tilespmem:$0x8060]  }
0x2c: {  	s14 =	simm.s32 $0xF0;
	v0 =	vld [tilespmem:$0x8070]  }
0x2d: {  	v6 =	vld [tilespmem:s14+$0x8000]  }
0x2e: {  	v9 =	vld [tilespmem:s14+$0x7F90]  }
0x2f: {  	v13 =	vld [tilespmem:s14+$0x7FA0]  }
0x30: {  	v12 =	vld [tilespmem:s14+$0x7FB0]  }
0x31: {  	v11 =	vld [tilespmem:s14+$0x7FC0]  }
0x32: {  	v7 =	vld [tilespmem:s14+$0x7FD0]  }
0x33: {  	v0 =	vadd.f32 v6, v0;
	v6 =	vld [tilespmem:s14+$0x7FE0]  }
0x34: {  	s11 =	simm.s32 $0x170;
	s13 =	simm.s32 $0x7C0;
	v9 =	vadd.f32 v9, v8;
	v10 =	vadd.f32 v13, v10;
	v8 =	vld [tilespmem:s14+$0x7FF0]  }
.LBB2_3:
0x35: {  	p0 =	sne.s32 s13, $0x63C0;
	v13 =	vld [tilespmem:s11+$0x8000];
	v5 =	vadd.f32 v12, v5  }
0x36: {  	v14 =	vld [tilespmem:s11+$0x7F90];
	v4 =	vadd.f32 v11, v4  }
0x37: {  	v15 =	vld [tilespmem:s11+$0x7FA0];
	v3 =	vadd.f32 v7, v3  }
.Ltmp0:
0x38: {  	v12 =	vld [tilespmem:s11+$0x7FB0];
	v2 =	vadd.f32 v6, v2;
	(pc) =	sbr.rel @p0 .LBB2_3-.Ltmp0, $4  }
0x39: {  	v11 =	vld [tilespmem:s11+$0x7FC0];
	v1 =	vadd.f32 v8, v1  }
0x3a: {  	v7 =	vld [tilespmem:s11+$0x7FD0];
	v0 =	vadd.f32 v13, v0  }
0x3b: {  	v9 =	vadd.f32 v14, v9;
	v6 =	vld [tilespmem:s11+$0x7FE0]  }
0x3c: {  	v10 =	vadd.f32 v15, v10;
	v8 =	vld [tilespmem:s11+$0x7FF0];
	s11 =	sshra.s32 s13, $0x2;
	s13 =	sadd.s32 $0x200, s13  }
0x3d: {  	v13 =	vld [tilespmem:s11+$0x7F90]  }
0x3e: {  	v14 =	vld [tilespmem:s11+$0x7FA0]  }
0x3f: {  	v15 =	vld [tilespmem:s11+$0x7FB0]  }
0x40: {  	v16 =	vld [tilespmem:s11+$0x7FC0]  }
0x41: {  	v17 =	vld [tilespmem:s11+$0x7FD0]  }
0x42: {  	v5 =	vadd.f32 v12, v5;
	v12 =	vld [tilespmem:s11+$0x7FE0];
	v9 =	vadd.f32 v13, v9  }
0x43: {  	v4 =	vadd.f32 v11, v4;
	v11 =	vld [tilespmem:s11+$0x7FF0];
	v10 =	vadd.f32 v14, v10  }
0x44: {  	v3 =	vadd.f32 v7, v3;
	v7 =	vld [tilespmem:s11+$0x8000];
	v5 =	vadd.f32 v15, v5;
	v9 =	vmul.f32 $1.999999960e-02, v9  }
0x45: {  	s11 =	sshra.s32 s12, $0x2;
	v2 =	vadd.f32 v6, v2;
	v4 =	vadd.f32 v16, v4;
	v6 =	vmul.f32 $1.999999960e-02, v10  }
0x46: {  	v1 =	vadd.f32 v8, v1;
	v3 =	vadd.f32 v17, v3;
	v5 =	vmul.f32 $1.999999960e-02, v5;
	[tilespmem:s11+$0x4000] =	vst v9  }
0x47: {  	v2 =	vadd.f32 v12, v2;
	v4 =	vmul.f32 $1.999999960e-02, v4;
	[tilespmem:s11+$0x4010] =	vst v6  }
0x48: {  	v1 =	vadd.f32 v11, v1;
	v3 =	vmul.f32 $1.999999960e-02, v3;
	[tilespmem:s11+$0x4020] =	vst v5  }
0x49: {  	v0 =	vadd.f32 v7, v0;
	v2 =	vmul.f32 $1.999999960e-02, v2;
	[tilespmem:s11+$0x4030] =	vst v4  }
0x4a: {  	v1 =	vmul.f32 $1.999999960e-02, v1;
	[tilespmem:s11+$0x4040] =	vst v3  }
0x4b: {  	[tilespmem:s11+$0x4050] =	vst v2;
	v0 =	vmul.f32 $1.999999960e-02, v0  }
0x4c: {  	[tilespmem:s11+$0x4060] =	vst v1  }
0x4d: {  	[tilespmem:s11+$0x4070] =	vst v0  }
0x4e: {  	p0 =	seq.s32 s9, $0xF;
	_ =	swait.ge [sflag:s24], $0x1900  }
0x4f: {  	s14 =	simm.s32 @!p0 $0x32;
	s12 =	sshra.s32 @!p0 s12, $0x2;
	[sflag:s24] =	ssyncset.done $0x0  }
0x50: {  	s15 =	simm.s32 @!p0 $0x8000;
	s13 =	sadd.s32 @!p0 $0x400, s12;
	[sflag:s24] =	ssyncadd.s32 $0xFFFFE700  }
0x51: {  	[tilespmem:s15], [sflag:$0x1] =	stream.indirect.gather @!p0 [hbm4b:s2+s14], $0x80, s13, s14, $0xb8;
	[tilespmem:$0x16000] =	vst v63  }
0x52: {  	v8 =	vld [tilespmem:$0x9C00]  }
0x53: {  	v9 =	vld [tilespmem:$0x9C10]  }
0x54: {  	v5 =	vld [tilespmem:$0x9C20]  }
0x55: {  	v4 =	vld [tilespmem:$0x9C30]  }
0x56: {  	v3 =	vld [tilespmem:$0x9C40]  }
0x57: {  	v2 =	vld [tilespmem:$0x9C50]  }
0x58: {  	v1 =	vld [tilespmem:$0x9C60]  }
0x59: {  	s15 =	simm.s32 $0xF0;
	v0 =	vld [tilespmem:$0x9C70]  }
0x5a: {  	v6 =	vld [tilespmem:s15+$0x9C00]  }
0x5b: {  	v10 =	vld [tilespmem:s15+$0x9B90]  }
0x5c: {  	v13 =	vld [tilespmem:s15+$0x9BA0]  }
0x5d: {  	v12 =	vld [tilespmem:s15+$0x9BB0]  }
0x5e: {  	v11 =	vld [tilespmem:s15+$0x9BC0]  }
0x5f: {  	v7 =	vld [tilespmem:s15+$0x9BD0]  }
0x60: {  	v0 =	vadd.f32 v6, v0;
	v6 =	vld [tilespmem:s15+$0x9BE0]  }
0x61: {  	s13 =	simm.s32 $0x170;
	s14 =	simm.s32 $0x7C0;
	v8 =	vadd.f32 v10, v8;
	v9 =	vadd.f32 v13, v9;
	v10 =	vld [tilespmem:s15+$0x9BF0]  }
.LBB2_5:
0x62: {  	p1 =	sne.s32 s14, $0x63C0;
	v13 =	vld [tilespmem:s13+$0x9C00];
	v5 =	vadd.f32 v12, v5  }
0x63: {  	v14 =	vld [tilespmem:s13+$0x9B90];
	v4 =	vadd.f32 v11, v4  }
0x64: {  	v15 =	vld [tilespmem:s13+$0x9BA0];
	v3 =	vadd.f32 v7, v3  }
.Ltmp1:
0x65: {  	v12 =	vld [tilespmem:s13+$0x9BB0];
	v2 =	vadd.f32 v6, v2;
	(pc) =	sbr.rel @p1 .LBB2_5-.Ltmp1, $4  }
0x66: {  	v11 =	vld [tilespmem:s13+$0x9BC0];
	v1 =	vadd.f32 v10, v1  }
0x67: {  	v7 =	vld [tilespmem:s13+$0x9BD0];
	v0 =	vadd.f32 v13, v0  }
0x68: {  	v8 =	vadd.f32 v14, v8;
	v6 =	vld [tilespmem:s13+$0x9BE0]  }
0x69: {  	v9 =	vadd.f32 v15, v9;
	v10 =	vld [tilespmem:s13+$0x9BF0];
	s13 =	sshra.s32 s14, $0x2;
	s14 =	sadd.s32 $0x200, s14  }
0x6a: {  	v13 =	vld [tilespmem:s13+$0x9B90]  }
0x6b: {  	v14 =	vld [tilespmem:s13+$0x9BA0]  }
0x6c: {  	v15 =	vld [tilespmem:s13+$0x9BB0]  }
0x6d: {  	v16 =	vld [tilespmem:s13+$0x9BC0]  }
0x6e: {  	v17 =	vld [tilespmem:s13+$0x9BD0]  }
0x6f: {  	v5 =	vadd.f32 v12, v5;
	v12 =	vld [tilespmem:s13+$0x9BE0];
	v8 =	vadd.f32 v13, v8  }
0x70: {  	v4 =	vadd.f32 v11, v4;
	v11 =	vld [tilespmem:s13+$0x9BF0];
	v9 =	vadd.f32 v14, v9  }
0x71: {  	v3 =	vadd.f32 v7, v3;
	v7 =	vld [tilespmem:s13+$0x9C00];
	v5 =	vadd.f32 v15, v5;
	v8 =	vmul.f32 $1.999999960e-02, v8  }
0x72: {  	v2 =	vadd.f32 v6, v2;
	v4 =	vadd.f32 v16, v4;
	v6 =	vmul.f32 $1.999999960e-02, v9  }
0x73: {  	v1 =	vadd.f32 v10, v1;
	v3 =	vadd.f32 v17, v3;
	v5 =	vmul.f32 $1.999999960e-02, v5;
	[tilespmem:s11+$0x4080] =	vst v8  }
0x74: {  	v2 =	vadd.f32 v12, v2;
	v4 =	vmul.f32 $1.999999960e-02, v4;
	[tilespmem:s11+$0x4090] =	vst v6  }
0x75: {  	v1 =	vadd.f32 v11, v1;
	v3 =	vmul.f32 $1.999999960e-02, v3;
	[tilespmem:s11+$0x40A0] =	vst v5  }
0x76: {  	v0 =	vadd.f32 v7, v0;
	v2 =	vmul.f32 $1.999999960e-02, v2;
	[tilespmem:s11+$0x40B0] =	vst v4  }
0x77: {  	v1 =	vmul.f32 $1.999999960e-02, v1;
	[tilespmem:s11+$0x40C0] =	vst v3  }
0x78: {  	[tilespmem:s11+$0x40D0] =	vst v2;
	v0 =	vmul.f32 $1.999999960e-02, v0  }
0x79: {  	[tilespmem:s11+$0x40E0] =	vst v1  }
0x7a: {  	[tilespmem:s11+$0x40F0] =	vst v0  }
0x7b: {  	_ =	swait.ge [sflag:s25], $0x1900  }
0x7c: {  	s14 =	simm.s32 @!p0 $0x32;
	[sflag:s25] =	ssyncset.done $0x0  }
0x7d: {  	s15 =	simm.s32 @!p0 $0x9C00;
	s13 =	sadd.s32 @!p0 $0x480, s12;
	[sflag:s25] =	ssyncadd.s32 $0xFFFFE700  }
0x7e: {  	[tilespmem:s15], [sflag:$0x2] =	stream.indirect.gather @!p0 [hbm4b:s2+s14], $0x80, s13, s14, $0xb8;
	[tilespmem:$0x16000] =	vst v63  }
0x7f: {  	v8 =	vld [tilespmem:$0xB800]  }
0x80: {  	v9 =	vld [tilespmem:$0xB810]  }
0x81: {  	v5 =	vld [tilespmem:$0xB820]  }
0x82: {  	v4 =	vld [tilespmem:$0xB830]  }
0x83: {  	v3 =	vld [tilespmem:$0xB840]  }
0x84: {  	v2 =	vld [tilespmem:$0xB850]  }
0x85: {  	v1 =	vld [tilespmem:$0xB860]  }
0x86: {  	s15 =	simm.s32 $0xF0;
	v0 =	vld [tilespmem:$0xB870]  }
0x87: {  	v6 =	vld [tilespmem:s15+$0xB800]  }
0x88: {  	v10 =	vld [tilespmem:s15+$0xB790]  }
0x89: {  	v13 =	vld [tilespmem:s15+$0xB7A0]  }
0x8a: {  	v12 =	vld [tilespmem:s15+$0xB7B0]  }
0x8b: {  	v11 =	vld [tilespmem:s15+$0xB7C0]  }
0x8c: {  	v7 =	vld [tilespmem:s15+$0xB7D0]  }
0x8d: {  	v0 =	vadd.f32 v6, v0;
	v6 =	vld [tilespmem:s15+$0xB7E0]  }
0x8e: {  	s13 =	simm.s32 $0x170;
	s14 =	simm.s32 $0x7C0;
	v8 =	vadd.f32 v10, v8;
	v9 =	vadd.f32 v13, v9;
	v10 =	vld [tilespmem:s15+$0xB7F0]  }
.LBB2_7:
0x8f: {  	p1 =	sne.s32 s14, $0x63C0;
	v13 =	vld [tilespmem:s13+$0xB800];
	v5 =	vadd.f32 v12, v5  }
0x90: {  	v14 =	vld [tilespmem:s13+$0xB790];
	v4 =	vadd.f32 v11, v4  }
0x91: {  	v15 =	vld [tilespmem:s13+$0xB7A0];
	v3 =	vadd.f32 v7, v3  }
.Ltmp2:
0x92: {  	v12 =	vld [tilespmem:s13+$0xB7B0];
	v2 =	vadd.f32 v6, v2;
	(pc) =	sbr.rel @p1 .LBB2_7-.Ltmp2, $4  }
0x93: {  	v11 =	vld [tilespmem:s13+$0xB7C0];
	v1 =	vadd.f32 v10, v1  }
0x94: {  	v7 =	vld [tilespmem:s13+$0xB7D0];
	v0 =	vadd.f32 v13, v0  }
0x95: {  	v8 =	vadd.f32 v14, v8;
	v6 =	vld [tilespmem:s13+$0xB7E0]  }
0x96: {  	v9 =	vadd.f32 v15, v9;
	v10 =	vld [tilespmem:s13+$0xB7F0];
	s13 =	sshra.s32 s14, $0x2;
	s14 =	sadd.s32 $0x200, s14  }
0x97: {  	v13 =	vld [tilespmem:s13+$0xB790]  }
0x98: {  	v14 =	vld [tilespmem:s13+$0xB7A0]  }
0x99: {  	v15 =	vld [tilespmem:s13+$0xB7B0]  }
0x9a: {  	v16 =	vld [tilespmem:s13+$0xB7C0]  }
0x9b: {  	v17 =	vld [tilespmem:s13+$0xB7D0]  }
0x9c: {  	v5 =	vadd.f32 v12, v5;
	v12 =	vld [tilespmem:s13+$0xB7E0];
	v8 =	vadd.f32 v13, v8  }
0x9d: {  	v4 =	vadd.f32 v11, v4;
	v11 =	vld [tilespmem:s13+$0xB7F0];
	v9 =	vadd.f32 v14, v9  }
0x9e: {  	v3 =	vadd.f32 v7, v3;
	v7 =	vld [tilespmem:s13+$0xB800];
	v5 =	vadd.f32 v15, v5;
	v8 =	vmul.f32 $1.999999960e-02, v8  }
0x9f: {  	v2 =	vadd.f32 v6, v2;
	v4 =	vadd.f32 v16, v4;
	v6 =	vmul.f32 $1.999999960e-02, v9  }
0xa0: {  	v1 =	vadd.f32 v10, v1;
	v3 =	vadd.f32 v17, v3;
	v5 =	vmul.f32 $1.999999960e-02, v5;
	[tilespmem:s11+$0x4100] =	vst v8  }
0xa1: {  	v2 =	vadd.f32 v12, v2;
	v4 =	vmul.f32 $1.999999960e-02, v4;
	[tilespmem:s11+$0x4110] =	vst v6  }
0xa2: {  	v1 =	vadd.f32 v11, v1;
	v3 =	vmul.f32 $1.999999960e-02, v3;
	[tilespmem:s11+$0x4120] =	vst v5  }
0xa3: {  	v0 =	vadd.f32 v7, v0;
	v2 =	vmul.f32 $1.999999960e-02, v2;
	[tilespmem:s11+$0x4130] =	vst v4  }
0xa4: {  	v1 =	vmul.f32 $1.999999960e-02, v1;
	[tilespmem:s11+$0x4140] =	vst v3  }
0xa5: {  	[tilespmem:s11+$0x4150] =	vst v2;
	v0 =	vmul.f32 $1.999999960e-02, v0  }
0xa6: {  	[tilespmem:s11+$0x4160] =	vst v1  }
0xa7: {  	[tilespmem:s11+$0x4170] =	vst v0  }
0xa8: {  	_ =	swait.ge [sflag:s26], $0x1900  }
0xa9: {  	s14 =	simm.s32 @!p0 $0x32;
	[sflag:s26] =	ssyncset.done $0x0  }
0xaa: {  	s15 =	simm.s32 @!p0 $0xB800;
	s13 =	sadd.s32 @!p0 $0x500, s12;
	[sflag:s26] =	ssyncadd.s32 $0xFFFFE700  }
0xab: {  	[tilespmem:s15], [sflag:$0x3] =	stream.indirect.gather @!p0 [hbm4b:s2+s14], $0x80, s13, s14, $0xb8;
	[tilespmem:$0x16000] =	vst v63  }
0xac: {  	v8 =	vld [tilespmem:$0xD400]  }
0xad: {  	v9 =	vld [tilespmem:$0xD410]  }
0xae: {  	v5 =	vld [tilespmem:$0xD420]  }
0xaf: {  	v4 =	vld [tilespmem:$0xD430]  }
0xb0: {  	v3 =	vld [tilespmem:$0xD440]  }
0xb1: {  	v2 =	vld [tilespmem:$0xD450]  }
0xb2: {  	v1 =	vld [tilespmem:$0xD460]  }
0xb3: {  	s15 =	simm.s32 $0xF0;
	v0 =	vld [tilespmem:$0xD470]  }
0xb4: {  	v6 =	vld [tilespmem:s15+$0xD400]  }
0xb5: {  	v10 =	vld [tilespmem:s15+$0xD390]  }
0xb6: {  	v13 =	vld [tilespmem:s15+$0xD3A0]  }
0xb7: {  	v12 =	vld [tilespmem:s15+$0xD3B0]  }
0xb8: {  	v11 =	vld [tilespmem:s15+$0xD3C0]  }
0xb9: {  	v7 =	vld [tilespmem:s15+$0xD3D0]  }
0xba: {  	v0 =	vadd.f32 v6, v0;
	v6 =	vld [tilespmem:s15+$0xD3E0]  }
0xbb: {  	s13 =	simm.s32 $0x170;
	s14 =	simm.s32 $0x7C0;
	v8 =	vadd.f32 v10, v8;
	v9 =	vadd.f32 v13, v9;
	v10 =	vld [tilespmem:s15+$0xD3F0]  }
.LBB2_9:
0xbc: {  	p1 =	sne.s32 s14, $0x63C0;
	v13 =	vld [tilespmem:s13+$0xD400];
	v5 =	vadd.f32 v12, v5  }
0xbd: {  	v14 =	vld [tilespmem:s13+$0xD390];
	v4 =	vadd.f32 v11, v4  }
0xbe: {  	v15 =	vld [tilespmem:s13+$0xD3A0];
	v3 =	vadd.f32 v7, v3  }
.Ltmp3:
0xbf: {  	v12 =	vld [tilespmem:s13+$0xD3B0];
	v2 =	vadd.f32 v6, v2;
	(pc) =	sbr.rel @p1 .LBB2_9-.Ltmp3, $4  }
0xc0: {  	v11 =	vld [tilespmem:s13+$0xD3C0];
	v1 =	vadd.f32 v10, v1  }
0xc1: {  	v7 =	vld [tilespmem:s13+$0xD3D0];
	v0 =	vadd.f32 v13, v0  }
0xc2: {  	v8 =	vadd.f32 v14, v8;
	v6 =	vld [tilespmem:s13+$0xD3E0]  }
0xc3: {  	v9 =	vadd.f32 v15, v9;
	v10 =	vld [tilespmem:s13+$0xD3F0];
	s13 =	sshra.s32 s14, $0x2;
	s14 =	sadd.s32 $0x200, s14  }
0xc4: {  	v13 =	vld [tilespmem:s13+$0xD390]  }
0xc5: {  	v14 =	vld [tilespmem:s13+$0xD3A0]  }
0xc6: {  	v15 =	vld [tilespmem:s13+$0xD3B0]  }
0xc7: {  	v16 =	vld [tilespmem:s13+$0xD3C0]  }
0xc8: {  	v17 =	vld [tilespmem:s13+$0xD3D0]  }
0xc9: {  	v5 =	vadd.f32 v12, v5;
	v12 =	vld [tilespmem:s13+$0xD3E0];
	v8 =	vadd.f32 v13, v8  }
0xca: {  	v4 =	vadd.f32 v11, v4;
	v11 =	vld [tilespmem:s13+$0xD3F0];
	v9 =	vadd.f32 v14, v9  }
0xcb: {  	v3 =	vadd.f32 v7, v3;
	v7 =	vld [tilespmem:s13+$0xD400];
	v5 =	vadd.f32 v15, v5;
	v8 =	vmul.f32 $1.999999960e-02, v8  }
0xcc: {  	v2 =	vadd.f32 v6, v2;
	v4 =	vadd.f32 v16, v4;
	v6 =	vmul.f32 $1.999999960e-02, v9  }
0xcd: {  	v1 =	vadd.f32 v10, v1;
	v3 =	vadd.f32 v17, v3;
	v5 =	vmul.f32 $1.999999960e-02, v5;
	[tilespmem:s11+$0x4180] =	vst v8  }
0xce: {  	v2 =	vadd.f32 v12, v2;
	v4 =	vmul.f32 $1.999999960e-02, v4;
	[tilespmem:s11+$0x4190] =	vst v6  }
0xcf: {  	v1 =	vadd.f32 v11, v1;
	v3 =	vmul.f32 $1.999999960e-02, v3;
	[tilespmem:s11+$0x41A0] =	vst v5  }
0xd0: {  	v0 =	vadd.f32 v7, v0;
	v2 =	vmul.f32 $1.999999960e-02, v2;
	[tilespmem:s11+$0x41B0] =	vst v4  }
0xd1: {  	v1 =	vmul.f32 $1.999999960e-02, v1;
	[tilespmem:s11+$0x41C0] =	vst v3  }
0xd2: {  	[tilespmem:s11+$0x41D0] =	vst v2;
	v0 =	vmul.f32 $1.999999960e-02, v0  }
0xd3: {  	[tilespmem:s11+$0x41E0] =	vst v1  }
0xd4: {  	[tilespmem:s11+$0x41F0] =	vst v0  }
0xd5: {  	_ =	swait.ge [sflag:s28], $0x1900  }
0xd6: {  	s14 =	simm.s32 @!p0 $0x32;
	[sflag:s28] =	ssyncset.done $0x0  }
0xd7: {  	s15 =	simm.s32 @!p0 $0xD400;
	s13 =	sadd.s32 @!p0 $0x580, s12;
	[sflag:s28] =	ssyncadd.s32 $0xFFFFE700  }
0xd8: {  	[tilespmem:s15], [sflag:$0x4] =	stream.indirect.gather @!p0 [hbm4b:s2+s14], $0x80, s13, s14, $0xb8;
	[tilespmem:$0x16000] =	vst v63  }
0xd9: {  	v8 =	vld [tilespmem:$0xF000]  }
0xda: {  	v9 =	vld [tilespmem:$0xF010]  }
0xdb: {  	v5 =	vld [tilespmem:$0xF020]  }
0xdc: {  	v4 =	vld [tilespmem:$0xF030]  }
0xdd: {  	v3 =	vld [tilespmem:$0xF040]  }
0xde: {  	v2 =	vld [tilespmem:$0xF050]  }
0xdf: {  	v1 =	vld [tilespmem:$0xF060]  }
0xe0: {  	s15 =	simm.s32 $0xF0;
	v0 =	vld [tilespmem:$0xF070]  }
0xe1: {  	v6 =	vld [tilespmem:s15+$0xF000]  }
0xe2: {  	v10 =	vld [tilespmem:s15+$0xEF90]  }
0xe3: {  	v13 =	vld [tilespmem:s15+$0xEFA0]  }
0xe4: {  	v12 =	vld [tilespmem:s15+$0xEFB0]  }
0xe5: {  	v11 =	vld [tilespmem:s15+$0xEFC0]  }
0xe6: {  	v7 =	vld [tilespmem:s15+$0xEFD0]  }
0xe7: {  	v0 =	vadd.f32 v6, v0;
	v6 =	vld [tilespmem:s15+$0xEFE0]  }
0xe8: {  	s13 =	simm.s32 $0x170;
	s14 =	simm.s32 $0x7C0;
	v8 =	vadd.f32 v10, v8;
	v9 =	vadd.f32 v13, v9;
	v10 =	vld [tilespmem:s15+$0xEFF0]  }
.LBB2_11:
0xe9: {  	p1 =	sne.s32 s14, $0x63C0;
	v13 =	vld [tilespmem:s13+$0xF000];
	v5 =	vadd.f32 v12, v5  }
0xea: {  	v14 =	vld [tilespmem:s13+$0xEF90];
	v4 =	vadd.f32 v11, v4  }
0xeb: {  	v15 =	vld [tilespmem:s13+$0xEFA0];
	v3 =	vadd.f32 v7, v3  }
.Ltmp4:
0xec: {  	v12 =	vld [tilespmem:s13+$0xEFB0];
	v2 =	vadd.f32 v6, v2;
	(pc) =	sbr.rel @p1 .LBB2_11-.Ltmp4, $4  }
0xed: {  	v11 =	vld [tilespmem:s13+$0xEFC0];
	v1 =	vadd.f32 v10, v1  }
0xee: {  	v7 =	vld [tilespmem:s13+$0xEFD0];
	v0 =	vadd.f32 v13, v0  }
0xef: {  	v8 =	vadd.f32 v14, v8;
	v6 =	vld [tilespmem:s13+$0xEFE0]  }
0xf0: {  	v9 =	vadd.f32 v15, v9;
	v10 =	vld [tilespmem:s13+$0xEFF0];
	s13 =	sshra.s32 s14, $0x2;
	s14 =	sadd.s32 $0x200, s14  }
0xf1: {  	v13 =	vld [tilespmem:s13+$0xEF90]  }
0xf2: {  	v14 =	vld [tilespmem:s13+$0xEFA0]  }
0xf3: {  	v15 =	vld [tilespmem:s13+$0xEFB0]  }
0xf4: {  	v16 =	vld [tilespmem:s13+$0xEFC0]  }
0xf5: {  	v17 =	vld [tilespmem:s13+$0xEFD0]  }
0xf6: {  	v5 =	vadd.f32 v12, v5;
	v12 =	vld [tilespmem:s13+$0xEFE0];
	v8 =	vadd.f32 v13, v8  }
0xf7: {  	v4 =	vadd.f32 v11, v4;
	v11 =	vld [tilespmem:s13+$0xEFF0];
	v9 =	vadd.f32 v14, v9  }
0xf8: {  	v3 =	vadd.f32 v7, v3;
	v7 =	vld [tilespmem:s13+$0xF000];
	v5 =	vadd.f32 v15, v5;
	v8 =	vmul.f32 $1.999999960e-02, v8  }
0xf9: {  	v2 =	vadd.f32 v6, v2;
	v4 =	vadd.f32 v16, v4;
	v6 =	vmul.f32 $1.999999960e-02, v9  }
0xfa: {  	v1 =	vadd.f32 v10, v1;
	v3 =	vadd.f32 v17, v3;
	v5 =	vmul.f32 $1.999999960e-02, v5;
	[tilespmem:s11+$0x4200] =	vst v8  }
0xfb: {  	v2 =	vadd.f32 v12, v2;
	v4 =	vmul.f32 $1.999999960e-02, v4;
	[tilespmem:s11+$0x4210] =	vst v6  }
0xfc: {  	v1 =	vadd.f32 v11, v1;
	v3 =	vmul.f32 $1.999999960e-02, v3;
	[tilespmem:s11+$0x4220] =	vst v5  }
0xfd: {  	v0 =	vadd.f32 v7, v0;
	v2 =	vmul.f32 $1.999999960e-02, v2;
	[tilespmem:s11+$0x4230] =	vst v4  }
0xfe: {  	v1 =	vmul.f32 $1.999999960e-02, v1;
	[tilespmem:s11+$0x4240] =	vst v3  }
0xff: {  	[tilespmem:s11+$0x4250] =	vst v2;
	v0 =	vmul.f32 $1.999999960e-02, v0  }
0x100: {  	[tilespmem:s11+$0x4260] =	vst v1  }
0x101: {  	[tilespmem:s11+$0x4270] =	vst v0  }
0x102: {  	_ =	swait.ge [sflag:s29], $0x1900  }
0x103: {  	s14 =	simm.s32 @!p0 $0x32;
	[sflag:s29] =	ssyncset.done $0x0  }
0x104: {  	s15 =	simm.s32 @!p0 $0xF000;
	s13 =	sadd.s32 @!p0 $0x600, s12;
	[sflag:s29] =	ssyncadd.s32 $0xFFFFE700  }
0x105: {  	[tilespmem:s15], [sflag:$0x5] =	stream.indirect.gather @!p0 [hbm4b:s2+s14], $0x80, s13, s14, $0xb8;
	[tilespmem:$0x16000] =	vst v63  }
0x106: {  	v8 =	vld [tilespmem:$0x10C00]  }
0x107: {  	v9 =	vld [tilespmem:$0x10C10]  }
0x108: {  	v5 =	vld [tilespmem:$0x10C20]  }
0x109: {  	v4 =	vld [tilespmem:$0x10C30]  }
0x10a: {  	v3 =	vld [tilespmem:$0x10C40]  }
0x10b: {  	v2 =	vld [tilespmem:$0x10C50]  }
0x10c: {  	v1 =	vld [tilespmem:$0x10C60]  }
0x10d: {  	s15 =	simm.s32 $0xF0;
	v0 =	vld [tilespmem:$0x10C70]  }
0x10e: {  	v6 =	vld [tilespmem:s15+$0x10C00]  }
0x10f: {  	v10 =	vld [tilespmem:s15+$0x10B90]  }
0x110: {  	v13 =	vld [tilespmem:s15+$0x10BA0]  }
0x111: {  	v12 =	vld [tilespmem:s15+$0x10BB0]  }
0x112: {  	v11 =	vld [tilespmem:s15+$0x10BC0]  }
0x113: {  	v7 =	vld [tilespmem:s15+$0x10BD0]  }
0x114: {  	v0 =	vadd.f32 v6, v0;
	v6 =	vld [tilespmem:s15+$0x10BE0]  }
0x115: {  	s13 =	simm.s32 $0x170;
	s14 =	simm.s32 $0x7C0;
	v8 =	vadd.f32 v10, v8;
	v9 =	vadd.f32 v13, v9;
	v10 =	vld [tilespmem:s15+$0x10BF0]  }
.LBB2_13:
0x116: {  	p1 =	sne.s32 s14, $0x63C0;
	v13 =	vld [tilespmem:s13+$0x10C00];
	v5 =	vadd.f32 v12, v5  }
0x117: {  	v14 =	vld [tilespmem:s13+$0x10B90];
	v4 =	vadd.f32 v11, v4  }
0x118: {  	v15 =	vld [tilespmem:s13+$0x10BA0];
	v3 =	vadd.f32 v7, v3  }
.Ltmp5:
0x119: {  	v12 =	vld [tilespmem:s13+$0x10BB0];
	v2 =	vadd.f32 v6, v2;
	(pc) =	sbr.rel @p1 .LBB2_13-.Ltmp5, $4  }
0x11a: {  	v11 =	vld [tilespmem:s13+$0x10BC0];
	v1 =	vadd.f32 v10, v1  }
0x11b: {  	v7 =	vld [tilespmem:s13+$0x10BD0];
	v0 =	vadd.f32 v13, v0  }
0x11c: {  	v8 =	vadd.f32 v14, v8;
	v6 =	vld [tilespmem:s13+$0x10BE0]  }
0x11d: {  	v9 =	vadd.f32 v15, v9;
	v10 =	vld [tilespmem:s13+$0x10BF0];
	s13 =	sshra.s32 s14, $0x2;
	s14 =	sadd.s32 $0x200, s14  }
0x11e: {  	v13 =	vld [tilespmem:s13+$0x10B90]  }
0x11f: {  	v14 =	vld [tilespmem:s13+$0x10BA0]  }
0x120: {  	v15 =	vld [tilespmem:s13+$0x10BB0]  }
0x121: {  	v16 =	vld [tilespmem:s13+$0x10BC0]  }
0x122: {  	v17 =	vld [tilespmem:s13+$0x10BD0]  }
0x123: {  	v5 =	vadd.f32 v12, v5;
	v12 =	vld [tilespmem:s13+$0x10BE0];
	v8 =	vadd.f32 v13, v8  }
0x124: {  	v4 =	vadd.f32 v11, v4;
	v11 =	vld [tilespmem:s13+$0x10BF0];
	v9 =	vadd.f32 v14, v9  }
0x125: {  	v3 =	vadd.f32 v7, v3;
	v7 =	vld [tilespmem:s13+$0x10C00];
	v5 =	vadd.f32 v15, v5;
	v8 =	vmul.f32 $1.999999960e-02, v8  }
0x126: {  	v2 =	vadd.f32 v6, v2;
	v4 =	vadd.f32 v16, v4;
	v6 =	vmul.f32 $1.999999960e-02, v9  }
0x127: {  	v1 =	vadd.f32 v10, v1;
	v3 =	vadd.f32 v17, v3;
	v5 =	vmul.f32 $1.999999960e-02, v5;
	[tilespmem:s11+$0x4280] =	vst v8  }
0x128: {  	v2 =	vadd.f32 v12, v2;
	v4 =	vmul.f32 $1.999999960e-02, v4;
	[tilespmem:s11+$0x4290] =	vst v6  }
0x129: {  	v1 =	vadd.f32 v11, v1;
	v3 =	vmul.f32 $1.999999960e-02, v3;
	[tilespmem:s11+$0x42A0] =	vst v5  }
0x12a: {  	v0 =	vadd.f32 v7, v0;
	v2 =	vmul.f32 $1.999999960e-02, v2;
	[tilespmem:s11+$0x42B0] =	vst v4  }
0x12b: {  	v1 =	vmul.f32 $1.999999960e-02, v1;
	[tilespmem:s11+$0x42C0] =	vst v3  }
0x12c: {  	[tilespmem:s11+$0x42D0] =	vst v2;
	v0 =	vmul.f32 $1.999999960e-02, v0  }
0x12d: {  	[tilespmem:s11+$0x42E0] =	vst v1  }
0x12e: {  	[tilespmem:s11+$0x42F0] =	vst v0  }
0x12f: {  	_ =	swait.ge [sflag:s30], $0x1900  }
0x130: {  	s14 =	simm.s32 @!p0 $0x32;
	[sflag:s30] =	ssyncset.done $0x0  }
0x131: {  	s15 =	simm.s32 @!p0 $0x10C00;
	s13 =	sadd.s32 @!p0 $0x680, s12;
	[sflag:s30] =	ssyncadd.s32 $0xFFFFE700  }
0x132: {  	[tilespmem:s15], [sflag:$0x6] =	stream.indirect.gather @!p0 [hbm4b:s2+s14], $0x80, s13, s14, $0xb8;
	[tilespmem:$0x16000] =	vst v63  }
0x133: {  	v8 =	vld [tilespmem:$0x12800]  }
0x134: {  	v9 =	vld [tilespmem:$0x12810]  }
0x135: {  	v5 =	vld [tilespmem:$0x12820]  }
0x136: {  	v4 =	vld [tilespmem:$0x12830]  }
0x137: {  	v3 =	vld [tilespmem:$0x12840]  }
0x138: {  	v2 =	vld [tilespmem:$0x12850]  }
0x139: {  	v1 =	vld [tilespmem:$0x12860]  }
0x13a: {  	s15 =	simm.s32 $0xF0;
	v0 =	vld [tilespmem:$0x12870]  }
0x13b: {  	v6 =	vld [tilespmem:s15+$0x12800]  }
0x13c: {  	v10 =	vld [tilespmem:s15+$0x12790]  }
0x13d: {  	v13 =	vld [tilespmem:s15+$0x127A0]  }
0x13e: {  	v12 =	vld [tilespmem:s15+$0x127B0]  }
0x13f: {  	v11 =	vld [tilespmem:s15+$0x127C0]  }
0x140: {  	v7 =	vld [tilespmem:s15+$0x127D0]  }
0x141: {  	v0 =	vadd.f32 v6, v0;
	v6 =	vld [tilespmem:s15+$0x127E0]  }
0x142: {  	s13 =	simm.s32 $0x170;
	s14 =	simm.s32 $0x7C0;
	v8 =	vadd.f32 v10, v8;
	v9 =	vadd.f32 v13, v9;
	v10 =	vld [tilespmem:s15+$0x127F0]  }
.LBB2_15:
0x143: {  	p1 =	sne.s32 s14, $0x63C0;
	v13 =	vld [tilespmem:s13+$0x12800];
	v5 =	vadd.f32 v12, v5  }
0x144: {  	v14 =	vld [tilespmem:s13+$0x12790];
	v4 =	vadd.f32 v11, v4  }
0x145: {  	v15 =	vld [tilespmem:s13+$0x127A0];
	v3 =	vadd.f32 v7, v3  }
.Ltmp6:
0x146: {  	v12 =	vld [tilespmem:s13+$0x127B0];
	v2 =	vadd.f32 v6, v2;
	(pc) =	sbr.rel @p1 .LBB2_15-.Ltmp6, $4  }
0x147: {  	v11 =	vld [tilespmem:s13+$0x127C0];
	v1 =	vadd.f32 v10, v1  }
0x148: {  	v7 =	vld [tilespmem:s13+$0x127D0];
	v0 =	vadd.f32 v13, v0  }
0x149: {  	v8 =	vadd.f32 v14, v8;
	v6 =	vld [tilespmem:s13+$0x127E0]  }
0x14a: {  	v9 =	vadd.f32 v15, v9;
	v10 =	vld [tilespmem:s13+$0x127F0];
	s13 =	sshra.s32 s14, $0x2;
	s14 =	sadd.s32 $0x200, s14  }
0x14b: {  	v13 =	vld [tilespmem:s13+$0x12790]  }
0x14c: {  	v14 =	vld [tilespmem:s13+$0x127A0]  }
0x14d: {  	v15 =	vld [tilespmem:s13+$0x127B0]  }
0x14e: {  	v16 =	vld [tilespmem:s13+$0x127C0]  }
0x14f: {  	v17 =	vld [tilespmem:s13+$0x127D0]  }
0x150: {  	v5 =	vadd.f32 v12, v5;
	v12 =	vld [tilespmem:s13+$0x127E0];
	v8 =	vadd.f32 v13, v8  }
0x151: {  	v4 =	vadd.f32 v11, v4;
	v11 =	vld [tilespmem:s13+$0x127F0];
	v9 =	vadd.f32 v14, v9  }
0x152: {  	v3 =	vadd.f32 v7, v3;
	v7 =	vld [tilespmem:s13+$0x12800];
	v5 =	vadd.f32 v15, v5;
	v8 =	vmul.f32 $1.999999960e-02, v8  }
0x153: {  	v2 =	vadd.f32 v6, v2;
	v4 =	vadd.f32 v16, v4;
	v6 =	vmul.f32 $1.999999960e-02, v9  }
0x154: {  	v1 =	vadd.f32 v10, v1;
	v3 =	vadd.f32 v17, v3;
	v5 =	vmul.f32 $1.999999960e-02, v5;
	[tilespmem:s11+$0x4300] =	vst v8  }
0x155: {  	v2 =	vadd.f32 v12, v2;
	v4 =	vmul.f32 $1.999999960e-02, v4;
	[tilespmem:s11+$0x4310] =	vst v6  }
0x156: {  	v1 =	vadd.f32 v11, v1;
	v3 =	vmul.f32 $1.999999960e-02, v3;
	[tilespmem:s11+$0x4320] =	vst v5  }
0x157: {  	v0 =	vadd.f32 v7, v0;
	v2 =	vmul.f32 $1.999999960e-02, v2;
	[tilespmem:s11+$0x4330] =	vst v4  }
0x158: {  	v1 =	vmul.f32 $1.999999960e-02, v1;
	[tilespmem:s11+$0x4340] =	vst v3  }
0x159: {  	[tilespmem:s11+$0x4350] =	vst v2;
	v0 =	vmul.f32 $1.999999960e-02, v0  }
0x15a: {  	[tilespmem:s11+$0x4360] =	vst v1  }
0x15b: {  	[tilespmem:s11+$0x4370] =	vst v0  }
0x15c: {  	_ =	swait.ge [sflag:s31], $0x1900  }
0x15d: {  	s13 =	simm.s32 @!p0 $0x12800;
	[sflag:s31] =	ssyncset.done $0x0  }
0x15e: {  	s11 =	sadd.s32 @!p0 $0x700, s12;
	s12 =	simm.s32 @!p0 $0x32;
	[sflag:s31] =	ssyncadd.s32 $0xFFFFE700  }
0x15f: {  	[tilespmem:s13], [sflag:$0x7] =	stream.indirect.gather @!p0 [hbm4b:s2+s12], $0x80, s11, s12, $0xb8;
	[tilespmem:$0x16000] =	vst v63  }
0x160: {  	v8 =	vld [tilespmem:$0x14400]  }
0x161: {  	v9 =	vld [tilespmem:$0x14410]  }
0x162: {  	v5 =	vld [tilespmem:$0x14420]  }
0x163: {  	v4 =	vld [tilespmem:$0x14430]  }
0x164: {  	v3 =	vld [tilespmem:$0x14440]  }
0x165: {  	v2 =	vld [tilespmem:$0x14450]  }
0x166: {  	v1 =	vld [tilespmem:$0x14460]  }
0x167: {  	s15 =	simm.s32 $0xF0;
	v0 =	vld [tilespmem:$0x14470]  }
0x168: {  	v6 =	vld [tilespmem:s15+$0x14400]  }
0x169: {  	v10 =	vld [tilespmem:s15+$0x14390]  }
0x16a: {  	v13 =	vld [tilespmem:s15+$0x143A0]  }
0x16b: {  	v12 =	vld [tilespmem:s15+$0x143B0]  }
0x16c: {  	v11 =	vld [tilespmem:s15+$0x143C0]  }
0x16d: {  	v7 =	vld [tilespmem:s15+$0x143D0]  }
0x16e: {  	v0 =	vadd.f32 v6, v0;
	v6 =	vld [tilespmem:s15+$0x143E0]  }
0x16f: {  	s11 =	simm.s32 $0x170;
	s12 =	simm.s32 $0x7C0;
	v8 =	vadd.f32 v10, v8;
	v9 =	vadd.f32 v13, v9;
	v10 =	vld [tilespmem:s15+$0x143F0]  }
.LBB2_17:
0x170: {  	p0 =	sne.s32 s12, $0x63C0;
	v13 =	vld [tilespmem:s11+$0x14400];
	v5 =	vadd.f32 v12, v5  }
0x171: {  	v14 =	vld [tilespmem:s11+$0x14390];
	v4 =	vadd.f32 v11, v4  }
0x172: {  	v15 =	vld [tilespmem:s11+$0x143A0];
	v3 =	vadd.f32 v7, v3  }
.Ltmp7:
0x173: {  	v12 =	vld [tilespmem:s11+$0x143B0];
	v2 =	vadd.f32 v6, v2;
	(pc) =	sbr.rel @p0 .LBB2_17-.Ltmp7, $4  }
0x174: {  	v11 =	vld [tilespmem:s11+$0x143C0];
	v1 =	vadd.f32 v10, v1  }
0x175: {  	v7 =	vld [tilespmem:s11+$0x143D0];
	v0 =	vadd.f32 v13, v0  }
0x176: {  	v8 =	vadd.f32 v14, v8;
	v6 =	vld [tilespmem:s11+$0x143E0]  }
0x177: {  	v9 =	vadd.f32 v15, v9;
	v10 =	vld [tilespmem:s11+$0x143F0];
	s11 =	sshra.s32 s12, $0x2;
	s12 =	sadd.s32 $0x200, s12  }
0x178: {  	v13 =	vld [tilespmem:s11+$0x14390]  }
0x179: {  	v14 =	vld [tilespmem:s11+$0x143A0]  }
0x17a: {  	v15 =	vld [tilespmem:s11+$0x143B0]  }
0x17b: {  	v16 =	vld [tilespmem:s11+$0x143C0]  }
0x17c: {  	v17 =	vld [tilespmem:s11+$0x143D0]  }
0x17d: {  	v5 =	vadd.f32 v12, v5;
	v60 =	vld [tilespmem:s11+$0x143E0];
	v8 =	vadd.f32 v13, v8  }
0x17e: {  	v62 =	vld [tilespmem:s11+$0x14400];
	v4 =	vadd.f32 v11, v4;
	v9 =	vadd.f32 v14, v9  }
0x17f: {  	v61 =	vld [tilespmem:s11+$0x143F0];
	v3 =	vadd.f32 v7, v3;
	v5 =	vadd.f32 v15, v5;
	v8 =	vmul.f32 $1.999999960e-02, v8  }
0x180: {  	v2 =	vadd.f32 v6, v2;
	v4 =	vadd.f32 v16, v4;
	v63 =	vmul.f32 $1.999999960e-02, v9  }
0x181: {  	v3 =	vadd.f32 v17, v3;
	v5 =	vmul.f32 $1.999999960e-02, v5;
	[tilespmem:s10+$0x4000] =	vst v8  }
0x182: {  	s9 =	sadd.s32 $0x1, s9;
	v1 =	vadd.f32 v10, v1;
	v2 =	vadd.f32 v60, v2;
	v4 =	vmul.f32 $1.999999960e-02, v4;
	[tilespmem:s10+$0x4010] =	vst v63  }
0x183: {  	p0 =	sne.s32 s9, $0x10;
	v0 =	vadd.f32 v62, v0;
	v3 =	vmul.f32 $1.999999960e-02, v3;
	[tilespmem:s10+$0x4020] =	vst v5  }
.Ltmp8:
0x184: {  	v1 =	vadd.f32 v61, v1;
	v2 =	vmul.f32 $1.999999960e-02, v2;
	[tilespmem:s10+$0x4030] =	vst v4;
	(pc) =	sbr.rel @p0 .LBB2_2-.Ltmp8, $4  }
0x185: {  	v0 =	vmul.f32 $1.999999960e-02, v0;
	[tilespmem:s10+$0x4040] =	vst v3  }
0x186: {  	v1 =	vmul.f32 $1.999999960e-02, v1;
	[tilespmem:s10+$0x4050] =	vst v2  }
0x187: {  	[tilespmem:s10+$0x4070] =	vst v0  }
0x188: {  	[tilespmem:s10+$0x4060] =	vst v1  }
0x189: {  	s1 =	sadd.s32 $0x1, s1  }
0x18a: {  	p0 =	sne.s32 s1, s6  }
.Ltmp9:
0x18b: {  	_ = 	snop;
	(pc) =	sbr.rel @p0 .LBB2_1-.Ltmp9, $4  }
0x18c: {  	[hbm4b:s5+s3] =	stream.linear.scatter [tilespmem:s0], [sflag:$0x9], $0x4000, $0x38;
	[tilespmem:$0x16000] =	vst v63  }
0x18d: {  	_ =	swait.ge [sflag:s7], $0x4000  }
0x18e: {  	[sflag:s7] =	ssyncset.done $0x0  }
0x18f: {  	[sflag:s7] =	ssyncadd.s32 $0xFFFFC000  }
0x190: {  	_ =	sfence.sel $0x180000  }
0x191: {  	[bflag:$0x0] =	sbarrier.arrive $0xFFFF  }
0x192: {  	_ =	strace $0x90000047  }
0x193: {  	s0 =	stileid.u32;
	[bflag:$0x2] =	sbarrier.arrive $0xFFFF  }
0x194: {  	p0 =	sne.s32 s0, $0x0;
	s0 =	rddreg [dreg:$0x3]  }
0x195: {  	s0 =	sadd.s32 @!p0 $0x100000, s0  }
0x196: {  	[sflag:s0] =	ssyncadd.tile.s32 @!p0 $0x1;
	_ =	shalt  }
.Lfunc_end2:
_tile_overlayer_lowered:
.L_overlay_start_2:
0x197: {  	(tag) =	ssettag $0x2  }
0x198: {  	s0 =	rddreg [dreg:$0x0];
	s2 =	stileid.u32  }
0x199: {  	s1 =	rddreg [dreg:$0x1];
	p0 =	sne.s32 s2, $0x0  }
0x19a: {  	s3 =	rddreg [dreg:$0x2];
	[bflag:$0x3] =	sbarrier.arrive $0xFFFF;
	s2 =	simm.s32 @!p0 $0x1C09  }
0x19b: {  	[timem:s3], [sflag:s2] =	dma.local @!p0 [hbm:s0], s1  }
0x19c: {  	s0 =	simm.s32 @!p0 $0x9  }
0x19d: {  	_ =	swait.ge @!p0 [sflag:s0], s1  }
0x19e: {  	s1 =	ssub.s32 @!p0 $0x0, s1;
	[sflag:s0] =	ssyncset.done @!p0 $0x0  }
0x19f: {  	[sflag:s0] =	ssyncadd.s32 @!p0 s1  }
0x1a0: {  	[bflag:$0x3] =	sbarrier.arrive $0xFFFF  }
0x1a1: {  	_ =	shalt  }

</sc_bundles>
